<compile_context>
chip_gen: v7x
topology: tpu7x:2x2x1
jax: 0.10.2.dev20260603
libtpu: 0.0.44.dev20260713+nightly
codegen_flags: <defaults>
</compile_context>

<pallas_src>
import functools

import jax
import jax.numpy as jnp
from jax import lax
from jax.experimental import pallas as pl
from jax.experimental.pallas import tpu as pltpu
from jax.experimental.pallas import tpu_sc as plsc

B, N, H, D = 128, 64, 32, 768
NUM_HOPS = 5
ATOM_VOCAB = 512 * 9 + 1
EDGE_VOCAB = 512 * 3 + 1
DEG_VOCAB = 512
NPAT = 1 << NUM_HOPS

NPOS = N * N
NCHUNK = 8
CHUNK = NPOS // NCHUNK

NC, NS = 2, 16
NW = NC * NS

BB = 8


def _apow_body(adj_ref, pat_ref, explored_ref):
    a32 = adj_ref[...]
    a16 = a32.astype(jnp.bfloat16)
    ak = a16
    acc = a32
    pat = jnp.zeros_like(a32)
    for hop in range(NUM_HOPS):
        pat = pat + float(1 << hop) * ak.astype(jnp.float32)
        prod = lax.dot_general(
            ak, a16,
            dimension_numbers=(((2,), (1,)), ((0,), (0,))),
            preferred_element_type=jnp.float32)
        akn = jnp.minimum(prod, 1.0)
        acc = acc + akn
        ak = akn.astype(jnp.bfloat16)
    pat_ref[...] = pat.astype(jnp.int32)
    explored_ref[...] = (acc > 0).astype(jnp.float32)


_apow_call = pl.pallas_call(
    _apow_body,
    grid=(B // BB,),
    in_specs=[pl.BlockSpec((BB, N, N), lambda i: (i, 0, 0))],
    out_specs=[
        pl.BlockSpec((BB, N, N), lambda i: (i, 0, 0)),
        pl.BlockSpec((BB, N, N), lambda i: (i, 0, 0)),
    ],
    out_shape=[
        jax.ShapeDtypeStruct((B, N, N), jnp.int32),
        jax.ShapeDtypeStruct((B, N, N), jnp.float32),
    ],
)

PAIRS = B * N
PPW = PAIRS // NW
CP = 4
AROWS = CP * 9
NCHN = PPW // CP

_sc_mesh = plsc.VectorSubcoreMesh(core_axis_name="c", subcore_axis_name="s")


@functools.partial(
    pl.kernel,
    mesh=_sc_mesh,
    out_type=jax.ShapeDtypeStruct((PAIRS, D), jnp.float32),
    compiler_params=pltpu.CompilerParams(
        needs_layout_passes=False, use_tc_tiling_on_sc=False,
        disable_bounds_checks=True),
    scratch_types=[
        pltpu.VMEM((NCHN, AROWS), jnp.int32),
        pltpu.VMEM((NCHN, CP), jnp.int32),
        pltpu.VMEM((2, AROWS, D), jnp.float32),
        pltpu.VMEM((2, CP, D), jnp.float32),
        pltpu.VMEM((CP, D), jnp.float32),
        pltpu.SemaphoreType.DMA,
        pltpu.SemaphoreType.DMA,
    ],
)
def _node_gather(atab_hbm, dtab_hbm, aidx_hbm, didx_hbm, out_hbm,
                 aidx_v, didx_v, arows_v, drows_v, out_v, sem0, sem1):
    wid = lax.axis_index("s") * NC + lax.axis_index("c")
    pltpu.sync_copy(aidx_hbm.at[wid], aidx_v)
    pltpu.sync_copy(didx_hbm.at[wid], didx_v)
    sems = (sem0, sem1)

    def fire(c, buf):
        pltpu.async_copy(atab_hbm.at[aidx_v.at[c]], arows_v.at[buf],
                         sems[buf])
        pltpu.async_copy(dtab_hbm.at[didx_v.at[c]], drows_v.at[buf],
                         sems[buf])

    fire(0, 0)

    def chunk2(cc, carry):
        for buf in range(2):
            c = cc * 2 + buf
            pltpu.make_async_copy(atab_hbm.at[aidx_v.at[c]],
                                  arows_v.at[buf], sems[buf]).wait()
            pltpu.make_async_copy(dtab_hbm.at[didx_v.at[c]],
                                  drows_v.at[buf], sems[buf]).wait()

            @pl.when(c + 1 < NCHN)
            def _():
                fire(c + 1, 1 - buf)

            for p in range(CP):
                def dloop(j, carry2):
                    sl = pl.ds(j * 16, 16)
                    acc = drows_v[buf, p, sl]
                    for k in range(9):
                        acc = acc + arows_v[buf, p * 9 + k, sl]
                    out_v[p, sl] = acc
                    return carry2
                lax.fori_loop(0, D // 16, dloop, 0)
            pltpu.sync_copy(
                out_v, out_hbm.at[pl.ds(wid * PPW + c * CP, CP), :])
        return carry

    lax.fori_loop(0, NCHN // 2, chunk2, 0)


BPW = B // NW


@functools.partial(
    pl.kernel,
    mesh=_sc_mesh,
    out_type=jax.ShapeDtypeStruct((B, H, NPOS), jnp.float32),
    compiler_params=pltpu.CompilerParams(
        needs_layout_passes=False, use_tc_tiling_on_sc=False,
        disable_bounds_checks=True),
    scratch_types=[
        pltpu.VMEM((EDGE_VOCAB, H), jnp.float32),
        pltpu.VMEM((3, CHUNK), jnp.int32),
        pltpu.VMEM((CHUNK,), jnp.int32),
        pltpu.VMEM((H, CHUNK), jnp.float32),
        pltpu.VMEM((H, CHUNK), jnp.float32),
        pltpu.VMEM((NPAT, H), jnp.float32),
        pltpu.SemaphoreType.DMA,
    ],
)
def _edge_merge(tab_hbm, eidx_hbm, pos_hbm, pat_hbm, faclut_hbm, att_hbm,
                tab_v, eidx_v, pat_v, pos_v, out_v, faclut_v, sem):
    wid = lax.axis_index("s") * NC + lax.axis_index("c")
    pltpu.sync_copy(tab_hbm, tab_v)
    pltpu.sync_copy(faclut_hbm, faclut_v)

    def body(t, carry):
        b = wid * BPW + t // NCHUNK
        c = t % NCHUNK
        pltpu.sync_copy(eidx_hbm.at[b, c], eidx_v)
        pltpu.sync_copy(pat_hbm.at[b, pl.ds(c * CHUNK, CHUNK)], pat_v)
        pltpu.sync_copy(pos_hbm.at[b, :, pl.ds(c * CHUNK, CHUNK)], pos_v)

        def group(g, carry2):
            sl = pl.ds(g * 16, 16)
            e0 = eidx_v[0, sl]
            e1 = eidx_v[1, sl]
            e2 = eidx_v[2, sl]
            pat = pat_v[sl]
            HB = 4

            def loads(hb):
                hs = [jnp.full((16,), hb + i, jnp.int32) for i in range(HB)]
                fs = [plsc.load_gather(faclut_v, [pat, hs[i]])
                      for i in range(HB)]
                p_s = [pos_v[hb + i, sl] for i in range(HB)]
                g0s = [plsc.load_gather(tab_v, [e0, hs[i]]) for i in range(HB)]
                g1s = [plsc.load_gather(tab_v, [e1, hs[i]]) for i in range(HB)]
                g2s = [plsc.load_gather(tab_v, [e2, hs[i]]) for i in range(HB)]
                return fs, p_s, g0s, g1s, g2s

            cur = loads(0)
            for hb in range(0, H, HB):
                nxt = loads(hb + HB) if hb + HB < H else None
                fs, p_s, g0s, g1s, g2s = cur
                for i in range(HB):
                    out_v[hb + i, sl] = (
                        (p_s[i] + g0s[i] + g1s[i] + g2s[i]) * fs[i])
                cur = nxt
            return carry2

        lax.fori_loop(0, CHUNK // 16, group, 0)

        pltpu.sync_copy(out_v, att_hbm.at[b, :, pl.ds(c * CHUNK, CHUNK)])
        return carry

    lax.fori_loop(0, BPW * NCHUNK, body, 0)


def kernel(node_feat_idx, degree, edge_feat_idx, adj, position_bias,
           atom_table, edge_table, degree_table, node_vnode,
           node_vnode_distance, diffusion_weight):
    aidx = node_feat_idx.astype(jnp.int32).reshape(NW, NCHN, AROWS)
    didx = degree.astype(jnp.int32).reshape(NW, NCHN, CP)
    node_features = _node_gather(
        atom_table, degree_table, aidx, didx).reshape(B, N, D)

    pat, explored = _apow_call(adj)
    pat2 = pat.reshape(B, NPOS)
    bits = ((jnp.arange(NPAT)[:, None] >> jnp.arange(NUM_HOPS)[None, :])
            & 1).astype(jnp.float32)
    faclut = 1.0 + bits @ diffusion_weight
    eidx4 = edge_feat_idx.astype(jnp.int32).reshape(
        B, NCHUNK, CHUNK, 3).transpose(0, 1, 3, 2)
    pos3 = position_bias.reshape(B, H, NPOS)
    att3 = _edge_merge(edge_table, eidx4, pos3, pat2, faclut)
    att_bias = att3.reshape(B, H, N, N)
    return (node_features, att_bias, explored, node_vnode,
            node_vnode_distance)

# --- scband reference (transcript-rebuilt; emitter-appended) ---
"""Pipeline reference for scband-node-edge-embedding-26259430048719 (READ-ONLY COPY).

The authoritative reference and input builder live on the scoring server;
editing this copy changes nothing except your own understanding.
"""

import jax, jax.numpy as jnp
import numpy as np

B, N, H, D = 128, 64, 32, 768
NUM_HOPS = 5
ATOM_VOCAB = 512 * 9 + 1
EDGE_VOCAB = 512 * 3 + 1
DEG_VOCAB = 512


def setup_inputs(seed: int = 0) -> dict:
    key = jax.random.key(seed)
    ks = jax.random.split(key, 12)
    node_feat_idx = jax.random.randint(ks[0], (B, N, 9), 0, ATOM_VOCAB)
    degree = jax.random.randint(ks[1], (B, N), 0, DEG_VOCAB)
    edge_feat_idx = jax.random.randint(ks[2], (B, N, N, 3), 0, EDGE_VOCAB)
    adj = (jax.random.uniform(ks[3], (B, N, N)) < 0.1).astype(jnp.float32)
    position_bias = jax.random.normal(ks[4], (B, H, N, N), dtype=jnp.float32)
    atom_table = (jax.random.normal(ks[5], (ATOM_VOCAB, D), dtype=jnp.float32) * 0.02).at[0].set(0.0)
    edge_table = (jax.random.normal(ks[6], (EDGE_VOCAB, H), dtype=jnp.float32) * 0.02).at[0].set(0.0)
    degree_table = (jax.random.normal(ks[7], (DEG_VOCAB, D), dtype=jnp.float32) * 0.02).at[0].set(0.0)
    node_vnode = jax.random.normal(ks[8], (1, D), dtype=jnp.float32) * 0.02
    node_vnode_distance = jax.random.normal(ks[9], (1, H), dtype=jnp.float32) * 0.02
    diffusion_weight = jax.random.normal(ks[10], (NUM_HOPS, H), dtype=jnp.float32) * 0.5
    return {
        "node_feat_idx": node_feat_idx,
        "degree": degree,
        "edge_feat_idx": edge_feat_idx,
        "adj": adj,
        "position_bias": position_bias,
        "atom_table": atom_table,
        "edge_table": edge_table,
        "degree_table": degree_table,
        "node_vnode": node_vnode,
        "node_vnode_distance": node_vnode_distance,
        "diffusion_weight": diffusion_weight,
    }


def reference(node_feat_idx, degree, edge_feat_idx, adj, position_bias,
              atom_table, edge_table, degree_table, node_vnode,
              node_vnode_distance, diffusion_weight):
    # atom encoder: gather per-feature embeddings, sum over the 9 atom features
    node_features = jnp.take(atom_table, node_feat_idx, axis=0).sum(axis=-2)
    # degree encoder
    node_features = node_features + jnp.take(degree_table, degree, axis=0)
    # edge encoder: gather per-bond-feature embeddings -> [B, N, N, H]
    edge_features = jnp.take(edge_table, edge_feat_idx, axis=0).sum(axis=-2)
    # dropout is identity in eval mode
    # node_edge_features_switch: fold edge features into per-head attention bias
    edge_bias = jnp.transpose(edge_features, (0, 3, 1, 2))  # [B, H, N, N]
    merged_bias = position_bias + edge_bias
    # graph_diffusion: multi-hop BFS-weighted propagation of the bias
    Ak = adj
    bfs = jnp.zeros_like(merged_bias)
    explored = adj > 0
    for hop in range(NUM_HOPS):
        bfs = bfs + diffusion_weight[hop][None, :, None, None] * (Ak[:, None, :, :] * merged_bias)
        Ak = jnp.clip(jnp.matmul(Ak, adj), 0.0, 1.0)
        explored = explored | (Ak > 0)
    att_bias = merged_bias + bfs
    return (node_features, att_bias, explored.astype(jnp.float32),
            node_vnode, node_vnode_distance)

if __name__ == "__main__":
    import jax
    _d = setup_inputs()
    print(jax.jit(kernel)(*tuple(_d.values())))

</pallas_src>

<mosaic_0001>
#map = affine_map<(d0, d1) -> (0, 0)>
#map1 = affine_map<(d0, d1) -> (0, 0, 0, 0)>
#map2 = affine_map<(d0, d1) -> (0, 0, 0)>
module attributes {stable_mosaic.version = 14 : i64} {
  func.func @_edge_merge(%arg0: i32, %arg1: i32, %arg2: memref<1537x32xf32, #tpu.memory_space<hbm>>, %arg3: memref<128x8x3x512xi32, #tpu.memory_space<hbm>>, %arg4: memref<128x32x4096xf32, #tpu.memory_space<hbm>>, %arg5: memref<128x4096xi32, #tpu.memory_space<hbm>>, %arg6: memref<32x32xf32, #tpu.memory_space<hbm>>, %arg7: memref<128x32x4096xf32, #tpu.memory_space<hbm>>, %arg8: memref<1537x32xf32, #tpu.memory_space<vmem>>, %arg9: memref<3x512xi32, #tpu.memory_space<vmem>>, %arg10: memref<512xi32, #tpu.memory_space<vmem>>, %arg11: memref<32x512xf32, #tpu.memory_space<vmem>>, %arg12: memref<32x512xf32, #tpu.memory_space<vmem>>, %arg13: memref<32x32xf32, #tpu.memory_space<vmem>>, %arg14: memref<!tpu.dma_semaphore, #tpu.memory_space<semaphore_mem>>) attributes {dimension_semantics = [#tpu.dimension_semantics<core_parallel>, #tpu.dimension_semantics<subcore_parallel>], iteration_bounds = array<i64: 2, 16>, scalar_prefetch = 0 : i64, scratch_operands = 7 : i64, tpu.core_type = #tpu.core_type<sc_vector_subcore>, window_params = [{transform_indices = #map}, {transform_indices = #map1}, {transform_indices = #map2}, {transform_indices = #map}, {transform_indices = #map}, {transform_indices = #map2}]} {
    %mul3A = arith.constant 2 : i32
    %mul3A_0 = arith.muli %arg1, %mul3A : i32
    %add3A = arith.addi %mul3A_0, %arg0 : i32
    "tpu.region"() ({
      %run_scoped3A = tpu.sem_alloc : memref<!tpu.dma_semaphore, #tpu.memory_space<semaphore_mem>>
      tpu.enqueue_dma source(%arg2 : memref<1537x32xf32, #tpu.memory_space<hbm>>) target(%arg8 : memref<1537x32xf32, #tpu.memory_space<vmem>>) target_semaphore(%run_scoped3A : memref<!tpu.dma_semaphore, #tpu.memory_space<semaphore_mem>>)
      tpu.wait_dma2 semaphore(%run_scoped3A : memref<!tpu.dma_semaphore, #tpu.memory_space<semaphore_mem>>) src(%arg2 : memref<1537x32xf32, #tpu.memory_space<hbm>>) dst(%arg8 : memref<1537x32xf32, #tpu.memory_space<vmem>>)
      tpu.yield
    }) : () -> ()
    "tpu.region"() ({
      %run_scoped3A = tpu.sem_alloc : memref<!tpu.dma_semaphore, #tpu.memory_space<semaphore_mem>>
      tpu.enqueue_dma source(%arg6 : memref<32x32xf32, #tpu.memory_space<hbm>>) target(%arg13 : memref<32x32xf32, #tpu.memory_space<vmem>>) target_semaphore(%run_scoped3A : memref<!tpu.dma_semaphore, #tpu.memory_space<semaphore_mem>>)
      tpu.wait_dma2 semaphore(%run_scoped3A : memref<!tpu.dma_semaphore, #tpu.memory_space<semaphore_mem>>) src(%arg6 : memref<32x32xf32, #tpu.memory_space<hbm>>) dst(%arg13 : memref<32x32xf32, #tpu.memory_space<vmem>>)
      tpu.yield
    }) : () -> ()
    %scan3A = arith.constant 0 : i32
    %scan3A_1 = arith.constant 0 : i32
    %scan3A_2 = arith.constant 32 : i32
    %scan3A_3 = arith.addi %scan3A_1, %scan3A_2 : i32
    %scan3A_4 = arith.constant 1 : i32
    scf.for %scan3A_6 = %scan3A_1 to %scan3A_3 step %scan3A_4  : i32 {
      %mul3A_7 = arith.constant 4 : i32
      %mul3A_8 = arith.muli %add3A, %mul3A_7 : i32
      %jit3A = arith.constant 8 : i32
      %div3A = arith.divsi %scan3A_6, %jit3A : i32
      %sign3A = arith.constant 0 : i32
      %sign3A_9 = arith.cmpi sgt, %scan3A_6, %sign3A : i32
      %sign3A_10 = arith.extui %sign3A_9 : i1 to i32
      %sign3A_11 = arith.constant 0 : i32
      %sign3A_12 = arith.cmpi slt, %scan3A_6, %sign3A_11 : i32
      %sign3A_13 = arith.extui %sign3A_12 : i1 to i32
      %sign3A_14 = arith.subi %sign3A_10, %sign3A_13 : i32
      %sign3A_15 = arith.constant 0 : i32
      %sign3A_16 = arith.cmpi sgt, %jit3A, %sign3A_15 : i32
      %sign3A_17 = arith.extui %sign3A_16 : i1 to i32
      %sign3A_18 = arith.constant 0 : i32
      %sign3A_19 = arith.cmpi slt, %jit3A, %sign3A_18 : i32
      %sign3A_20 = arith.extui %sign3A_19 : i1 to i32
      %sign3A_21 = arith.subi %sign3A_17, %sign3A_20 : i32
      %ne3A = arith.cmpi ne, %sign3A_14, %sign3A_21 : i32
      %rem3A = arith.remsi %scan3A_6, %jit3A : i32
      %ne3A_22 = arith.constant 0 : i32
      %ne3A_23 = arith.cmpi ne, %rem3A, %ne3A_22 : i32
      %and3A = arith.andi %ne3A, %ne3A_23 : i1
      %sub3A = arith.constant 1 : i32
      %sub3A_24 = arith.subi %div3A, %sub3A : i32
      %select_n3A = arith.select %and3A, %sub3A_24, %div3A : i32
      %add3A_25 = arith.addi %mul3A_8, %select_n3A : i32
      %jit3A_26 = arith.constant 8 : i32
      %eq3A = arith.constant 0 : i32
      %eq3A_27 = arith.cmpi eq, %jit3A_26, %eq3A : i32
      %jit3A_28 = arith.constant 1 : i32
      %select_n3A_29 = arith.select %eq3A_27, %jit3A_28, %jit3A_26 : i32
      %rem3A_30 = arith.remsi %scan3A_6, %select_n3A_29 : i32
      %ne3A_31 = arith.constant 0 : i32
      %ne3A_32 = arith.cmpi ne, %rem3A_30, %ne3A_31 : i32
      %lt3A = arith.constant 0 : i32
      %lt3A_33 = arith.cmpi slt, %rem3A_30, %lt3A : i32
      %lt3A_34 = arith.constant 0 : i32
      %lt3A_35 = arith.cmpi slt, %select_n3A_29, %lt3A_34 : i32
      %ne3A_36 = arith.xori %lt3A_33, %lt3A_35 : i1
      %and3A_37 = arith.andi %ne3A_36, %ne3A_32 : i1
      %add3A_38 = arith.addi %rem3A_30, %select_n3A_29 : i32
      %select_n3A_39 = arith.select %and3A_37, %add3A_38, %rem3A_30 : i32
      "tpu.region"() ({
        %run_scoped3A = tpu.sem_alloc : memref<!tpu.dma_semaphore, #tpu.memory_space<semaphore_mem>>
        %dma_start3A = arith.constant 0 : i32
        %dma_start3A_52 = arith.constant 0 : i32
        %dma_start3A_53 = tpu.memref_slice %arg3[%add3A_25, %select_n3A_39, %dma_start3A, %dma_start3A_52] : memref<128x8x3x512xi32, #tpu.memory_space<hbm>> -> memref<1x1x3x512xi32, #tpu.memory_space<hbm>>
        %dma_start3A_54 = tpu.memref_squeeze %dma_start3A_53 : memref<1x1x3x512xi32, #tpu.memory_space<hbm>> -> memref<3x512xi32, #tpu.memory_space<hbm>>
        %dma_start3A_55 = arith.constant 0 : i32
        %dma_start3A_56 = arith.constant 0 : i32
        %dma_start3A_57 = tpu.memref_slice %arg3[%add3A_25, %select_n3A_39, %dma_start3A_55, %dma_start3A_56] : memref<128x8x3x512xi32, #tpu.memory_space<hbm>> -> memref<1x1x3x512xi32, #tpu.memory_space<hbm>>
        %dma_start3A_58 = tpu.memref_squeeze %dma_start3A_57 : memref<1x1x3x512xi32, #tpu.memory_space<hbm>> -> memref<3x512xi32, #tpu.memory_space<hbm>>
        tpu.enqueue_dma source(%dma_start3A_58 : memref<3x512xi32, #tpu.memory_space<hbm>>) target(%arg9 : memref<3x512xi32, #tpu.memory_space<vmem>>) target_semaphore(%run_scoped3A : memref<!tpu.dma_semaphore, #tpu.memory_space<semaphore_mem>>)
        %dma_wait3A = arith.constant 0 : i32
        %dma_wait3A_59 = arith.constant 0 : i32
        %dma_wait3A_60 = tpu.memref_slice %arg3[%add3A_25, %select_n3A_39, %dma_wait3A, %dma_wait3A_59] : memref<128x8x3x512xi32, #tpu.memory_space<hbm>> -> memref<1x1x3x512xi32, #tpu.memory_space<hbm>>
        %dma_wait3A_61 = tpu.memref_squeeze %dma_wait3A_60 : memref<1x1x3x512xi32, #tpu.memory_space<hbm>> -> memref<3x512xi32, #tpu.memory_space<hbm>>
        %dma_wait3A_62 = arith.constant 0 : i32
        %dma_wait3A_63 = arith.constant 0 : i32
        %dma_wait3A_64 = tpu.memref_slice %arg3[%add3A_25, %select_n3A_39, %dma_wait3A_62, %dma_wait3A_63] : memref<128x8x3x512xi32, #tpu.memory_space<hbm>> -> memref<1x1x3x512xi32, #tpu.memory_space<hbm>>
        %dma_wait3A_65 = tpu.memref_squeeze %dma_wait3A_64 : memref<1x1x3x512xi32, #tpu.memory_space<hbm>> -> memref<3x512xi32, #tpu.memory_space<hbm>>
        tpu.wait_dma2 semaphore(%run_scoped3A : memref<!tpu.dma_semaphore, #tpu.memory_space<semaphore_mem>>) src(%dma_wait3A_65 : memref<3x512xi32, #tpu.memory_space<hbm>>) dst(%arg9 : memref<3x512xi32, #tpu.memory_space<vmem>>)
        tpu.yield
      }) : () -> ()
      %mul3A_40 = arith.constant 512 : i32
      %mul3A_41 = arith.muli %select_n3A_39, %mul3A_40 : i32
      "tpu.region"() ({
        %run_scoped3A = tpu.sem_alloc : memref<!tpu.dma_semaphore, #tpu.memory_space<semaphore_mem>>
        %dma_start3A = tpu.memref_slice %arg5[%add3A_25, %mul3A_41] : memref<128x4096xi32, #tpu.memory_space<hbm>> -> memref<1x512xi32, #tpu.memory_space<hbm>>
        %dma_start3A_52 = tpu.memref_squeeze %dma_start3A : memref<1x512xi32, #tpu.memory_space<hbm>> -> memref<512xi32, #tpu.memory_space<hbm>>
        %dma_start3A_53 = tpu.memref_slice %arg5[%add3A_25, %mul3A_41] : memref<128x4096xi32, #tpu.memory_space<hbm>> -> memref<1x512xi32, #tpu.memory_space<hbm>>
        %dma_start3A_54 = tpu.memref_squeeze %dma_start3A_53 : memref<1x512xi32, #tpu.memory_space<hbm>> -> memref<512xi32, #tpu.memory_space<hbm>>
        tpu.enqueue_dma source(%dma_start3A_54 : memref<512xi32, #tpu.memory_space<hbm>>) target(%arg10 : memref<512xi32, #tpu.memory_space<vmem>>) target_semaphore(%run_scoped3A : memref<!tpu.dma_semaphore, #tpu.memory_space<semaphore_mem>>)
        %dma_wait3A = tpu.memref_slice %arg5[%add3A_25, %mul3A_41] : memref<128x4096xi32, #tpu.memory_space<hbm>> -> memref<1x512xi32, #tpu.memory_space<hbm>>
        %dma_wait3A_55 = tpu.memref_squeeze %dma_wait3A : memref<1x512xi32, #tpu.memory_space<hbm>> -> memref<512xi32, #tpu.memory_space<hbm>>
        %dma_wait3A_56 = tpu.memref_slice %arg5[%add3A_25, %mul3A_41] : memref<128x4096xi32, #tpu.memory_space<hbm>> -> memref<1x512xi32, #tpu.memory_space<hbm>>
        %dma_wait3A_57 = tpu.memref_squeeze %dma_wait3A_56 : memref<1x512xi32, #tpu.memory_space<hbm>> -> memref<512xi32, #tpu.memory_space<hbm>>
        tpu.wait_dma2 semaphore(%run_scoped3A : memref<!tpu.dma_semaphore, #tpu.memory_space<semaphore_mem>>) src(%dma_wait3A_57 : memref<512xi32, #tpu.memory_space<hbm>>) dst(%arg10 : memref<512xi32, #tpu.memory_space<vmem>>)
        tpu.yield
      }) : () -> ()
      %mul3A_42 = arith.constant 512 : i32
      %mul3A_43 = arith.muli %select_n3A_39, %mul3A_42 : i32
      "tpu.region"() ({
        %run_scoped3A = tpu.sem_alloc : memref<!tpu.dma_semaphore, #tpu.memory_space<semaphore_mem>>
        %dma_start3A = arith.constant 0 : i32
        %dma_start3A_52 = tpu.memref_slice %arg4[%add3A_25, %dma_start3A, %mul3A_43] : memref<128x32x4096xf32, #tpu.memory_space<hbm>> -> memref<1x32x512xf32, #tpu.memory_space<hbm>>
        %dma_start3A_53 = tpu.memref_squeeze %dma_start3A_52 : memref<1x32x512xf32, #tpu.memory_space<hbm>> -> memref<32x512xf32, #tpu.memory_space<hbm>>
        %dma_start3A_54 = arith.constant 0 : i32
        %dma_start3A_55 = tpu.memref_slice %arg4[%add3A_25, %dma_start3A_54, %mul3A_43] : memref<128x32x4096xf32, #tpu.memory_space<hbm>> -> memref<1x32x512xf32, #tpu.memory_space<hbm>>
        %dma_start3A_56 = tpu.memref_squeeze %dma_start3A_55 : memref<1x32x512xf32, #tpu.memory_space<hbm>> -> memref<32x512xf32, #tpu.memory_space<hbm>>
        tpu.enqueue_dma source(%dma_start3A_56 : memref<32x512xf32, #tpu.memory_space<hbm>>) target(%arg11 : memref<32x512xf32, #tpu.memory_space<vmem>>) target_semaphore(%run_scoped3A : memref<!tpu.dma_semaphore, #tpu.memory_space<semaphore_mem>>)
        %dma_wait3A = arith.constant 0 : i32
        %dma_wait3A_57 = tpu.memref_slice %arg4[%add3A_25, %dma_wait3A, %mul3A_43] : memref<128x32x4096xf32, #tpu.memory_space<hbm>> -> memref<1x32x512xf32, #tpu.memory_space<hbm>>
        %dma_wait3A_58 = tpu.memref_squeeze %dma_wait3A_57 : memref<1x32x512xf32, #tpu.memory_space<hbm>> -> memref<32x512xf32, #tpu.memory_space<hbm>>
        %dma_wait3A_59 = arith.constant 0 : i32
        %dma_wait3A_60 = tpu.memref_slice %arg4[%add3A_25, %dma_wait3A_59, %mul3A_43] : memref<128x32x4096xf32, #tpu.memory_space<hbm>> -> memref<1x32x512xf32, #tpu.memory_space<hbm>>
        %dma_wait3A_61 = tpu.memref_squeeze %dma_wait3A_60 : memref<1x32x512xf32, #tpu.memory_space<hbm>> -> memref<32x512xf32, #tpu.memory_space<hbm>>
        tpu.wait_dma2 semaphore(%run_scoped3A : memref<!tpu.dma_semaphore, #tpu.memory_space<semaphore_mem>>) src(%dma_wait3A_61 : memref<32x512xf32, #tpu.memory_space<hbm>>) dst(%arg11 : memref<32x512xf32, #tpu.memory_space<vmem>>)
        tpu.yield
      }) : () -> ()
      %scan3A_44 = arith.constant 0 : i32
      %scan3A_45 = arith.constant 0 : i32
      %scan3A_46 = arith.constant 32 : i32
      %scan3A_47 = arith.addi %scan3A_45, %scan3A_46 : i32
      %scan3A_48 = arith.constant 1 : i32
      scf.for %scan3A_52 = %scan3A_45 to %scan3A_47 step %scan3A_48  : i32 {
        %mul3A_53 = arith.constant 16 : i32
        %mul3A_54 = arith.muli %scan3A_52, %mul3A_53 : i32
        %get3A = arith.constant 0 : i32
        %get3A_55 = arith.index_cast %get3A : i32 to index
        %get3A_56 = arith.index_cast %mul3A_54 : i32 to index
        %get3A_57 = tpu.vector_load %arg9[%get3A_55, %get3A_56] {strides = array<i32>} : memref<3x512xi32, #tpu.memory_space<vmem>>, vector<16xi32>,
        %get3A_58 = arith.constant 1 : i32
        %get3A_59 = arith.index_cast %get3A_58 : i32 to index
        %get3A_60 = arith.index_cast %mul3A_54 : i32 to index
        %get3A_61 = tpu.vector_load %arg9[%get3A_59, %get3A_60] {strides = array<i32>} : memref<3x512xi32, #tpu.memory_space<vmem>>, vector<16xi32>,
        %get3A_62 = arith.constant 2 : i32
        %get3A_63 = arith.index_cast %get3A_62 : i32 to index
        %get3A_64 = arith.index_cast %mul3A_54 : i32 to index
        %get3A_65 = tpu.vector_load %arg9[%get3A_63, %get3A_64] {strides = array<i32>} : memref<3x512xi32, #tpu.memory_space<vmem>>, vector<16xi32>,
        %get3A_66 = arith.index_cast %mul3A_54 : i32 to index
        %get3A_67 = tpu.vector_load %arg10[%get3A_66] {strides = array<i32>} : memref<512xi32, #tpu.memory_space<vmem>>, vector<16xi32>,
        %broadcast_in_dim3A = arith.constant 0 : i32
        %broadcast_in_dim3A_68 = vector.broadcast %broadcast_in_dim3A : i32 to vector<16xi32>
        %broadcast_in_dim3A_69 = arith.constant 1 : i32
        %broadcast_in_dim3A_70 = vector.broadcast %broadcast_in_dim3A_69 : i32 to vector<16xi32>
        %broadcast_in_dim3A_71 = arith.constant 2 : i32
        %broadcast_in_dim3A_72 = vector.broadcast %broadcast_in_dim3A_71 : i32 to vector<16xi32>
        %broadcast_in_dim3A_73 = arith.constant 3 : i32
        %broadcast_in_dim3A_74 = vector.broadcast %broadcast_in_dim3A_73 : i32 to vector<16xi32>
        %gather3A = tpu.vector_load_idx %arg13[%get3A_67, %broadcast_in_dim3A_68] : memref<32x32xf32, #tpu.memory_space<vmem>>[vector<16xi32>, vector<16xi32>], vector<16xf32>,
        %gather3A_75 = tpu.vector_load_idx %arg13[%get3A_67, %broadcast_in_dim3A_70] : memref<32x32xf32, #tpu.memory_space<vmem>>[vector<16xi32>, vector<16xi32>], vector<16xf32>,
        %gather3A_76 = tpu.vector_load_idx %arg13[%get3A_67, %broadcast_in_dim3A_72] : memref<32x32xf32, #tpu.memory_space<vmem>>[vector<16xi32>, vector<16xi32>], vector<16xf32>,
        %gather3A_77 = tpu.vector_load_idx %arg13[%get3A_67, %broadcast_in_dim3A_74] : memref<32x32xf32, #tpu.memory_space<vmem>>[vector<16xi32>, vector<16xi32>], vector<16xf32>,
        %get3A_78 = arith.constant 0 : i32
        %get3A_79 = arith.index_cast %get3A_78 : i32 to index
        %get3A_80 = arith.index_cast %mul3A_54 : i32 to index
        %get3A_81 = tpu.vector_load %arg11[%get3A_79, %get3A_80] {strides = array<i32>} : memref<32x512xf32, #tpu.memory_space<vmem>>, vector<16xf32>,
        %get3A_82 = arith.constant 1 : i32
        %get3A_83 = arith.index_cast %get3A_82 : i32 to index
        %get3A_84 = arith.index_cast %mul3A_54 : i32 to index
        %get3A_85 = tpu.vector_load %arg11[%get3A_83, %get3A_84] {strides = array<i32>} : memref<32x512xf32, #tpu.memory_space<vmem>>, vector<16xf32>,
        %get3A_86 = arith.constant 2 : i32
        %get3A_87 = arith.index_cast %get3A_86 : i32 to index
        %get3A_88 = arith.index_cast %mul3A_54 : i32 to index
        %get3A_89 = tpu.vector_load %arg11[%get3A_87, %get3A_88] {strides = array<i32>} : memref<32x512xf32, #tpu.memory_space<vmem>>, vector<16xf32>,
        %get3A_90 = arith.constant 3 : i32
        %get3A_91 = arith.index_cast %get3A_90 : i32 to index
        %get3A_92 = arith.index_cast %mul3A_54 : i32 to index
        %get3A_93 = tpu.vector_load %arg11[%get3A_91, %get3A_92] {strides = array<i32>} : memref<32x512xf32, #tpu.memory_space<vmem>>, vector<16xf32>,
        %gather3A_94 = tpu.vector_load_idx %arg8[%get3A_57, %broadcast_in_dim3A_68] : memref<1537x32xf32, #tpu.memory_space<vmem>>[vector<16xi32>, vector<16xi32>], vector<16xf32>,
        %gather3A_95 = tpu.vector_load_idx %arg8[%get3A_57, %broadcast_in_dim3A_70] : memref<1537x32xf32, #tpu.memory_space<vmem>>[vector<16xi32>, vector<16xi32>], vector<16xf32>,
        %gather3A_96 = tpu.vector_load_idx %arg8[%get3A_57, %broadcast_in_dim3A_72] : memref<1537x32xf32, #tpu.memory_space<vmem>>[vector<16xi32>, vector<16xi32>], vector<16xf32>,
        %gather3A_97 = tpu.vector_load_idx %arg8[%get3A_57, %broadcast_in_dim3A_74] : memref<1537x32xf32, #tpu.memory_space<vmem>>[vector<16xi32>, vector<16xi32>], vector<16xf32>,
        %gather3A_98 = tpu.vector_load_idx %arg8[%get3A_61, %broadcast_in_dim3A_68] : memref<1537x32xf32, #tpu.memory_space<vmem>>[vector<16xi32>, vector<16xi32>], vector<16xf32>,
        %gather3A_99 = tpu.vector_load_idx %arg8[%get3A_61, %broadcast_in_dim3A_70] : memref<1537x32xf32, #tpu.memory_space<vmem>>[vector<16xi32>, vector<16xi32>], vector<16xf32>,
        %gather3A_100 = tpu.vector_load_idx %arg8[%get3A_61, %broadcast_in_dim3A_72] : memref<1537x32xf32, #tpu.memory_space<vmem>>[vector<16xi32>, vector<16xi32>], vector<16xf32>,
        %gather3A_101 = tpu.vector_load_idx %arg8[%get3A_61, %broadcast_in_dim3A_74] : memref<1537x32xf32, #tpu.memory_space<vmem>>[vector<16xi32>, vector<16xi32>], vector<16xf32>,
        %gather3A_102 = tpu.vector_load_idx %arg8[%get3A_65, %broadcast_in_dim3A_68] : memref<1537x32xf32, #tpu.memory_space<vmem>>[vector<16xi32>, vector<16xi32>], vector<16xf32>,
        %gather3A_103 = tpu.vector_load_idx %arg8[%get3A_65, %broadcast_in_dim3A_70] : memref<1537x32xf32, #tpu.memory_space<vmem>>[vector<16xi32>, vector<16xi32>], vector<16xf32>,
        %gather3A_104 = tpu.vector_load_idx %arg8[%get3A_65, %broadcast_in_dim3A_72] : memref<1537x32xf32, #tpu.memory_space<vmem>>[vector<16xi32>, vector<16xi32>], vector<16xf32>,
        %gather3A_105 = tpu.vector_load_idx %arg8[%get3A_65, %broadcast_in_dim3A_74] : memref<1537x32xf32, #tpu.memory_space<vmem>>[vector<16xi32>, vector<16xi32>], vector<16xf32>,
        %broadcast_in_dim3A_106 = arith.constant 4 : i32
        %broadcast_in_dim3A_107 = vector.broadcast %broadcast_in_dim3A_106 : i32 to vector<16xi32>
        %broadcast_in_dim3A_108 = arith.constant 5 : i32
        %broadcast_in_dim3A_109 = vector.broadcast %broadcast_in_dim3A_108 : i32 to vector<16xi32>
        %broadcast_in_dim3A_110 = arith.constant 6 : i32
        %broadcast_in_dim3A_111 = vector.broadcast %broadcast_in_dim3A_110 : i32 to vector<16xi32>
        %broadcast_in_dim3A_112 = arith.constant 7 : i32
        %broadcast_in_dim3A_113 = vector.broadcast %broadcast_in_dim3A_112 : i32 to vector<16xi32>
        %gather3A_114 = tpu.vector_load_idx %arg13[%get3A_67, %broadcast_in_dim3A_107] : memref<32x32xf32, #tpu.memory_space<vmem>>[vector<16xi32>, vector<16xi32>], vector<16xf32>,
        %gather3A_115 = tpu.vector_load_idx %arg13[%get3A_67, %broadcast_in_dim3A_109] : memref<32x32xf32, #tpu.memory_space<vmem>>[vector<16xi32>, vector<16xi32>], vector<16xf32>,
        %gather3A_116 = tpu.vector_load_idx %arg13[%get3A_67, %broadcast_in_dim3A_111] : memref<32x32xf32, #tpu.memory_space<vmem>>[vector<16xi32>, vector<16xi32>], vector<16xf32>,
        %gather3A_117 = tpu.vector_load_idx %arg13[%get3A_67, %broadcast_in_dim3A_113] : memref<32x32xf32, #tpu.memory_space<vmem>>[vector<16xi32>, vector<16xi32>], vector<16xf32>,
        %get3A_118 = arith.constant 4 : i32
        %get3A_119 = arith.index_cast %get3A_118 : i32 to index
        %get3A_120 = arith.index_cast %mul3A_54 : i32 to index
        %get3A_121 = tpu.vector_load %arg11[%get3A_119, %get3A_120] {strides = array<i32>} : memref<32x512xf32, #tpu.memory_space<vmem>>, vector<16xf32>,
        %get3A_122 = arith.constant 5 : i32
        %get3A_123 = arith.index_cast %get3A_122 : i32 to index
        %get3A_124 = arith.index_cast %mul3A_54 : i32 to index
        %get3A_125 = tpu.vector_load %arg11[%get3A_123, %get3A_124] {strides = array<i32>} : memref<32x512xf32, #tpu.memory_space<vmem>>, vector<16xf32>,
        %get3A_126 = arith.constant 6 : i32
        %get3A_127 = arith.index_cast %get3A_126 : i32 to index
        %get3A_128 = arith.index_cast %mul3A_54 : i32 to index
        %get3A_129 = tpu.vector_load %arg11[%get3A_127, %get3A_128] {strides = array<i32>} : memref<32x512xf32, #tpu.memory_space<vmem>>, vector<16xf32>,
        %get3A_130 = arith.constant 7 : i32
        %get3A_131 = arith.index_cast %get3A_130 : i32 to index
        %get3A_132 = arith.index_cast %mul3A_54 : i32 to index
        %get3A_133 = tpu.vector_load %arg11[%get3A_131, %get3A_132] {strides = array<i32>} : memref<32x512xf32, #tpu.memory_space<vmem>>, vector<16xf32>,
        %gather3A_134 = tpu.vector_load_idx %arg8[%get3A_57, %broadcast_in_dim3A_107] : memref<1537x32xf32, #tpu.memory_space<vmem>>[vector<16xi32>, vector<16xi32>], vector<16xf32>,
        %gather3A_135 = tpu.vector_load_idx %arg8[%get3A_57, %broadcast_in_dim3A_109] : memref<1537x32xf32, #tpu.memory_space<vmem>>[vector<16xi32>, vector<16xi32>], vector<16xf32>,
        %gather3A_136 = tpu.vector_load_idx %arg8[%get3A_57, %broadcast_in_dim3A_111] : memref<1537x32xf32, #tpu.memory_space<vmem>>[vector<16xi32>, vector<16xi32>], vector<16xf32>,
        %gather3A_137 = tpu.vector_load_idx %arg8[%get3A_57, %broadcast_in_dim3A_113] : memref<1537x32xf32, #tpu.memory_space<vmem>>[vector<16xi32>, vector<16xi32>], vector<16xf32>,
        %gather3A_138 = tpu.vector_load_idx %arg8[%get3A_61, %broadcast_in_dim3A_107] : memref<1537x32xf32, #tpu.memory_space<vmem>>[vector<16xi32>, vector<16xi32>], vector<16xf32>,
        %gather3A_139 = tpu.vector_load_idx %arg8[%get3A_61, %broadcast_in_dim3A_109] : memref<1537x32xf32, #tpu.memory_space<vmem>>[vector<16xi32>, vector<16xi32>], vector<16xf32>,
        %gather3A_140 = tpu.vector_load_idx %arg8[%get3A_61, %broadcast_in_dim3A_111] : memref<1537x32xf32, #tpu.memory_space<vmem>>[vector<16xi32>, vector<16xi32>], vector<16xf32>,
        %gather3A_141 = tpu.vector_load_idx %arg8[%get3A_61, %broadcast_in_dim3A_113] : memref<1537x32xf32, #tpu.memory_space<vmem>>[vector<16xi32>, vector<16xi32>], vector<16xf32>,
        %gather3A_142 = tpu.vector_load_idx %arg8[%get3A_65, %broadcast_in_dim3A_107] : memref<1537x32xf32, #tpu.memory_space<vmem>>[vector<16xi32>, vector<16xi32>], vector<16xf32>,
        %gather3A_143 = tpu.vector_load_idx %arg8[%get3A_65, %broadcast_in_dim3A_109] : memref<1537x32xf32, #tpu.memory_space<vmem>>[vector<16xi32>, vector<16xi32>], vector<16xf32>,
        %gather3A_144 = tpu.vector_load_idx %arg8[%get3A_65, %broadcast_in_dim3A_111] : memref<1537x32xf32, #tpu.memory_space<vmem>>[vector<16xi32>, vector<16xi32>], vector<16xf32>,
        %gather3A_145 = tpu.vector_load_idx %arg8[%get3A_65, %broadcast_in_dim3A_113] : memref<1537x32xf32, #tpu.memory_space<vmem>>[vector<16xi32>, vector<16xi32>], vector<16xf32>,
        %add3A_146 = arith.addf %get3A_81, %gather3A_94 : vector<16xf32>
        %add3A_147 = arith.addf %add3A_146, %gather3A_98 : vector<16xf32>
        %add3A_148 = arith.addf %add3A_147, %gather3A_102 : vector<16xf32>
        %mul3A_149 = arith.mulf %add3A_148, %gather3A : vector<16xf32>
        %swap3A = arith.constant 0 : i32
        %swap3A_150 = arith.index_cast %swap3A : i32 to index
        %swap3A_151 = arith.index_cast %mul3A_54 : i32 to index
        %swap3A_152 = tpu.vector_load %arg12[%swap3A_150, %swap3A_151] {strides = array<i32>} : memref<32x512xf32, #tpu.memory_space<vmem>>, vector<16xf32>,
        tpu.vector_store %arg12[%swap3A_150, %swap3A_151], %mul3A_149 {strides = array<i32>} : memref<32x512xf32, #tpu.memory_space<vmem>>, vector<16xf32>,
        %add3A_153 = arith.addf %get3A_85, %gather3A_95 : vector<16xf32>
        %add3A_154 = arith.addf %add3A_153, %gather3A_99 : vector<16xf32>
        %add3A_155 = arith.addf %add3A_154, %gather3A_103 : vector<16xf32>
        %mul3A_156 = arith.mulf %add3A_155, %gather3A_75 : vector<16xf32>
        %swap3A_157 = arith.constant 1 : i32
        %swap3A_158 = arith.index_cast %swap3A_157 : i32 to index
        %swap3A_159 = arith.index_cast %mul3A_54 : i32 to index
        %swap3A_160 = tpu.vector_load %arg12[%swap3A_158, %swap3A_159] {strides = array<i32>} : memref<32x512xf32, #tpu.memory_space<vmem>>, vector<16xf32>,
        tpu.vector_store %arg12[%swap3A_158, %swap3A_159], %mul3A_156 {strides = array<i32>} : memref<32x512xf32, #tpu.memory_space<vmem>>, vector<16xf32>,
        %add3A_161 = arith.addf %get3A_89, %gather3A_96 : vector<16xf32>
        %add3A_162 = arith.addf %add3A_161, %gather3A_100 : vector<16xf32>
        %add3A_163 = arith.addf %add3A_162, %gather3A_104 : vector<16xf32>
        %mul3A_164 = arith.mulf %add3A_163, %gather3A_76 : vector<16xf32>
        %swap3A_165 = arith.constant 2 : i32
        %swap3A_166 = arith.index_cast %swap3A_165 : i32 to index
        %swap3A_167 = arith.index_cast %mul3A_54 : i32 to index
        %swap3A_168 = tpu.vector_load %arg12[%swap3A_166, %swap3A_167] {strides = array<i32>} : memref<32x512xf32, #tpu.memory_space<vmem>>, vector<16xf32>,
        tpu.vector_store %arg12[%swap3A_166, %swap3A_167], %mul3A_164 {strides = array<i32>} : memref<32x512xf32, #tpu.memory_space<vmem>>, vector<16xf32>,
        %add3A_169 = arith.addf %get3A_93, %gather3A_97 : vector<16xf32>
        %add3A_170 = arith.addf %add3A_169, %gather3A_101 : vector<16xf32>
        %add3A_171 = arith.addf %add3A_170, %gather3A_105 : vector<16xf32>
        %mul3A_172 = arith.mulf %add3A_171, %gather3A_77 : vector<16xf32>
        %swap3A_173 = arith.constant 3 : i32
        %swap3A_174 = arith.index_cast %swap3A_173 : i32 to index
        %swap3A_175 = arith.index_cast %mul3A_54 : i32 to index
        %swap3A_176 = tpu.vector_load %arg12[%swap3A_174, %swap3A_175] {strides = array<i32>} : memref<32x512xf32, #tpu.memory_space<vmem>>, vector<16xf32>,
        tpu.vector_store %arg12[%swap3A_174, %swap3A_175], %mul3A_172 {strides = array<i32>} : memref<32x512xf32, #tpu.memory_space<vmem>>, vector<16xf32>,
        %broadcast_in_dim3A_177 = arith.constant 8 : i32
        %broadcast_in_dim3A_178 = vector.broadcast %broadcast_in_dim3A_177 : i32 to vector<16xi32>
        %broadcast_in_dim3A_179 = arith.constant 9 : i32
        %broadcast_in_dim3A_180 = vector.broadcast %broadcast_in_dim3A_179 : i32 to vector<16xi32>
        %broadcast_in_dim3A_181 = arith.constant 10 : i32
        %broadcast_in_dim3A_182 = vector.broadcast %broadcast_in_dim3A_181 : i32 to vector<16xi32>
        %broadcast_in_dim3A_183 = arith.constant 11 : i32
        %broadcast_in_dim3A_184 = vector.broadcast %broadcast_in_dim3A_183 : i32 to vector<16xi32>
        %gather3A_185 = tpu.vector_load_idx %arg13[%get3A_67, %broadcast_in_dim3A_178] : memref<32x32xf32, #tpu.memory_space<vmem>>[vector<16xi32>, vector<16xi32>], vector<16xf32>,
        %gather3A_186 = tpu.vector_load_idx %arg13[%get3A_67, %broadcast_in_dim3A_180] : memref<32x32xf32, #tpu.memory_space<vmem>>[vector<16xi32>, vector<16xi32>], vector<16xf32>,
        %gather3A_187 = tpu.vector_load_idx %arg13[%get3A_67, %broadcast_in_dim3A_182] : memref<32x32xf32, #tpu.memory_space<vmem>>[vector<16xi32>, vector<16xi32>], vector<16xf32>,
        %gather3A_188 = tpu.vector_load_idx %arg13[%get3A_67, %broadcast_in_dim3A_184] : memref<32x32xf32, #tpu.memory_space<vmem>>[vector<16xi32>, vector<16xi32>], vector<16xf32>,
        %get3A_189 = arith.constant 8 : i32
        %get3A_190 = arith.index_cast %get3A_189 : i32 to index
        %get3A_191 = arith.index_cast %mul3A_54 : i32 to index
        %get3A_192 = tpu.vector_load %arg11[%get3A_190, %get3A_191] {strides = array<i32>} : memref<32x512xf32, #tpu.memory_space<vmem>>, vector<16xf32>,
        %get3A_193 = arith.constant 9 : i32
        %get3A_194 = arith.index_cast %get3A_193 : i32 to index
        %get3A_195 = arith.index_cast %mul3A_54 : i32 to index
        %get3A_196 = tpu.vector_load %arg11[%get3A_194, %get3A_195] {strides = array<i32>} : memref<32x512xf32, #tpu.memory_space<vmem>>, vector<16xf32>,
        %get3A_197 = arith.constant 10 : i32
        %get3A_198 = arith.index_cast %get3A_197 : i32 to index
        %get3A_199 = arith.index_cast %mul3A_54 : i32 to index
        %get3A_200 = tpu.vector_load %arg11[%get3A_198, %get3A_199] {strides = array<i32>} : memref<32x512xf32, #tpu.memory_space<vmem>>, vector<16xf32>,
        %get3A_201 = arith.constant 11 : i32
        %get3A_202 = arith.index_cast %get3A_201 : i32 to index
        %get3A_203 = arith.index_cast %mul3A_54 : i32 to index
        %get3A_204 = tpu.vector_load %arg11[%get3A_202, %get3A_203] {strides = array<i32>} : memref<32x512xf32, #tpu.memory_space<vmem>>, vector<16xf32>,
        %gather3A_205 = tpu.vector_load_idx %arg8[%get3A_57, %broadcast_in_dim3A_178] : memref<1537x32xf32, #tpu.memory_space<vmem>>[vector<16xi32>, vector<16xi32>], vector<16xf32>,
        %gather3A_206 = tpu.vector_load_idx %arg8[%get3A_57, %broadcast_in_dim3A_180] : memref<1537x32xf32, #tpu.memory_space<vmem>>[vector<16xi32>, vector<16xi32>], vector<16xf32>,
        %gather3A_207 = tpu.vector_load_idx %arg8[%get3A_57, %broadcast_in_dim3A_182] : memref<1537x32xf32, #tpu.memory_space<vmem>>[vector<16xi32>, vector<16xi32>], vector<16xf32>,
        %gather3A_208 = tpu.vector_load_idx %arg8[%get3A_57, %broadcast_in_dim3A_184] : memref<1537x32xf32, #tpu.memory_space<vmem>>[vector<16xi32>, vector<16xi32>], vector<16xf32>,
        %gather3A_209 = tpu.vector_load_idx %arg8[%get3A_61, %broadcast_in_dim3A_178] : memref<1537x32xf32, #tpu.memory_space<vmem>>[vector<16xi32>, vector<16xi32>], vector<16xf32>,
        %gather3A_210 = tpu.vector_load_idx %arg8[%get3A_61, %broadcast_in_dim3A_180] : memref<1537x32xf32, #tpu.memory_space<vmem>>[vector<16xi32>, vector<16xi32>], vector<16xf32>,
        %gather3A_211 = tpu.vector_load_idx %arg8[%get3A_61, %broadcast_in_dim3A_182] : memref<1537x32xf32, #tpu.memory_space<vmem>>[vector<16xi32>, vector<16xi32>], vector<16xf32>,
        %gather3A_212 = tpu.vector_load_idx %arg8[%get3A_61, %broadcast_in_dim3A_184] : memref<1537x32xf32, #tpu.memory_space<vmem>>[vector<16xi32>, vector<16xi32>], vector<16xf32>,
        %gather3A_213 = tpu.vector_load_idx %arg8[%get3A_65, %broadcast_in_dim3A_178] : memref<1537x32xf32, #tpu.memory_space<vmem>>[vector<16xi32>, vector<16xi32>], vector<16xf32>,
        %gather3A_214 = tpu.vector_load_idx %arg8[%get3A_65, %broadcast_in_dim3A_180] : memref<1537x32xf32, #tpu.memory_space<vmem>>[vector<16xi32>, vector<16xi32>], vector<16xf32>,
        %gather3A_215 = tpu.vector_load_idx %arg8[%get3A_65, %broadcast_in_dim3A_182] : memref<1537x32xf32, #tpu.memory_space<vmem>>[vector<16xi32>, vector<16xi32>], vector<16xf32>,
        %gather3A_216 = tpu.vector_load_idx %arg8[%get3A_65, %broadcast_in_dim3A_184] : memref<1537x32xf32, #tpu.memory_space<vmem>>[vector<16xi32>, vector<16xi32>], vector<16xf32>,
        %add3A_217 = arith.addf %get3A_121, %gather3A_134 : vector<16xf32>
        %add3A_218 = arith.addf %add3A_217, %gather3A_138 : vector<16xf32>
        %add3A_219 = arith.addf %add3A_218, %gather3A_142 : vector<16xf32>
        %mul3A_220 = arith.mulf %add3A_219, %gather3A_114 : vector<16xf32>
        %swap3A_221 = arith.constant 4 : i32
        %swap3A_222 = arith.index_cast %swap3A_221 : i32 to index
        %swap3A_223 = arith.index_cast %mul3A_54 : i32 to index
        %swap3A_224 = tpu.vector_load %arg12[%swap3A_222, %swap3A_223] {strides = array<i32>} : memref<32x512xf32, #tpu.memory_space<vmem>>, vector<16xf32>,
        tpu.vector_store %arg12[%swap3A_222, %swap3A_223], %mul3A_220 {strides = array<i32>} : memref<32x512xf32, #tpu.memory_space<vmem>>, vector<16xf32>,
        %add3A_225 = arith.addf %get3A_125, %gather3A_135 : vector<16xf32>
        %add3A_226 = arith.addf %add3A_225, %gather3A_139 : vector<16xf32>
        %add3A_227 = arith.addf %add3A_226, %gather3A_143 : vector<16xf32>
        %mul3A_228 = arith.mulf %add3A_227, %gather3A_115 : vector<16xf32>
        %swap3A_229 = arith.constant 5 : i32
        %swap3A_230 = arith.index_cast %swap3A_229 : i32 to index
        %swap3A_231 = arith.index_cast %mul3A_54 : i32 to index
        %swap3A_232 = tpu.vector_load %arg12[%swap3A_230, %swap3A_231] {strides = array<i32>} : memref<32x512xf32, #tpu.memory_space<vmem>>, vector<16xf32>,
        tpu.vector_store %arg12[%swap3A_230, %swap3A_231], %mul3A_228 {strides = array<i32>} : memref<32x512xf32, #tpu.memory_space<vmem>>, vector<16xf32>,
        %add3A_233 = arith.addf %get3A_129, %gather3A_136 : vector<16xf32>
        %add3A_234 = arith.addf %add3A_233, %gather3A_140 : vector<16xf32>
        %add3A_235 = arith.addf %add3A_234, %gather3A_144 : vector<16xf32>
        %mul3A_236 = arith.mulf %add3A_235, %gather3A_116 : vector<16xf32>
        %swap3A_237 = arith.constant 6 : i32
        %swap3A_238 = arith.index_cast %swap3A_237 : i32 to index
        %swap3A_239 = arith.index_cast %mul3A_54 : i32 to index
        %swap3A_240 = tpu.vector_load %arg12[%swap3A_238, %swap3A_239] {strides = array<i32>} : memref<32x512xf32, #tpu.memory_space<vmem>>, vector<16xf32>,
        tpu.vector_store %arg12[%swap3A_238, %swap3A_239], %mul3A_236 {strides = array<i32>} : memref<32x512xf32, #tpu.memory_space<vmem>>, vector<16xf32>,
        %add3A_241 = arith.addf %get3A_133, %gather3A_137 : vector<16xf32>
        %add3A_242 = arith.addf %add3A_241, %gather3A_141 : vector<16xf32>
        %add3A_243 = arith.addf %add3A_242, %gather3A_145 : vector<16xf32>
        %mul3A_244 = arith.mulf %add3A_243, %gather3A_117 : vector<16xf32>
        %swap3A_245 = arith.constant 7 : i32
        %swap3A_246 = arith.index_cast %swap3A_245 : i32 to index
        %swap3A_247 = arith.index_cast %mul3A_54 : i32 to index
        %swap3A_248 = tpu.vector_load %arg12[%swap3A_246, %swap3A_247] {strides = array<i32>} : memref<32x512xf32, #tpu.memory_space<vmem>>, vector<16xf32>,
        tpu.vector_store %arg12[%swap3A_246, %swap3A_247], %mul3A_244 {strides = array<i32>} : memref<32x512xf32, #tpu.memory_space<vmem>>, vector<16xf32>,
        %broadcast_in_dim3A_249 = arith.constant 12 : i32
        %broadcast_in_dim3A_250 = vector.broadcast %broadcast_in_dim3A_249 : i32 to vector<16xi32>
        %broadcast_in_dim3A_251 = arith.constant 13 : i32
        %broadcast_in_dim3A_252 = vector.broadcast %broadcast_in_dim3A_251 : i32 to vector<16xi32>
        %broadcast_in_dim3A_253 = arith.constant 14 : i32
        %broadcast_in_dim3A_254 = vector.broadcast %broadcast_in_dim3A_253 : i32 to vector<16xi32>
        %broadcast_in_dim3A_255 = arith.constant 15 : i32
        %broadcast_in_dim3A_256 = vector.broadcast %broadcast_in_dim3A_255 : i32 to vector<16xi32>
        %gather3A_257 = tpu.vector_load_idx %arg13[%get3A_67, %broadcast_in_dim3A_250] : memref<32x32xf32, #tpu.memory_space<vmem>>[vector<16xi32>, vector<16xi32>], vector<16xf32>,
        %gather3A_258 = tpu.vector_load_idx %arg13[%get3A_67, %broadcast_in_dim3A_252] : memref<32x32xf32, #tpu.memory_space<vmem>>[vector<16xi32>, vector<16xi32>], vector<16xf32>,
        %gather3A_259 = tpu.vector_load_idx %arg13[%get3A_67, %broadcast_in_dim3A_254] : memref<32x32xf32, #tpu.memory_space<vmem>>[vector<16xi32>, vector<16xi32>], vector<16xf32>,
        %gather3A_260 = tpu.vector_load_idx %arg13[%get3A_67, %broadcast_in_dim3A_256] : memref<32x32xf32, #tpu.memory_space<vmem>>[vector<16xi32>, vector<16xi32>], vector<16xf32>,
        %get3A_261 = arith.constant 12 : i32
        %get3A_262 = arith.index_cast %get3A_261 : i32 to index
        %get3A_263 = arith.index_cast %mul3A_54 : i32 to index
        %get3A_264 = tpu.vector_load %arg11[%get3A_262, %get3A_263] {strides = array<i32>} : memref<32x512xf32, #tpu.memory_space<vmem>>, vector<16xf32>,
        %get3A_265 = arith.constant 13 : i32
        %get3A_266 = arith.index_cast %get3A_265 : i32 to index
        %get3A_267 = arith.index_cast %mul3A_54 : i32 to index
        %get3A_268 = tpu.vector_load %arg11[%get3A_266, %get3A_267] {strides = array<i32>} : memref<32x512xf32, #tpu.memory_space<vmem>>, vector<16xf32>,
        %get3A_269 = arith.constant 14 : i32
        %get3A_270 = arith.index_cast %get3A_269 : i32 to index
        %get3A_271 = arith.index_cast %mul3A_54 : i32 to index
        %get3A_272 = tpu.vector_load %arg11[%get3A_270, %get3A_271] {strides = array<i32>} : memref<32x512xf32, #tpu.memory_space<vmem>>, vector<16xf32>,
        %get3A_273 = arith.constant 15 : i32
        %get3A_274 = arith.index_cast %get3A_273 : i32 to index
        %get3A_275 = arith.index_cast %mul3A_54 : i32 to index
        %get3A_276 = tpu.vector_load %arg11[%get3A_274, %get3A_275] {strides = array<i32>} : memref<32x512xf32, #tpu.memory_space<vmem>>, vector<16xf32>,
        %gather3A_277 = tpu.vector_load_idx %arg8[%get3A_57, %broadcast_in_dim3A_250] : memref<1537x32xf32, #tpu.memory_space<vmem>>[vector<16xi32>, vector<16xi32>], vector<16xf32>,
        %gather3A_278 = tpu.vector_load_idx %arg8[%get3A_57, %broadcast_in_dim3A_252] : memref<1537x32xf32, #tpu.memory_space<vmem>>[vector<16xi32>, vector<16xi32>], vector<16xf32>,
        %gather3A_279 = tpu.vector_load_idx %arg8[%get3A_57, %broadcast_in_dim3A_254] : memref<1537x32xf32, #tpu.memory_space<vmem>>[vector<16xi32>, vector<16xi32>], vector<16xf32>,
        %gather3A_280 = tpu.vector_load_idx %arg8[%get3A_57, %broadcast_in_dim3A_256] : memref<1537x32xf32, #tpu.memory_space<vmem>>[vector<16xi32>, vector<16xi32>], vector<16xf32>,
        %gather3A_281 = tpu.vector_load_idx %arg8[%get3A_61, %broadcast_in_dim3A_250] : memref<1537x32xf32, #tpu.memory_space<vmem>>[vector<16xi32>, vector<16xi32>], vector<16xf32>,
        %gather3A_282 = tpu.vector_load_idx %arg8[%get3A_61, %broadcast_in_dim3A_252] : memref<1537x32xf32, #tpu.memory_space<vmem>>[vector<16xi32>, vector<16xi32>], vector<16xf32>,
        %gather3A_283 = tpu.vector_load_idx %arg8[%get3A_61, %broadcast_in_dim3A_254] : memref<1537x32xf32, #tpu.memory_space<vmem>>[vector<16xi32>, vector<16xi32>], vector<16xf32>,
        %gather3A_284 = tpu.vector_load_idx %arg8[%get3A_61, %broadcast_in_dim3A_256] : memref<1537x32xf32, #tpu.memory_space<vmem>>[vector<16xi32>, vector<16xi32>], vector<16xf32>,
        %gather3A_285 = tpu.vector_load_idx %arg8[%get3A_65, %broadcast_in_dim3A_250] : memref<1537x32xf32, #tpu.memory_space<vmem>>[vector<16xi32>, vector<16xi32>], vector<16xf32>,
        %gather3A_286 = tpu.vector_load_idx %arg8[%get3A_65, %broadcast_in_dim3A_252] : memref<1537x32xf32, #tpu.memory_space<vmem>>[vector<16xi32>, vector<16xi32>], vector<16xf32>,
        %gather3A_287 = tpu.vector_load_idx %arg8[%get3A_65, %broadcast_in_dim3A_254] : memref<1537x32xf32, #tpu.memory_space<vmem>>[vector<16xi32>, vector<16xi32>], vector<16xf32>,
        %gather3A_288 = tpu.vector_load_idx %arg8[%get3A_65, %broadcast_in_dim3A_256] : memref<1537x32xf32, #tpu.memory_space<vmem>>[vector<16xi32>, vector<16xi32>], vector<16xf32>,
        %add3A_289 = arith.addf %get3A_192, %gather3A_205 : vector<16xf32>
        %add3A_290 = arith.addf %add3A_289, %gather3A_209 : vector<16xf32>
        %add3A_291 = arith.addf %add3A_290, %gather3A_213 : vector<16xf32>
        %mul3A_292 = arith.mulf %add3A_291, %gather3A_185 : vector<16xf32>
        %swap3A_293 = arith.constant 8 : i32
        %swap3A_294 = arith.index_cast %swap3A_293 : i32 to index
        %swap3A_295 = arith.index_cast %mul3A_54 : i32 to index
        %swap3A_296 = tpu.vector_load %arg12[%swap3A_294, %swap3A_295] {strides = array<i32>} : memref<32x512xf32, #tpu.memory_space<vmem>>, vector<16xf32>,
        tpu.vector_store %arg12[%swap3A_294, %swap3A_295], %mul3A_292 {strides = array<i32>} : memref<32x512xf32, #tpu.memory_space<vmem>>, vector<16xf32>,
        %add3A_297 = arith.addf %get3A_196, %gather3A_206 : vector<16xf32>
        %add3A_298 = arith.addf %add3A_297, %gather3A_210 : vector<16xf32>
        %add3A_299 = arith.addf %add3A_298, %gather3A_214 : vector<16xf32>
        %mul3A_300 = arith.mulf %add3A_299, %gather3A_186 : vector<16xf32>
        %swap3A_301 = arith.constant 9 : i32
        %swap3A_302 = arith.index_cast %swap3A_301 : i32 to index
        %swap3A_303 = arith.index_cast %mul3A_54 : i32 to index
        %swap3A_304 = tpu.vector_load %arg12[%swap3A_302, %swap3A_303] {strides = array<i32>} : memref<32x512xf32, #tpu.memory_space<vmem>>, vector<16xf32>,
        tpu.vector_store %arg12[%swap3A_302, %swap3A_303], %mul3A_300 {strides = array<i32>} : memref<32x512xf32, #tpu.memory_space<vmem>>, vector<16xf32>,
        %add3A_305 = arith.addf %get3A_200, %gather3A_207 : vector<16xf32>
        %add3A_306 = arith.addf %add3A_305, %gather3A_211 : vector<16xf32>
        %add3A_307 = arith.addf %add3A_306, %gather3A_215 : vector<16xf32>
        %mul3A_308 = arith.mulf %add3A_307, %gather3A_187 : vector<16xf32>
        %swap3A_309 = arith.constant 10 : i32
        %swap3A_310 = arith.index_cast %swap3A_309 : i32 to index
        %swap3A_311 = arith.index_cast %mul3A_54 : i32 to index
        %swap3A_312 = tpu.vector_load %arg12[%swap3A_310, %swap3A_311] {strides = array<i32>} : memref<32x512xf32, #tpu.memory_space<vmem>>, vector<16xf32>,
        tpu.vector_store %arg12[%swap3A_310, %swap3A_311], %mul3A_308 {strides = array<i32>} : memref<32x512xf32, #tpu.memory_space<vmem>>, vector<16xf32>,
        %add3A_313 = arith.addf %get3A_204, %gather3A_208 : vector<16xf32>
        %add3A_314 = arith.addf %add3A_313, %gather3A_212 : vector<16xf32>
        %add3A_315 = arith.addf %add3A_314, %gather3A_216 : vector<16xf32>
        %mul3A_316 = arith.mulf %add3A_315, %gather3A_188 : vector<16xf32>
        %swap3A_317 = arith.constant 11 : i32
        %swap3A_318 = arith.index_cast %swap3A_317 : i32 to index
        %swap3A_319 = arith.index_cast %mul3A_54 : i32 to index
        %swap3A_320 = tpu.vector_load %arg12[%swap3A_318, %swap3A_319] {strides = array<i32>} : memref<32x512xf32, #tpu.memory_space<vmem>>, vector<16xf32>,
        tpu.vector_store %arg12[%swap3A_318, %swap3A_319], %mul3A_316 {strides = array<i32>} : memref<32x512xf32, #tpu.memory_space<vmem>>, vector<16xf32>,
        %broadcast_in_dim3A_321 = arith.constant 16 : i32
        %broadcast_in_dim3A_322 = vector.broadcast %broadcast_in_dim3A_321 : i32 to vector<16xi32>
        %broadcast_in_dim3A_323 = arith.constant 17 : i32
        %broadcast_in_dim3A_324 = vector.broadcast %broadcast_in_dim3A_323 : i32 to vector<16xi32>
        %broadcast_in_dim3A_325 = arith.constant 18 : i32
        %broadcast_in_dim3A_326 = vector.broadcast %broadcast_in_dim3A_325 : i32 to vector<16xi32>
        %broadcast_in_dim3A_327 = arith.constant 19 : i32
        %broadcast_in_dim3A_328 = vector.broadcast %broadcast_in_dim3A_327 : i32 to vector<16xi32>
        %gather3A_329 = tpu.vector_load_idx %arg13[%get3A_67, %broadcast_in_dim3A_322] : memref<32x32xf32, #tpu.memory_space<vmem>>[vector<16xi32>, vector<16xi32>], vector<16xf32>,
        %gather3A_330 = tpu.vector_load_idx %arg13[%get3A_67, %broadcast_in_dim3A_324] : memref<32x32xf32, #tpu.memory_space<vmem>>[vector<16xi32>, vector<16xi32>], vector<16xf32>,
        %gather3A_331 = tpu.vector_load_idx %arg13[%get3A_67, %broadcast_in_dim3A_326] : memref<32x32xf32, #tpu.memory_space<vmem>>[vector<16xi32>, vector<16xi32>], vector<16xf32>,
        %gather3A_332 = tpu.vector_load_idx %arg13[%get3A_67, %broadcast_in_dim3A_328] : memref<32x32xf32, #tpu.memory_space<vmem>>[vector<16xi32>, vector<16xi32>], vector<16xf32>,
        %get3A_333 = arith.constant 16 : i32
        %get3A_334 = arith.index_cast %get3A_333 : i32 to index
        %get3A_335 = arith.index_cast %mul3A_54 : i32 to index
        %get3A_336 = tpu.vector_load %arg11[%get3A_334, %get3A_335] {strides = array<i32>} : memref<32x512xf32, #tpu.memory_space<vmem>>, vector<16xf32>,
        %get3A_337 = arith.constant 17 : i32
        %get3A_338 = arith.index_cast %get3A_337 : i32 to index
        %get3A_339 = arith.index_cast %mul3A_54 : i32 to index
        %get3A_340 = tpu.vector_load %arg11[%get3A_338, %get3A_339] {strides = array<i32>} : memref<32x512xf32, #tpu.memory_space<vmem>>, vector<16xf32>,
        %get3A_341 = arith.constant 18 : i32
        %get3A_342 = arith.index_cast %get3A_341 : i32 to index
        %get3A_343 = arith.index_cast %mul3A_54 : i32 to index
        %get3A_344 = tpu.vector_load %arg11[%get3A_342, %get3A_343] {strides = array<i32>} : memref<32x512xf32, #tpu.memory_space<vmem>>, vector<16xf32>,
        %get3A_345 = arith.constant 19 : i32
        %get3A_346 = arith.index_cast %get3A_345 : i32 to index
        %get3A_347 = arith.index_cast %mul3A_54 : i32 to index
        %get3A_348 = tpu.vector_load %arg11[%get3A_346, %get3A_347] {strides = array<i32>} : memref<32x512xf32, #tpu.memory_space<vmem>>, vector<16xf32>,
        %gather3A_349 = tpu.vector_load_idx %arg8[%get3A_57, %broadcast_in_dim3A_322] : memref<1537x32xf32, #tpu.memory_space<vmem>>[vector<16xi32>, vector<16xi32>], vector<16xf32>,
        %gather3A_350 = tpu.vector_load_idx %arg8[%get3A_57, %broadcast_in_dim3A_324] : memref<1537x32xf32, #tpu.memory_space<vmem>>[vector<16xi32>, vector<16xi32>], vector<16xf32>,
        %gather3A_351 = tpu.vector_load_idx %arg8[%get3A_57, %broadcast_in_dim3A_326] : memref<1537x32xf32, #tpu.memory_space<vmem>>[vector<16xi32>, vector<16xi32>], vector<16xf32>,
        %gather3A_352 = tpu.vector_load_idx %arg8[%get3A_57, %broadcast_in_dim3A_328] : memref<1537x32xf32, #tpu.memory_space<vmem>>[vector<16xi32>, vector<16xi32>], vector<16xf32>,
        %gather3A_353 = tpu.vector_load_idx %arg8[%get3A_61, %broadcast_in_dim3A_322] : memref<1537x32xf32, #tpu.memory_space<vmem>>[vector<16xi32>, vector<16xi32>], vector<16xf32>,
        %gather3A_354 = tpu.vector_load_idx %arg8[%get3A_61, %broadcast_in_dim3A_324] : memref<1537x32xf32, #tpu.memory_space<vmem>>[vector<16xi32>, vector<16xi32>], vector<16xf32>,
        %gather3A_355 = tpu.vector_load_idx %arg8[%get3A_61, %broadcast_in_dim3A_326] : memref<1537x32xf32, #tpu.memory_space<vmem>>[vector<16xi32>, vector<16xi32>], vector<16xf32>,
        %gather3A_356 = tpu.vector_load_idx %arg8[%get3A_61, %broadcast_in_dim3A_328] : memref<1537x32xf32, #tpu.memory_space<vmem>>[vector<16xi32>, vector<16xi32>], vector<16xf32>,
        %gather3A_357 = tpu.vector_load_idx %arg8[%get3A_65, %broadcast_in_dim3A_322] : memref<1537x32xf32, #tpu.memory_space<vmem>>[vector<16xi32>, vector<16xi32>], vector<16xf32>,
        %gather3A_358 = tpu.vector_load_idx %arg8[%get3A_65, %broadcast_in_dim3A_324] : memref<1537x32xf32, #tpu.memory_space<vmem>>[vector<16xi32>, vector<16xi32>], vector<16xf32>,
        %gather3A_359 = tpu.vector_load_idx %arg8[%get3A_65, %broadcast_in_dim3A_326] : memref<1537x32xf32, #tpu.memory_space<vmem>>[vector<16xi32>, vector<16xi32>], vector<16xf32>,
        %gather3A_360 = tpu.vector_load_idx %arg8[%get3A_65, %broadcast_in_dim3A_328] : memref<1537x32xf32, #tpu.memory_space<vmem>>[vector<16xi32>, vector<16xi32>], vector<16xf32>,
        %add3A_361 = arith.addf %get3A_264, %gather3A_277 : vector<16xf32>
        %add3A_362 = arith.addf %add3A_361, %gather3A_281 : vector<16xf32>
        %add3A_363 = arith.addf %add3A_362, %gather3A_285 : vector<16xf32>
        %mul3A_364 = arith.mulf %add3A_363, %gather3A_257 : vector<16xf32>
        %swap3A_365 = arith.constant 12 : i32
        %swap3A_366 = arith.index_cast %swap3A_365 : i32 to index
        %swap3A_367 = arith.index_cast %mul3A_54 : i32 to index
        %swap3A_368 = tpu.vector_load %arg12[%swap3A_366, %swap3A_367] {strides = array<i32>} : memref<32x512xf32, #tpu.memory_space<vmem>>, vector<16xf32>,
        tpu.vector_store %arg12[%swap3A_366, %swap3A_367], %mul3A_364 {strides = array<i32>} : memref<32x512xf32, #tpu.memory_space<vmem>>, vector<16xf32>,
        %add3A_369 = arith.addf %get3A_268, %gather3A_278 : vector<16xf32>
        %add3A_370 = arith.addf %add3A_369, %gather3A_282 : vector<16xf32>
        %add3A_371 = arith.addf %add3A_370, %gather3A_286 : vector<16xf32>
        %mul3A_372 = arith.mulf %add3A_371, %gather3A_258 : vector<16xf32>
        %swap3A_373 = arith.constant 13 : i32
        %swap3A_374 = arith.index_cast %swap3A_373 : i32 to index
        %swap3A_375 = arith.index_cast %mul3A_54 : i32 to index
        %swap3A_376 = tpu.vector_load %arg12[%swap3A_374, %swap3A_375] {strides = array<i32>} : memref<32x512xf32, #tpu.memory_space<vmem>>, vector<16xf32>,
        tpu.vector_store %arg12[%swap3A_374, %swap3A_375], %mul3A_372 {strides = array<i32>} : memref<32x512xf32, #tpu.memory_space<vmem>>, vector<16xf32>,
        %add3A_377 = arith.addf %get3A_272, %gather3A_279 : vector<16xf32>
        %add3A_378 = arith.addf %add3A_377, %gather3A_283 : vector<16xf32>
        %add3A_379 = arith.addf %add3A_378, %gather3A_287 : vector<16xf32>
        %mul3A_380 = arith.mulf %add3A_379, %gather3A_259 : vector<16xf32>
        %swap3A_381 = arith.constant 14 : i32
        %swap3A_382 = arith.index_cast %swap3A_381 : i32 to index
        %swap3A_383 = arith.index_cast %mul3A_54 : i32 to index
        %swap3A_384 = tpu.vector_load %arg12[%swap3A_382, %swap3A_383] {strides = array<i32>} : memref<32x512xf32, #tpu.memory_space<vmem>>, vector<16xf32>,
        tpu.vector_store %arg12[%swap3A_382, %swap3A_383], %mul3A_380 {strides = array<i32>} : memref<32x512xf32, #tpu.memory_space<vmem>>, vector<16xf32>,
        %add3A_385 = arith.addf %get3A_276, %gather3A_280 : vector<16xf32>
        %add3A_386 = arith.addf %add3A_385, %gather3A_284 : vector<16xf32>
        %add3A_387 = arith.addf %add3A_386, %gather3A_288 : vector<16xf32>
        %mul3A_388 = arith.mulf %add3A_387, %gather3A_260 : vector<16xf32>
        %swap3A_389 = arith.constant 15 : i32
        %swap3A_390 = arith.index_cast %swap3A_389 : i32 to index
        %swap3A_391 = arith.index_cast %mul3A_54 : i32 to index
        %swap3A_392 = tpu.vector_load %arg12[%swap3A_390, %swap3A_391] {strides = array<i32>} : memref<32x512xf32, #tpu.memory_space<vmem>>, vector<16xf32>,
        tpu.vector_store %arg12[%swap3A_390, %swap3A_391], %mul3A_388 {strides = array<i32>} : memref<32x512xf32, #tpu.memory_space<vmem>>, vector<16xf32>,
        %broadcast_in_dim3A_393 = arith.constant 20 : i32
        %broadcast_in_dim3A_394 = vector.broadcast %broadcast_in_dim3A_393 : i32 to vector<16xi32>
        %broadcast_in_dim3A_395 = arith.constant 21 : i32
        %broadcast_in_dim3A_396 = vector.broadcast %broadcast_in_dim3A_395 : i32 to vector<16xi32>
        %broadcast_in_dim3A_397 = arith.constant 22 : i32
        %broadcast_in_dim3A_398 = vector.broadcast %broadcast_in_dim3A_397 : i32 to vector<16xi32>
        %broadcast_in_dim3A_399 = arith.constant 23 : i32
        %broadcast_in_dim3A_400 = vector.broadcast %broadcast_in_dim3A_399 : i32 to vector<16xi32>
        %gather3A_401 = tpu.vector_load_idx %arg13[%get3A_67, %broadcast_in_dim3A_394] : memref<32x32xf32, #tpu.memory_space<vmem>>[vector<16xi32>, vector<16xi32>], vector<16xf32>,
        %gather3A_402 = tpu.vector_load_idx %arg13[%get3A_67, %broadcast_in_dim3A_396] : memref<32x32xf32, #tpu.memory_space<vmem>>[vector<16xi32>, vector<16xi32>], vector<16xf32>,
        %gather3A_403 = tpu.vector_load_idx %arg13[%get3A_67, %broadcast_in_dim3A_398] : memref<32x32xf32, #tpu.memory_space<vmem>>[vector<16xi32>, vector<16xi32>], vector<16xf32>,
        %gather3A_404 = tpu.vector_load_idx %arg13[%get3A_67, %broadcast_in_dim3A_400] : memref<32x32xf32, #tpu.memory_space<vmem>>[vector<16xi32>, vector<16xi32>], vector<16xf32>,
        %get3A_405 = arith.constant 20 : i32
        %get3A_406 = arith.index_cast %get3A_405 : i32 to index
        %get3A_407 = arith.index_cast %mul3A_54 : i32 to index
        %get3A_408 = tpu.vector_load %arg11[%get3A_406, %get3A_407] {strides = array<i32>} : memref<32x512xf32, #tpu.memory_space<vmem>>, vector<16xf32>,
        %get3A_409 = arith.constant 21 : i32
        %get3A_410 = arith.index_cast %get3A_409 : i32 to index
        %get3A_411 = arith.index_cast %mul3A_54 : i32 to index
        %get3A_412 = tpu.vector_load %arg11[%get3A_410, %get3A_411] {strides = array<i32>} : memref<32x512xf32, #tpu.memory_space<vmem>>, vector<16xf32>,
        %get3A_413 = arith.constant 22 : i32
        %get3A_414 = arith.index_cast %get3A_413 : i32 to index
        %get3A_415 = arith.index_cast %mul3A_54 : i32 to index
        %get3A_416 = tpu.vector_load %arg11[%get3A_414, %get3A_415] {strides = array<i32>} : memref<32x512xf32, #tpu.memory_space<vmem>>, vector<16xf32>,
        %get3A_417 = arith.constant 23 : i32
        %get3A_418 = arith.index_cast %get3A_417 : i32 to index
        %get3A_419 = arith.index_cast %mul3A_54 : i32 to index
        %get3A_420 = tpu.vector_load %arg11[%get3A_418, %get3A_419] {strides = array<i32>} : memref<32x512xf32, #tpu.memory_space<vmem>>, vector<16xf32>,
        %gather3A_421 = tpu.vector_load_idx %arg8[%get3A_57, %broadcast_in_dim3A_394] : memref<1537x32xf32, #tpu.memory_space<vmem>>[vector<16xi32>, vector<16xi32>], vector<16xf32>,
        %gather3A_422 = tpu.vector_load_idx %arg8[%get3A_57, %broadcast_in_dim3A_396] : memref<1537x32xf32, #tpu.memory_space<vmem>>[vector<16xi32>, vector<16xi32>], vector<16xf32>,
        %gather3A_423 = tpu.vector_load_idx %arg8[%get3A_57, %broadcast_in_dim3A_398] : memref<1537x32xf32, #tpu.memory_space<vmem>>[vector<16xi32>, vector<16xi32>], vector<16xf32>,
        %gather3A_424 = tpu.vector_load_idx %arg8[%get3A_57, %broadcast_in_dim3A_400] : memref<1537x32xf32, #tpu.memory_space<vmem>>[vector<16xi32>, vector<16xi32>], vector<16xf32>,
        %gather3A_425 = tpu.vector_load_idx %arg8[%get3A_61, %broadcast_in_dim3A_394] : memref<1537x32xf32, #tpu.memory_space<vmem>>[vector<16xi32>, vector<16xi32>], vector<16xf32>,
        %gather3A_426 = tpu.vector_load_idx %arg8[%get3A_61, %broadcast_in_dim3A_396] : memref<1537x32xf32, #tpu.memory_space<vmem>>[vector<16xi32>, vector<16xi32>], vector<16xf32>,
        %gather3A_427 = tpu.vector_load_idx %arg8[%get3A_61, %broadcast_in_dim3A_398] : memref<1537x32xf32, #tpu.memory_space<vmem>>[vector<16xi32>, vector<16xi32>], vector<16xf32>,
        %gather3A_428 = tpu.vector_load_idx %arg8[%get3A_61, %broadcast_in_dim3A_400] : memref<1537x32xf32, #tpu.memory_space<vmem>>[vector<16xi32>, vector<16xi32>], vector<16xf32>,
        %gather3A_429 = tpu.vector_load_idx %arg8[%get3A_65, %broadcast_in_dim3A_394] : memref<1537x32xf32, #tpu.memory_space<vmem>>[vector<16xi32>, vector<16xi32>], vector<16xf32>,
        %gather3A_430 = tpu.vector_load_idx %arg8[%get3A_65, %broadcast_in_dim3A_396] : memref<1537x32xf32, #tpu.memory_space<vmem>>[vector<16xi32>, vector<16xi32>], vector<16xf32>,
        %gather3A_431 = tpu.vector_load_idx %arg8[%get3A_65, %broadcast_in_dim3A_398] : memref<1537x32xf32, #tpu.memory_space<vmem>>[vector<16xi32>, vector<16xi32>], vector<16xf32>,
        %gather3A_432 = tpu.vector_load_idx %arg8[%get3A_65, %broadcast_in_dim3A_400] : memref<1537x32xf32, #tpu.memory_space<vmem>>[vector<16xi32>, vector<16xi32>], vector<16xf32>,
        %add3A_433 = arith.addf %get3A_336, %gather3A_349 : vector<16xf32>
        %add3A_434 = arith.addf %add3A_433, %gather3A_353 : vector<16xf32>
        %add3A_435 = arith.addf %add3A_434, %gather3A_357 : vector<16xf32>
        %mul3A_436 = arith.mulf %add3A_435, %gather3A_329 : vector<16xf32>
        %swap3A_437 = arith.constant 16 : i32
        %swap3A_438 = arith.index_cast %swap3A_437 : i32 to index
        %swap3A_439 = arith.index_cast %mul3A_54 : i32 to index
        %swap3A_440 = tpu.vector_load %arg12[%swap3A_438, %swap3A_439] {strides = array<i32>} : memref<32x512xf32, #tpu.memory_space<vmem>>, vector<16xf32>,
        tpu.vector_store %arg12[%swap3A_438, %swap3A_439], %mul3A_436 {strides = array<i32>} : memref<32x512xf32, #tpu.memory_space<vmem>>, vector<16xf32>,
        %add3A_441 = arith.addf %get3A_340, %gather3A_350 : vector<16xf32>
        %add3A_442 = arith.addf %add3A_441, %gather3A_354 : vector<16xf32>
        %add3A_443 = arith.addf %add3A_442, %gather3A_358 : vector<16xf32>
        %mul3A_444 = arith.mulf %add3A_443, %gather3A_330 : vector<16xf32>
        %swap3A_445 = arith.constant 17 : i32
        %swap3A_446 = arith.index_cast %swap3A_445 : i32 to index
        %swap3A_447 = arith.index_cast %mul3A_54 : i32 to index
        %swap3A_448 = tpu.vector_load %arg12[%swap3A_446, %swap3A_447] {strides = array<i32>} : memref<32x512xf32, #tpu.memory_space<vmem>>, vector<16xf32>,
        tpu.vector_store %arg12[%swap3A_446, %swap3A_447], %mul3A_444 {strides = array<i32>} : memref<32x512xf32, #tpu.memory_space<vmem>>, vector<16xf32>,
        %add3A_449 = arith.addf %get3A_344, %gather3A_351 : vector<16xf32>
        %add3A_450 = arith.addf %add3A_449, %gather3A_355 : vector<16xf32>
        %add3A_451 = arith.addf %add3A_450, %gather3A_359 : vector<16xf32>
        %mul3A_452 = arith.mulf %add3A_451, %gather3A_331 : vector<16xf32>
        %swap3A_453 = arith.constant 18 : i32
        %swap3A_454 = arith.index_cast %swap3A_453 : i32 to index
        %swap3A_455 = arith.index_cast %mul3A_54 : i32 to index
        %swap3A_456 = tpu.vector_load %arg12[%swap3A_454, %swap3A_455] {strides = array<i32>} : memref<32x512xf32, #tpu.memory_space<vmem>>, vector<16xf32>,
        tpu.vector_store %arg12[%swap3A_454, %swap3A_455], %mul3A_452 {strides = array<i32>} : memref<32x512xf32, #tpu.memory_space<vmem>>, vector<16xf32>,
        %add3A_457 = arith.addf %get3A_348, %gather3A_352 : vector<16xf32>
        %add3A_458 = arith.addf %add3A_457, %gather3A_356 : vector<16xf32>
        %add3A_459 = arith.addf %add3A_458, %gather3A_360 : vector<16xf32>
        %mul3A_460 = arith.mulf %add3A_459, %gather3A_332 : vector<16xf32>
        %swap3A_461 = arith.constant 19 : i32
        %swap3A_462 = arith.index_cast %swap3A_461 : i32 to index
        %swap3A_463 = arith.index_cast %mul3A_54 : i32 to index
        %swap3A_464 = tpu.vector_load %arg12[%swap3A_462, %swap3A_463] {strides = array<i32>} : memref<32x512xf32, #tpu.memory_space<vmem>>, vector<16xf32>,
        tpu.vector_store %arg12[%swap3A_462, %swap3A_463], %mul3A_460 {strides = array<i32>} : memref<32x512xf32, #tpu.memory_space<vmem>>, vector<16xf32>,
        %broadcast_in_dim3A_465 = arith.constant 24 : i32
        %broadcast_in_dim3A_466 = vector.broadcast %broadcast_in_dim3A_465 : i32 to vector<16xi32>
        %broadcast_in_dim3A_467 = arith.constant 25 : i32
        %broadcast_in_dim3A_468 = vector.broadcast %broadcast_in_dim3A_467 : i32 to vector<16xi32>
        %broadcast_in_dim3A_469 = arith.constant 26 : i32
        %broadcast_in_dim3A_470 = vector.broadcast %broadcast_in_dim3A_469 : i32 to vector<16xi32>
        %broadcast_in_dim3A_471 = arith.constant 27 : i32
        %broadcast_in_dim3A_472 = vector.broadcast %broadcast_in_dim3A_471 : i32 to vector<16xi32>
        %gather3A_473 = tpu.vector_load_idx %arg13[%get3A_67, %broadcast_in_dim3A_466] : memref<32x32xf32, #tpu.memory_space<vmem>>[vector<16xi32>, vector<16xi32>], vector<16xf32>,
        %gather3A_474 = tpu.vector_load_idx %arg13[%get3A_67, %broadcast_in_dim3A_468] : memref<32x32xf32, #tpu.memory_space<vmem>>[vector<16xi32>, vector<16xi32>], vector<16xf32>,
        %gather3A_475 = tpu.vector_load_idx %arg13[%get3A_67, %broadcast_in_dim3A_470] : memref<32x32xf32, #tpu.memory_space<vmem>>[vector<16xi32>, vector<16xi32>], vector<16xf32>,
        %gather3A_476 = tpu.vector_load_idx %arg13[%get3A_67, %broadcast_in_dim3A_472] : memref<32x32xf32, #tpu.memory_space<vmem>>[vector<16xi32>, vector<16xi32>], vector<16xf32>,
        %get3A_477 = arith.constant 24 : i32
        %get3A_478 = arith.index_cast %get3A_477 : i32 to index
        %get3A_479 = arith.index_cast %mul3A_54 : i32 to index
        %get3A_480 = tpu.vector_load %arg11[%get3A_478, %get3A_479] {strides = array<i32>} : memref<32x512xf32, #tpu.memory_space<vmem>>, vector<16xf32>,
        %get3A_481 = arith.constant 25 : i32
        %get3A_482 = arith.index_cast %get3A_481 : i32 to index
        %get3A_483 = arith.index_cast %mul3A_54 : i32 to index
        %get3A_484 = tpu.vector_load %arg11[%get3A_482, %get3A_483] {strides = array<i32>} : memref<32x512xf32, #tpu.memory_space<vmem>>, vector<16xf32>,
        %get3A_485 = arith.constant 26 : i32
        %get3A_486 = arith.index_cast %get3A_485 : i32 to index
        %get3A_487 = arith.index_cast %mul3A_54 : i32 to index
        %get3A_488 = tpu.vector_load %arg11[%get3A_486, %get3A_487] {strides = array<i32>} : memref<32x512xf32, #tpu.memory_space<vmem>>, vector<16xf32>,
        %get3A_489 = arith.constant 27 : i32
        %get3A_490 = arith.index_cast %get3A_489 : i32 to index
        %get3A_491 = arith.index_cast %mul3A_54 : i32 to index
        %get3A_492 = tpu.vector_load %arg11[%get3A_490, %get3A_491] {strides = array<i32>} : memref<32x512xf32, #tpu.memory_space<vmem>>, vector<16xf32>,
        %gather3A_493 = tpu.vector_load_idx %arg8[%get3A_57, %broadcast_in_dim3A_466] : memref<1537x32xf32, #tpu.memory_space<vmem>>[vector<16xi32>, vector<16xi32>], vector<16xf32>,
        %gather3A_494 = tpu.vector_load_idx %arg8[%get3A_57, %broadcast_in_dim3A_468] : memref<1537x32xf32, #tpu.memory_space<vmem>>[vector<16xi32>, vector<16xi32>], vector<16xf32>,
        %gather3A_495 = tpu.vector_load_idx %arg8[%get3A_57, %broadcast_in_dim3A_470] : memref<1537x32xf32, #tpu.memory_space<vmem>>[vector<16xi32>, vector<16xi32>], vector<16xf32>,
        %gather3A_496 = tpu.vector_load_idx %arg8[%get3A_57, %broadcast_in_dim3A_472] : memref<1537x32xf32, #tpu.memory_space<vmem>>[vector<16xi32>, vector<16xi32>], vector<16xf32>,
        %gather3A_497 = tpu.vector_load_idx %arg8[%get3A_61, %broadcast_in_dim3A_466] : memref<1537x32xf32, #tpu.memory_space<vmem>>[vector<16xi32>, vector<16xi32>], vector<16xf32>,
        %gather3A_498 = tpu.vector_load_idx %arg8[%get3A_61, %broadcast_in_dim3A_468] : memref<1537x32xf32, #tpu.memory_space<vmem>>[vector<16xi32>, vector<16xi32>], vector<16xf32>,
        %gather3A_499 = tpu.vector_load_idx %arg8[%get3A_61, %broadcast_in_dim3A_470] : memref<1537x32xf32, #tpu.memory_space<vmem>>[vector<16xi32>, vector<16xi32>], vector<16xf32>,
        %gather3A_500 = tpu.vector_load_idx %arg8[%get3A_61, %broadcast_in_dim3A_472] : memref<1537x32xf32, #tpu.memory_space<vmem>>[vector<16xi32>, vector<16xi32>], vector<16xf32>,
        %gather3A_501 = tpu.vector_load_idx %arg8[%get3A_65, %broadcast_in_dim3A_466] : memref<1537x32xf32, #tpu.memory_space<vmem>>[vector<16xi32>, vector<16xi32>], vector<16xf32>,
        %gather3A_502 = tpu.vector_load_idx %arg8[%get3A_65, %broadcast_in_dim3A_468] : memref<1537x32xf32, #tpu.memory_space<vmem>>[vector<16xi32>, vector<16xi32>], vector<16xf32>,
        %gather3A_503 = tpu.vector_load_idx %arg8[%get3A_65, %broadcast_in_dim3A_470] : memref<1537x32xf32, #tpu.memory_space<vmem>>[vector<16xi32>, vector<16xi32>], vector<16xf32>,
        %gather3A_504 = tpu.vector_load_idx %arg8[%get3A_65, %broadcast_in_dim3A_472] : memref<1537x32xf32, #tpu.memory_space<vmem>>[vector<16xi32>, vector<16xi32>], vector<16xf32>,
        %add3A_505 = arith.addf %get3A_408, %gather3A_421 : vector<16xf32>
        %add3A_506 = arith.addf %add3A_505, %gather3A_425 : vector<16xf32>
        %add3A_507 = arith.addf %add3A_506, %gather3A_429 : vector<16xf32>
        %mul3A_508 = arith.mulf %add3A_507, %gather3A_401 : vector<16xf32>
        %swap3A_509 = arith.constant 20 : i32
        %swap3A_510 = arith.index_cast %swap3A_509 : i32 to index
        %swap3A_511 = arith.index_cast %mul3A_54 : i32 to index
        %swap3A_512 = tpu.vector_load %arg12[%swap3A_510, %swap3A_511] {strides = array<i32>} : memref<32x512xf32, #tpu.memory_space<vmem>>, vector<16xf32>,
        tpu.vector_store %arg12[%swap3A_510, %swap3A_511], %mul3A_508 {strides = array<i32>} : memref<32x512xf32, #tpu.memory_space<vmem>>, vector<16xf32>,
        %add3A_513 = arith.addf %get3A_412, %gather3A_422 : vector<16xf32>
        %add3A_514 = arith.addf %add3A_513, %gather3A_426 : vector<16xf32>
        %add3A_515 = arith.addf %add3A_514, %gather3A_430 : vector<16xf32>
        %mul3A_516 = arith.mulf %add3A_515, %gather3A_402 : vector<16xf32>
        %swap3A_517 = arith.constant 21 : i32
        %swap3A_518 = arith.index_cast %swap3A_517 : i32 to index
        %swap3A_519 = arith.index_cast %mul3A_54 : i32 to index
        %swap3A_520 = tpu.vector_load %arg12[%swap3A_518, %swap3A_519] {strides = array<i32>} : memref<32x512xf32, #tpu.memory_space<vmem>>, vector<16xf32>,
        tpu.vector_store %arg12[%swap3A_518, %swap3A_519], %mul3A_516 {strides = array<i32>} : memref<32x512xf32, #tpu.memory_space<vmem>>, vector<16xf32>,
        %add3A_521 = arith.addf %get3A_416, %gather3A_423 : vector<16xf32>
        %add3A_522 = arith.addf %add3A_521, %gather3A_427 : vector<16xf32>
        %add3A_523 = arith.addf %add3A_522, %gather3A_431 : vector<16xf32>
        %mul3A_524 = arith.mulf %add3A_523, %gather3A_403 : vector<16xf32>
        %swap3A_525 = arith.constant 22 : i32
        %swap3A_526 = arith.index_cast %swap3A_525 : i32 to index
        %swap3A_527 = arith.index_cast %mul3A_54 : i32 to index
        %swap3A_528 = tpu.vector_load %arg12[%swap3A_526, %swap3A_527] {strides = array<i32>} : memref<32x512xf32, #tpu.memory_space<vmem>>, vector<16xf32>,
        tpu.vector_store %arg12[%swap3A_526, %swap3A_527], %mul3A_524 {strides = array<i32>} : memref<32x512xf32, #tpu.memory_space<vmem>>, vector<16xf32>,
        %add3A_529 = arith.addf %get3A_420, %gather3A_424 : vector<16xf32>
        %add3A_530 = arith.addf %add3A_529, %gather3A_428 : vector<16xf32>
        %add3A_531 = arith.addf %add3A_530, %gather3A_432 : vector<16xf32>
        %mul3A_532 = arith.mulf %add3A_531, %gather3A_404 : vector<16xf32>
        %swap3A_533 = arith.constant 23 : i32
        %swap3A_534 = arith.index_cast %swap3A_533 : i32 to index
        %swap3A_535 = arith.index_cast %mul3A_54 : i32 to index
        %swap3A_536 = tpu.vector_load %arg12[%swap3A_534, %swap3A_535] {strides = array<i32>} : memref<32x512xf32, #tpu.memory_space<vmem>>, vector<16xf32>,
        tpu.vector_store %arg12[%swap3A_534, %swap3A_535], %mul3A_532 {strides = array<i32>} : memref<32x512xf32, #tpu.memory_space<vmem>>, vector<16xf32>,
        %broadcast_in_dim3A_537 = arith.constant 28 : i32
        %broadcast_in_dim3A_538 = vector.broadcast %broadcast_in_dim3A_537 : i32 to vector<16xi32>
        %broadcast_in_dim3A_539 = arith.constant 29 : i32
        %broadcast_in_dim3A_540 = vector.broadcast %broadcast_in_dim3A_539 : i32 to vector<16xi32>
        %broadcast_in_dim3A_541 = arith.constant 30 : i32
        %broadcast_in_dim3A_542 = vector.broadcast %broadcast_in_dim3A_541 : i32 to vector<16xi32>
        %broadcast_in_dim3A_543 = arith.constant 31 : i32
        %broadcast_in_dim3A_544 = vector.broadcast %broadcast_in_dim3A_543 : i32 to vector<16xi32>
        %gather3A_545 = tpu.vector_load_idx %arg13[%get3A_67, %broadcast_in_dim3A_538] : memref<32x32xf32, #tpu.memory_space<vmem>>[vector<16xi32>, vector<16xi32>], vector<16xf32>,
        %gather3A_546 = tpu.vector_load_idx %arg13[%get3A_67, %broadcast_in_dim3A_540] : memref<32x32xf32, #tpu.memory_space<vmem>>[vector<16xi32>, vector<16xi32>], vector<16xf32>,
        %gather3A_547 = tpu.vector_load_idx %arg13[%get3A_67, %broadcast_in_dim3A_542] : memref<32x32xf32, #tpu.memory_space<vmem>>[vector<16xi32>, vector<16xi32>], vector<16xf32>,
        %gather3A_548 = tpu.vector_load_idx %arg13[%get3A_67, %broadcast_in_dim3A_544] : memref<32x32xf32, #tpu.memory_space<vmem>>[vector<16xi32>, vector<16xi32>], vector<16xf32>,
        %get3A_549 = arith.constant 28 : i32
        %get3A_550 = arith.index_cast %get3A_549 : i32 to index
        %get3A_551 = arith.index_cast %mul3A_54 : i32 to index
        %get3A_552 = tpu.vector_load %arg11[%get3A_550, %get3A_551] {strides = array<i32>} : memref<32x512xf32, #tpu.memory_space<vmem>>, vector<16xf32>,
        %get3A_553 = arith.constant 29 : i32
        %get3A_554 = arith.index_cast %get3A_553 : i32 to index
        %get3A_555 = arith.index_cast %mul3A_54 : i32 to index
        %get3A_556 = tpu.vector_load %arg11[%get3A_554, %get3A_555] {strides = array<i32>} : memref<32x512xf32, #tpu.memory_space<vmem>>, vector<16xf32>,
        %get3A_557 = arith.constant 30 : i32
        %get3A_558 = arith.index_cast %get3A_557 : i32 to index
        %get3A_559 = arith.index_cast %mul3A_54 : i32 to index
        %get3A_560 = tpu.vector_load %arg11[%get3A_558, %get3A_559] {strides = array<i32>} : memref<32x512xf32, #tpu.memory_space<vmem>>, vector<16xf32>,
        %get3A_561 = arith.constant 31 : i32
        %get3A_562 = arith.index_cast %get3A_561 : i32 to index
        %get3A_563 = arith.index_cast %mul3A_54 : i32 to index
        %get3A_564 = tpu.vector_load %arg11[%get3A_562, %get3A_563] {strides = array<i32>} : memref<32x512xf32, #tpu.memory_space<vmem>>, vector<16xf32>,
        %gather3A_565 = tpu.vector_load_idx %arg8[%get3A_57, %broadcast_in_dim3A_538] : memref<1537x32xf32, #tpu.memory_space<vmem>>[vector<16xi32>, vector<16xi32>], vector<16xf32>,
        %gather3A_566 = tpu.vector_load_idx %arg8[%get3A_57, %broadcast_in_dim3A_540] : memref<1537x32xf32, #tpu.memory_space<vmem>>[vector<16xi32>, vector<16xi32>], vector<16xf32>,
        %gather3A_567 = tpu.vector_load_idx %arg8[%get3A_57, %broadcast_in_dim3A_542] : memref<1537x32xf32, #tpu.memory_space<vmem>>[vector<16xi32>, vector<16xi32>], vector<16xf32>,
        %gather3A_568 = tpu.vector_load_idx %arg8[%get3A_57, %broadcast_in_dim3A_544] : memref<1537x32xf32, #tpu.memory_space<vmem>>[vector<16xi32>, vector<16xi32>], vector<16xf32>,
        %gather3A_569 = tpu.vector_load_idx %arg8[%get3A_61, %broadcast_in_dim3A_538] : memref<1537x32xf32, #tpu.memory_space<vmem>>[vector<16xi32>, vector<16xi32>], vector<16xf32>,
        %gather3A_570 = tpu.vector_load_idx %arg8[%get3A_61, %broadcast_in_dim3A_540] : memref<1537x32xf32, #tpu.memory_space<vmem>>[vector<16xi32>, vector<16xi32>], vector<16xf32>,
        %gather3A_571 = tpu.vector_load_idx %arg8[%get3A_61, %broadcast_in_dim3A_542] : memref<1537x32xf32, #tpu.memory_space<vmem>>[vector<16xi32>, vector<16xi32>], vector<16xf32>,
        %gather3A_572 = tpu.vector_load_idx %arg8[%get3A_61, %broadcast_in_dim3A_544] : memref<1537x32xf32, #tpu.memory_space<vmem>>[vector<16xi32>, vector<16xi32>], vector<16xf32>,
        %gather3A_573 = tpu.vector_load_idx %arg8[%get3A_65, %broadcast_in_dim3A_538] : memref<1537x32xf32, #tpu.memory_space<vmem>>[vector<16xi32>, vector<16xi32>], vector<16xf32>,
        %gather3A_574 = tpu.vector_load_idx %arg8[%get3A_65, %broadcast_in_dim3A_540] : memref<1537x32xf32, #tpu.memory_space<vmem>>[vector<16xi32>, vector<16xi32>], vector<16xf32>,
        %gather3A_575 = tpu.vector_load_idx %arg8[%get3A_65, %broadcast_in_dim3A_542] : memref<1537x32xf32, #tpu.memory_space<vmem>>[vector<16xi32>, vector<16xi32>], vector<16xf32>,
        %gather3A_576 = tpu.vector_load_idx %arg8[%get3A_65, %broadcast_in_dim3A_544] : memref<1537x32xf32, #tpu.memory_space<vmem>>[vector<16xi32>, vector<16xi32>], vector<16xf32>,
        %add3A_577 = arith.addf %get3A_480, %gather3A_493 : vector<16xf32>
        %add3A_578 = arith.addf %add3A_577, %gather3A_497 : vector<16xf32>
        %add3A_579 = arith.addf %add3A_578, %gather3A_501 : vector<16xf32>
        %mul3A_580 = arith.mulf %add3A_579, %gather3A_473 : vector<16xf32>
        %swap3A_581 = arith.constant 24 : i32
        %swap3A_582 = arith.index_cast %swap3A_581 : i32 to index
        %swap3A_583 = arith.index_cast %mul3A_54 : i32 to index
        %swap3A_584 = tpu.vector_load %arg12[%swap3A_582, %swap3A_583] {strides = array<i32>} : memref<32x512xf32, #tpu.memory_space<vmem>>, vector<16xf32>,
        tpu.vector_store %arg12[%swap3A_582, %swap3A_583], %mul3A_580 {strides = array<i32>} : memref<32x512xf32, #tpu.memory_space<vmem>>, vector<16xf32>,
        %add3A_585 = arith.addf %get3A_484, %gather3A_494 : vector<16xf32>
        %add3A_586 = arith.addf %add3A_585, %gather3A_498 : vector<16xf32>
        %add3A_587 = arith.addf %add3A_586, %gather3A_502 : vector<16xf32>
        %mul3A_588 = arith.mulf %add3A_587, %gather3A_474 : vector<16xf32>
        %swap3A_589 = arith.constant 25 : i32
        %swap3A_590 = arith.index_cast %swap3A_589 : i32 to index
        %swap3A_591 = arith.index_cast %mul3A_54 : i32 to index
        %swap3A_592 = tpu.vector_load %arg12[%swap3A_590, %swap3A_591] {strides = array<i32>} : memref<32x512xf32, #tpu.memory_space<vmem>>, vector<16xf32>,
        tpu.vector_store %arg12[%swap3A_590, %swap3A_591], %mul3A_588 {strides = array<i32>} : memref<32x512xf32, #tpu.memory_space<vmem>>, vector<16xf32>,
        %add3A_593 = arith.addf %get3A_488, %gather3A_495 : vector<16xf32>
        %add3A_594 = arith.addf %add3A_593, %gather3A_499 : vector<16xf32>
        %add3A_595 = arith.addf %add3A_594, %gather3A_503 : vector<16xf32>
        %mul3A_596 = arith.mulf %add3A_595, %gather3A_475 : vector<16xf32>
        %swap3A_597 = arith.constant 26 : i32
        %swap3A_598 = arith.index_cast %swap3A_597 : i32 to index
        %swap3A_599 = arith.index_cast %mul3A_54 : i32 to index
        %swap3A_600 = tpu.vector_load %arg12[%swap3A_598, %swap3A_599] {strides = array<i32>} : memref<32x512xf32, #tpu.memory_space<vmem>>, vector<16xf32>,
        tpu.vector_store %arg12[%swap3A_598, %swap3A_599], %mul3A_596 {strides = array<i32>} : memref<32x512xf32, #tpu.memory_space<vmem>>, vector<16xf32>,
        %add3A_601 = arith.addf %get3A_492, %gather3A_496 : vector<16xf32>
        %add3A_602 = arith.addf %add3A_601, %gather3A_500 : vector<16xf32>
        %add3A_603 = arith.addf %add3A_602, %gather3A_504 : vector<16xf32>
        %mul3A_604 = arith.mulf %add3A_603, %gather3A_476 : vector<16xf32>
        %swap3A_605 = arith.constant 27 : i32
        %swap3A_606 = arith.index_cast %swap3A_605 : i32 to index
        %swap3A_607 = arith.index_cast %mul3A_54 : i32 to index
        %swap3A_608 = tpu.vector_load %arg12[%swap3A_606, %swap3A_607] {strides = array<i32>} : memref<32x512xf32, #tpu.memory_space<vmem>>, vector<16xf32>,
        tpu.vector_store %arg12[%swap3A_606, %swap3A_607], %mul3A_604 {strides = array<i32>} : memref<32x512xf32, #tpu.memory_space<vmem>>, vector<16xf32>,
        %add3A_609 = arith.addf %get3A_552, %gather3A_565 : vector<16xf32>
        %add3A_610 = arith.addf %add3A_609, %gather3A_569 : vector<16xf32>
        %add3A_611 = arith.addf %add3A_610, %gather3A_573 : vector<16xf32>
        %mul3A_612 = arith.mulf %add3A_611, %gather3A_545 : vector<16xf32>
        %swap3A_613 = arith.constant 28 : i32
        %swap3A_614 = arith.index_cast %swap3A_613 : i32 to index
        %swap3A_615 = arith.index_cast %mul3A_54 : i32 to index
        %swap3A_616 = tpu.vector_load %arg12[%swap3A_614, %swap3A_615] {strides = array<i32>} : memref<32x512xf32, #tpu.memory_space<vmem>>, vector<16xf32>,
        tpu.vector_store %arg12[%swap3A_614, %swap3A_615], %mul3A_612 {strides = array<i32>} : memref<32x512xf32, #tpu.memory_space<vmem>>, vector<16xf32>,
        %add3A_617 = arith.addf %get3A_556, %gather3A_566 : vector<16xf32>
        %add3A_618 = arith.addf %add3A_617, %gather3A_570 : vector<16xf32>
        %add3A_619 = arith.addf %add3A_618, %gather3A_574 : vector<16xf32>
        %mul3A_620 = arith.mulf %add3A_619, %gather3A_546 : vector<16xf32>
        %swap3A_621 = arith.constant 29 : i32
        %swap3A_622 = arith.index_cast %swap3A_621 : i32 to index
        %swap3A_623 = arith.index_cast %mul3A_54 : i32 to index
        %swap3A_624 = tpu.vector_load %arg12[%swap3A_622, %swap3A_623] {strides = array<i32>} : memref<32x512xf32, #tpu.memory_space<vmem>>, vector<16xf32>,
        tpu.vector_store %arg12[%swap3A_622, %swap3A_623], %mul3A_620 {strides = array<i32>} : memref<32x512xf32, #tpu.memory_space<vmem>>, vector<16xf32>,
        %add3A_625 = arith.addf %get3A_560, %gather3A_567 : vector<16xf32>
        %add3A_626 = arith.addf %add3A_625, %gather3A_571 : vector<16xf32>
        %add3A_627 = arith.addf %add3A_626, %gather3A_575 : vector<16xf32>
        %mul3A_628 = arith.mulf %add3A_627, %gather3A_547 : vector<16xf32>
        %swap3A_629 = arith.constant 30 : i32
        %swap3A_630 = arith.index_cast %swap3A_629 : i32 to index
        %swap3A_631 = arith.index_cast %mul3A_54 : i32 to index
        %swap3A_632 = tpu.vector_load %arg12[%swap3A_630, %swap3A_631] {strides = array<i32>} : memref<32x512xf32, #tpu.memory_space<vmem>>, vector<16xf32>,
        tpu.vector_store %arg12[%swap3A_630, %swap3A_631], %mul3A_628 {strides = array<i32>} : memref<32x512xf32, #tpu.memory_space<vmem>>, vector<16xf32>,
        %add3A_633 = arith.addf %get3A_564, %gather3A_568 : vector<16xf32>
        %add3A_634 = arith.addf %add3A_633, %gather3A_572 : vector<16xf32>
        %add3A_635 = arith.addf %add3A_634, %gather3A_576 : vector<16xf32>
        %mul3A_636 = arith.mulf %add3A_635, %gather3A_548 : vector<16xf32>
        %swap3A_637 = arith.constant 31 : i32
        %swap3A_638 = arith.index_cast %swap3A_637 : i32 to index
        %swap3A_639 = arith.index_cast %mul3A_54 : i32 to index
        %swap3A_640 = tpu.vector_load %arg12[%swap3A_638, %swap3A_639] {strides = array<i32>} : memref<32x512xf32, #tpu.memory_space<vmem>>, vector<16xf32>,
        tpu.vector_store %arg12[%swap3A_638, %swap3A_639], %mul3A_636 {strides = array<i32>} : memref<32x512xf32, #tpu.memory_space<vmem>>, vector<16xf32>,
      }
      %scan3A_49 = arith.constant 32 : i32
      %mul3A_50 = arith.constant 512 : i32
      %mul3A_51 = arith.muli %select_n3A_39, %mul3A_50 : i32
      "tpu.region"() ({
        %run_scoped3A = tpu.sem_alloc : memref<!tpu.dma_semaphore, #tpu.memory_space<semaphore_mem>>
        %dma_start3A = arith.constant 0 : i32
        %dma_start3A_52 = tpu.memref_slice %arg7[%add3A_25, %dma_start3A, %mul3A_51] : memref<128x32x4096xf32, #tpu.memory_space<hbm>> -> memref<1x32x512xf32, #tpu.memory_space<hbm>>
        %dma_start3A_53 = tpu.memref_squeeze %dma_start3A_52 : memref<1x32x512xf32, #tpu.memory_space<hbm>> -> memref<32x512xf32, #tpu.memory_space<hbm>>
        %dma_start3A_54 = arith.constant 0 : i32
        %dma_start3A_55 = tpu.memref_slice %arg7[%add3A_25, %dma_start3A_54, %mul3A_51] : memref<128x32x4096xf32, #tpu.memory_space<hbm>> -> memref<1x32x512xf32, #tpu.memory_space<hbm>>
        %dma_start3A_56 = tpu.memref_squeeze %dma_start3A_55 : memref<1x32x512xf32, #tpu.memory_space<hbm>> -> memref<32x512xf32, #tpu.memory_space<hbm>>
        tpu.enqueue_dma source(%arg12 : memref<32x512xf32, #tpu.memory_space<vmem>>) target(%dma_start3A_56 : memref<32x512xf32, #tpu.memory_space<hbm>>) target_semaphore(%run_scoped3A : memref<!tpu.dma_semaphore, #tpu.memory_space<semaphore_mem>>)
        %dma_wait3A = arith.constant 0 : i32
        %dma_wait3A_57 = tpu.memref_slice %arg7[%add3A_25, %dma_wait3A, %mul3A_51] : memref<128x32x4096xf32, #tpu.memory_space<hbm>> -> memref<1x32x512xf32, #tpu.memory_space<hbm>>
        %dma_wait3A_58 = tpu.memref_squeeze %dma_wait3A_57 : memref<1x32x512xf32, #tpu.memory_space<hbm>> -> memref<32x512xf32, #tpu.memory_space<hbm>>
        %dma_wait3A_59 = arith.constant 0 : i32
        %dma_wait3A_60 = tpu.memref_slice %arg7[%add3A_25, %dma_wait3A_59, %mul3A_51] : memref<128x32x4096xf32, #tpu.memory_space<hbm>> -> memref<1x32x512xf32, #tpu.memory_space<hbm>>
        %dma_wait3A_61 = tpu.memref_squeeze %dma_wait3A_60 : memref<1x32x512xf32, #tpu.memory_space<hbm>> -> memref<32x512xf32, #tpu.memory_space<hbm>>
        tpu.wait_dma2 semaphore(%run_scoped3A : memref<!tpu.dma_semaphore, #tpu.memory_space<semaphore_mem>>) src(%arg12 : memref<32x512xf32, #tpu.memory_space<vmem>>) dst(%dma_wait3A_61 : memref<32x512xf32, #tpu.memory_space<hbm>>)
        tpu.yield
      }) : () -> ()
    }
    %scan3A_5 = arith.constant 32 : i32
    return
  }
}

#map = affine_map<(d0, d1) -> (0, 0)>
#map1 = affine_map<(d0, d1) -> (0, 0, 0)>
module attributes {stable_mosaic.version = 14 : i64} {
  func.func @_node_gather(%arg0: i32, %arg1: i32, %arg2: memref<4609x768xf32, #tpu.memory_space<hbm>>, %arg3: memref<512x768xf32, #tpu.memory_space<hbm>>, %arg4: memref<32x64x36xi32, #tpu.memory_space<hbm>>, %arg5: memref<32x64x4xi32, #tpu.memory_space<hbm>>, %arg6: memref<8192x768xf32, #tpu.memory_space<hbm>>, %arg7: memref<64x36xi32, #tpu.memory_space<vmem>>, %arg8: memref<64x4xi32, #tpu.memory_space<vmem>>, %arg9: memref<2x36x768xf32, #tpu.memory_space<vmem>>, %arg10: memref<2x4x768xf32, #tpu.memory_space<vmem>>, %arg11: memref<4x768xf32, #tpu.memory_space<vmem>>, %arg12: memref<!tpu.dma_semaphore, #tpu.memory_space<semaphore_mem>>, %arg13: memref<!tpu.dma_semaphore, #tpu.memory_space<semaphore_mem>>) attributes {dimension_semantics = [#tpu.dimension_semantics<core_parallel>, #tpu.dimension_semantics<subcore_parallel>], iteration_bounds = array<i64: 2, 16>, scalar_prefetch = 0 : i64, scratch_operands = 7 : i64, tpu.core_type = #tpu.core_type<sc_vector_subcore>, window_params = [{transform_indices = #map}, {transform_indices = #map}, {transform_indices = #map1}, {transform_indices = #map1}, {transform_indices = #map}]} {
    %mul3A = arith.constant 2 : i32
    %mul3A_0 = arith.muli %arg1, %mul3A : i32
    %add3A = arith.addi %mul3A_0, %arg0 : i32
    "tpu.region"() ({
      %run_scoped3A = tpu.sem_alloc : memref<!tpu.dma_semaphore, #tpu.memory_space<semaphore_mem>>
      %dma_start3A_29 = arith.constant 0 : i32
      %dma_start3A_30 = arith.constant 0 : i32
      %dma_start3A_31 = tpu.memref_slice %arg4[%add3A, %dma_start3A_29, %dma_start3A_30] : memref<32x64x36xi32, #tpu.memory_space<hbm>> -> memref<1x64x36xi32, #tpu.memory_space<hbm>>
      %dma_start3A_32 = tpu.memref_squeeze %dma_start3A_31 : memref<1x64x36xi32, #tpu.memory_space<hbm>> -> memref<64x36xi32, #tpu.memory_space<hbm>>
      %dma_start3A_33 = arith.constant 0 : i32
      %dma_start3A_34 = arith.constant 0 : i32
      %dma_start3A_35 = tpu.memref_slice %arg4[%add3A, %dma_start3A_33, %dma_start3A_34] : memref<32x64x36xi32, #tpu.memory_space<hbm>> -> memref<1x64x36xi32, #tpu.memory_space<hbm>>
      %dma_start3A_36 = tpu.memref_squeeze %dma_start3A_35 : memref<1x64x36xi32, #tpu.memory_space<hbm>> -> memref<64x36xi32, #tpu.memory_space<hbm>>
      tpu.enqueue_dma source(%dma_start3A_36 : memref<64x36xi32, #tpu.memory_space<hbm>>) target(%arg7 : memref<64x36xi32, #tpu.memory_space<vmem>>) target_semaphore(%run_scoped3A : memref<!tpu.dma_semaphore, #tpu.memory_space<semaphore_mem>>)
      %dma_wait3A = arith.constant 0 : i32
      %dma_wait3A_37 = arith.constant 0 : i32
      %dma_wait3A_38 = tpu.memref_slice %arg4[%add3A, %dma_wait3A, %dma_wait3A_37] : memref<32x64x36xi32, #tpu.memory_space<hbm>> -> memref<1x64x36xi32, #tpu.memory_space<hbm>>
      %dma_wait3A_39 = tpu.memref_squeeze %dma_wait3A_38 : memref<1x64x36xi32, #tpu.memory_space<hbm>> -> memref<64x36xi32, #tpu.memory_space<hbm>>
      %dma_wait3A_40 = arith.constant 0 : i32
      %dma_wait3A_41 = arith.constant 0 : i32
      %dma_wait3A_42 = tpu.memref_slice %arg4[%add3A, %dma_wait3A_40, %dma_wait3A_41] : memref<32x64x36xi32, #tpu.memory_space<hbm>> -> memref<1x64x36xi32, #tpu.memory_space<hbm>>
      %dma_wait3A_43 = tpu.memref_squeeze %dma_wait3A_42 : memref<1x64x36xi32, #tpu.memory_space<hbm>> -> memref<64x36xi32, #tpu.memory_space<hbm>>
      tpu.wait_dma2 semaphore(%run_scoped3A : memref<!tpu.dma_semaphore, #tpu.memory_space<semaphore_mem>>) src(%dma_wait3A_43 : memref<64x36xi32, #tpu.memory_space<hbm>>) dst(%arg7 : memref<64x36xi32, #tpu.memory_space<vmem>>)
      tpu.yield
    }) : () -> ()
    "tpu.region"() ({
      %run_scoped3A = tpu.sem_alloc : memref<!tpu.dma_semaphore, #tpu.memory_space<semaphore_mem>>
      %dma_start3A_29 = arith.constant 0 : i32
      %dma_start3A_30 = arith.constant 0 : i32
      %dma_start3A_31 = tpu.memref_slice %arg5[%add3A, %dma_start3A_29, %dma_start3A_30] : memref<32x64x4xi32, #tpu.memory_space<hbm>> -> memref<1x64x4xi32, #tpu.memory_space<hbm>>
      %dma_start3A_32 = tpu.memref_squeeze %dma_start3A_31 : memref<1x64x4xi32, #tpu.memory_space<hbm>> -> memref<64x4xi32, #tpu.memory_space<hbm>>
      %dma_start3A_33 = arith.constant 0 : i32
      %dma_start3A_34 = arith.constant 0 : i32
      %dma_start3A_35 = tpu.memref_slice %arg5[%add3A, %dma_start3A_33, %dma_start3A_34] : memref<32x64x4xi32, #tpu.memory_space<hbm>> -> memref<1x64x4xi32, #tpu.memory_space<hbm>>
      %dma_start3A_36 = tpu.memref_squeeze %dma_start3A_35 : memref<1x64x4xi32, #tpu.memory_space<hbm>> -> memref<64x4xi32, #tpu.memory_space<hbm>>
      tpu.enqueue_dma source(%dma_start3A_36 : memref<64x4xi32, #tpu.memory_space<hbm>>) target(%arg8 : memref<64x4xi32, #tpu.memory_space<vmem>>) target_semaphore(%run_scoped3A : memref<!tpu.dma_semaphore, #tpu.memory_space<semaphore_mem>>)
      %dma_wait3A = arith.constant 0 : i32
      %dma_wait3A_37 = arith.constant 0 : i32
      %dma_wait3A_38 = tpu.memref_slice %arg5[%add3A, %dma_wait3A, %dma_wait3A_37] : memref<32x64x4xi32, #tpu.memory_space<hbm>> -> memref<1x64x4xi32, #tpu.memory_space<hbm>>
      %dma_wait3A_39 = tpu.memref_squeeze %dma_wait3A_38 : memref<1x64x4xi32, #tpu.memory_space<hbm>> -> memref<64x4xi32, #tpu.memory_space<hbm>>
      %dma_wait3A_40 = arith.constant 0 : i32
      %dma_wait3A_41 = arith.constant 0 : i32
      %dma_wait3A_42 = tpu.memref_slice %arg5[%add3A, %dma_wait3A_40, %dma_wait3A_41] : memref<32x64x4xi32, #tpu.memory_space<hbm>> -> memref<1x64x4xi32, #tpu.memory_space<hbm>>
      %dma_wait3A_43 = tpu.memref_squeeze %dma_wait3A_42 : memref<1x64x4xi32, #tpu.memory_space<hbm>> -> memref<64x4xi32, #tpu.memory_space<hbm>>
      tpu.wait_dma2 semaphore(%run_scoped3A : memref<!tpu.dma_semaphore, #tpu.memory_space<semaphore_mem>>) src(%dma_wait3A_43 : memref<64x4xi32, #tpu.memory_space<hbm>>) dst(%arg8 : memref<64x4xi32, #tpu.memory_space<vmem>>)
      tpu.yield
    }) : () -> ()
    %dma_start3A = arith.constant 0 : i32
    %dma_start3A_1 = arith.constant 0 : i32
    %dma_start3A_2 = arith.constant 0 : i32
    %dma_start3A_3 = arith.constant 0 : i32
    %dma_start3A_4 = tpu.memref_slice %arg9[%dma_start3A_1, %dma_start3A_2, %dma_start3A_3] : memref<2x36x768xf32, #tpu.memory_space<vmem>> -> memref<1x36x768xf32, #tpu.memory_space<vmem>>
    %dma_start3A_5 = tpu.memref_squeeze %dma_start3A_4 : memref<1x36x768xf32, #tpu.memory_space<vmem>> -> memref<36x768xf32, #tpu.memory_space<vmem>>
    %dma_start3A_6 = arith.constant 0 : i32
    %dma_start3A_7 = tpu.memref_slice %arg7[%dma_start3A, %dma_start3A_6] : memref<64x36xi32, #tpu.memory_space<vmem>> -> memref<1x36xi32, #tpu.memory_space<vmem>>
    %dma_start3A_8 = tpu.memref_squeeze %dma_start3A_7 : memref<1x36xi32, #tpu.memory_space<vmem>> -> memref<36xi32, #tpu.memory_space<vmem>>
    %dma_start3A_9 = arith.constant 0 : i32
    %dma_start3A_10 = arith.constant 0 : i32
    %dma_start3A_11 = tpu.memref_slice %arg2[%dma_start3A_9, %dma_start3A_10] : memref<4609x768xf32, #tpu.memory_space<hbm>> -> memref<4609x768xf32, #tpu.memory_space<hbm>>
    tpu.enqueue_indirect_dma source(%dma_start3A_11 : memref<4609x768xf32, #tpu.memory_space<hbm>>) target(%dma_start3A_5 : memref<36x768xf32, #tpu.memory_space<vmem>>) offsets(%dma_start3A_8 : memref<36xi32, #tpu.memory_space<vmem>>) semaphore(%arg12 : memref<!tpu.dma_semaphore, #tpu.memory_space<semaphore_mem>>)
    %dma_start3A_12 = arith.constant 0 : i32
    %dma_start3A_13 = arith.constant 0 : i32
    %dma_start3A_14 = arith.constant 0 : i32
    %dma_start3A_15 = arith.constant 0 : i32
    %dma_start3A_16 = tpu.memref_slice %arg10[%dma_start3A_13, %dma_start3A_14, %dma_start3A_15] : memref<2x4x768xf32, #tpu.memory_space<vmem>> -> memref<1x4x768xf32, #tpu.memory_space<vmem>>
    %dma_start3A_17 = tpu.memref_squeeze %dma_start3A_16 : memref<1x4x768xf32, #tpu.memory_space<vmem>> -> memref<4x768xf32, #tpu.memory_space<vmem>>
    %dma_start3A_18 = arith.constant 0 : i32
    %dma_start3A_19 = tpu.memref_slice %arg8[%dma_start3A_12, %dma_start3A_18] : memref<64x4xi32, #tpu.memory_space<vmem>> -> memref<1x4xi32, #tpu.memory_space<vmem>>
    %dma_start3A_20 = tpu.memref_squeeze %dma_start3A_19 : memref<1x4xi32, #tpu.memory_space<vmem>> -> memref<4xi32, #tpu.memory_space<vmem>>
    %dma_start3A_21 = arith.constant 0 : i32
    %dma_start3A_22 = arith.constant 0 : i32
    %dma_start3A_23 = tpu.memref_slice %arg3[%dma_start3A_21, %dma_start3A_22] : memref<512x768xf32, #tpu.memory_space<hbm>> -> memref<512x768xf32, #tpu.memory_space<hbm>>
    tpu.enqueue_indirect_dma source(%dma_start3A_23 : memref<512x768xf32, #tpu.memory_space<hbm>>) target(%dma_start3A_17 : memref<4x768xf32, #tpu.memory_space<vmem>>) offsets(%dma_start3A_20 : memref<4xi32, #tpu.memory_space<vmem>>) semaphore(%arg12 : memref<!tpu.dma_semaphore, #tpu.memory_space<semaphore_mem>>)
    %scan3A = arith.constant 0 : i32
    %scan3A_24 = arith.constant 0 : i32
    %scan3A_25 = arith.constant 32 : i32
    %scan3A_26 = arith.addi %scan3A_24, %scan3A_25 : i32
    %scan3A_27 = arith.constant 1 : i32
    scf.for %scan3A_29 = %scan3A_24 to %scan3A_26 step %scan3A_27  : i32 {
      %mul3A_30 = arith.constant 2 : i32
      %mul3A_31 = arith.muli %scan3A_29, %mul3A_30 : i32
      %add3A_32 = arith.constant 0 : i32
      %add3A_33 = arith.addi %mul3A_31, %add3A_32 : i32
      %dma_wait3A = arith.constant 0 : i32
      %dma_wait3A_34 = arith.constant 0 : i32
      %dma_wait3A_35 = arith.constant 0 : i32
      %dma_wait3A_36 = tpu.memref_slice %arg9[%dma_wait3A, %dma_wait3A_34, %dma_wait3A_35] : memref<2x36x768xf32, #tpu.memory_space<vmem>> -> memref<1x36x768xf32, #tpu.memory_space<vmem>>
      %dma_wait3A_37 = tpu.memref_squeeze %dma_wait3A_36 : memref<1x36x768xf32, #tpu.memory_space<vmem>> -> memref<36x768xf32, #tpu.memory_space<vmem>>
      %dma_wait3A_38 = arith.constant 0 : i32
      %dma_wait3A_39 = tpu.memref_slice %arg7[%add3A_33, %dma_wait3A_38] : memref<64x36xi32, #tpu.memory_space<vmem>> -> memref<1x36xi32, #tpu.memory_space<vmem>>
      %dma_wait3A_40 = tpu.memref_squeeze %dma_wait3A_39 : memref<1x36xi32, #tpu.memory_space<vmem>> -> memref<36xi32, #tpu.memory_space<vmem>>
      %dma_wait3A_41 = arith.constant 0 : i32
      %dma_wait3A_42 = arith.constant 0 : i32
      %dma_wait3A_43 = tpu.memref_slice %arg2[%dma_wait3A_41, %dma_wait3A_42] : memref<4609x768xf32, #tpu.memory_space<hbm>> -> memref<4609x768xf32, #tpu.memory_space<hbm>>
      tpu.wait_indirect_dma semaphore(%arg12 : memref<!tpu.dma_semaphore, #tpu.memory_space<semaphore_mem>>) src(%dma_wait3A_43 : memref<4609x768xf32, #tpu.memory_space<hbm>>) dst(%dma_wait3A_37 : memref<36x768xf32, #tpu.memory_space<vmem>>)
      %dma_wait3A_44 = arith.constant 0 : i32
      %dma_wait3A_45 = arith.constant 0 : i32
      %dma_wait3A_46 = arith.constant 0 : i32
      %dma_wait3A_47 = tpu.memref_slice %arg10[%dma_wait3A_44, %dma_wait3A_45, %dma_wait3A_46] : memref<2x4x768xf32, #tpu.memory_space<vmem>> -> memref<1x4x768xf32, #tpu.memory_space<vmem>>
      %dma_wait3A_48 = tpu.memref_squeeze %dma_wait3A_47 : memref<1x4x768xf32, #tpu.memory_space<vmem>> -> memref<4x768xf32, #tpu.memory_space<vmem>>
      %dma_wait3A_49 = arith.constant 0 : i32
      %dma_wait3A_50 = tpu.memref_slice %arg8[%add3A_33, %dma_wait3A_49] : memref<64x4xi32, #tpu.memory_space<vmem>> -> memref<1x4xi32, #tpu.memory_space<vmem>>
      %dma_wait3A_51 = tpu.memref_squeeze %dma_wait3A_50 : memref<1x4xi32, #tpu.memory_space<vmem>> -> memref<4xi32, #tpu.memory_space<vmem>>
      %dma_wait3A_52 = arith.constant 0 : i32
      %dma_wait3A_53 = arith.constant 0 : i32
      %dma_wait3A_54 = tpu.memref_slice %arg3[%dma_wait3A_52, %dma_wait3A_53] : memref<512x768xf32, #tpu.memory_space<hbm>> -> memref<512x768xf32, #tpu.memory_space<hbm>>
      tpu.wait_indirect_dma semaphore(%arg12 : memref<!tpu.dma_semaphore, #tpu.memory_space<semaphore_mem>>) src(%dma_wait3A_54 : memref<512x768xf32, #tpu.memory_space<hbm>>) dst(%dma_wait3A_48 : memref<4x768xf32, #tpu.memory_space<vmem>>)
      %add3A_55 = arith.constant 1 : i32
      %add3A_56 = arith.addi %add3A_33, %add3A_55 : i32
      %lt3A = arith.constant 64 : i32
      %lt3A_57 = arith.cmpi slt, %add3A_56, %lt3A : i32
      %convert_element_type3A = arith.extui %lt3A_57 : i1 to i32
      %cond3A = arith.constant 0 : i32
      %cond3A_58 = arith.cmpi ne, %convert_element_type3A, %cond3A : i32
      scf.if %cond3A_58 {
        %add3A_150 = arith.constant 1 : i32
        %add3A_151 = arith.addi %add3A_33, %add3A_150 : i32
        %dma_start3A_152 = arith.constant 1 : i32
        %dma_start3A_153 = arith.constant 0 : i32
        %dma_start3A_154 = arith.constant 0 : i32
        %dma_start3A_155 = tpu.memref_slice %arg9[%dma_start3A_152, %dma_start3A_153, %dma_start3A_154] : memref<2x36x768xf32, #tpu.memory_space<vmem>> -> memref<1x36x768xf32, #tpu.memory_space<vmem>>
        %dma_start3A_156 = tpu.memref_squeeze %dma_start3A_155 : memref<1x36x768xf32, #tpu.memory_space<vmem>> -> memref<36x768xf32, #tpu.memory_space<vmem>>
        %dma_start3A_157 = arith.constant 0 : i32
        %dma_start3A_158 = tpu.memref_slice %arg7[%add3A_151, %dma_start3A_157] : memref<64x36xi32, #tpu.memory_space<vmem>> -> memref<1x36xi32, #tpu.memory_space<vmem>>
        %dma_start3A_159 = tpu.memref_squeeze %dma_start3A_158 : memref<1x36xi32, #tpu.memory_space<vmem>> -> memref<36xi32, #tpu.memory_space<vmem>>
        %dma_start3A_160 = arith.constant 0 : i32
        %dma_start3A_161 = arith.constant 0 : i32
        %dma_start3A_162 = tpu.memref_slice %arg2[%dma_start3A_160, %dma_start3A_161] : memref<4609x768xf32, #tpu.memory_space<hbm>> -> memref<4609x768xf32, #tpu.memory_space<hbm>>
        tpu.enqueue_indirect_dma source(%dma_start3A_162 : memref<4609x768xf32, #tpu.memory_space<hbm>>) target(%dma_start3A_156 : memref<36x768xf32, #tpu.memory_space<vmem>>) offsets(%dma_start3A_159 : memref<36xi32, #tpu.memory_space<vmem>>) semaphore(%arg13 : memref<!tpu.dma_semaphore, #tpu.memory_space<semaphore_mem>>)
        %dma_start3A_163 = arith.constant 1 : i32
        %dma_start3A_164 = arith.constant 0 : i32
        %dma_start3A_165 = arith.constant 0 : i32
        %dma_start3A_166 = tpu.memref_slice %arg10[%dma_start3A_163, %dma_start3A_164, %dma_start3A_165] : memref<2x4x768xf32, #tpu.memory_space<vmem>> -> memref<1x4x768xf32, #tpu.memory_space<vmem>>
        %dma_start3A_167 = tpu.memref_squeeze %dma_start3A_166 : memref<1x4x768xf32, #tpu.memory_space<vmem>> -> memref<4x768xf32, #tpu.memory_space<vmem>>
        %dma_start3A_168 = arith.constant 0 : i32
        %dma_start3A_169 = tpu.memref_slice %arg8[%add3A_151, %dma_start3A_168] : memref<64x4xi32, #tpu.memory_space<vmem>> -> memref<1x4xi32, #tpu.memory_space<vmem>>
        %dma_start3A_170 = tpu.memref_squeeze %dma_start3A_169 : memref<1x4xi32, #tpu.memory_space<vmem>> -> memref<4xi32, #tpu.memory_space<vmem>>
        %dma_start3A_171 = arith.constant 0 : i32
        %dma_start3A_172 = arith.constant 0 : i32
        %dma_start3A_173 = tpu.memref_slice %arg3[%dma_start3A_171, %dma_start3A_172] : memref<512x768xf32, #tpu.memory_space<hbm>> -> memref<512x768xf32, #tpu.memory_space<hbm>>
        tpu.enqueue_indirect_dma source(%dma_start3A_173 : memref<512x768xf32, #tpu.memory_space<hbm>>) target(%dma_start3A_167 : memref<4x768xf32, #tpu.memory_space<vmem>>) offsets(%dma_start3A_170 : memref<4xi32, #tpu.memory_space<vmem>>) semaphore(%arg13 : memref<!tpu.dma_semaphore, #tpu.memory_space<semaphore_mem>>)
      } else {
      }
      %scan3A_59 = arith.constant 0 : i32
      %scan3A_60 = arith.constant 0 : i32
      %scan3A_61 = arith.constant 48 : i32
      %scan3A_62 = arith.addi %scan3A_60, %scan3A_61 : i32
      %scan3A_63 = arith.constant 1 : i32
      scf.for %scan3A_150 = %scan3A_60 to %scan3A_62 step %scan3A_63  : i32 {
        %mul3A_151 = arith.constant 16 : i32
        %mul3A_152 = arith.muli %scan3A_150, %mul3A_151 : i32
        %get3A = arith.constant 0 : i32
        %get3A_153 = arith.constant 0 : i32
        %get3A_154 = arith.index_cast %get3A : i32 to index
        %get3A_155 = arith.index_cast %get3A_153 : i32 to index
        %get3A_156 = arith.index_cast %mul3A_152 : i32 to index
        %get3A_157 = tpu.vector_load %arg10[%get3A_154, %get3A_155, %get3A_156] {strides = array<i32>} : memref<2x4x768xf32, #tpu.memory_space<vmem>>, vector<16xf32>,
        %get3A_158 = arith.constant 0 : i32
        %get3A_159 = arith.constant 0 : i32
        %get3A_160 = arith.index_cast %get3A_158 : i32 to index
        %get3A_161 = arith.index_cast %get3A_159 : i32 to index
        %get3A_162 = arith.index_cast %mul3A_152 : i32 to index
        %get3A_163 = tpu.vector_load %arg9[%get3A_160, %get3A_161, %get3A_162] {strides = array<i32>} : memref<2x36x768xf32, #tpu.memory_space<vmem>>, vector<16xf32>,
        %add3A_164 = arith.addf %get3A_157, %get3A_163 : vector<16xf32>
        %get3A_165 = arith.constant 0 : i32
        %get3A_166 = arith.constant 1 : i32
        %get3A_167 = arith.index_cast %get3A_165 : i32 to index
        %get3A_168 = arith.index_cast %get3A_166 : i32 to index
        %get3A_169 = arith.index_cast %mul3A_152 : i32 to index
        %get3A_170 = tpu.vector_load %arg9[%get3A_167, %get3A_168, %get3A_169] {strides = array<i32>} : memref<2x36x768xf32, #tpu.memory_space<vmem>>, vector<16xf32>,
        %add3A_171 = arith.addf %add3A_164, %get3A_170 : vector<16xf32>
        %get3A_172 = arith.constant 0 : i32
        %get3A_173 = arith.constant 2 : i32
        %get3A_174 = arith.index_cast %get3A_172 : i32 to index
        %get3A_175 = arith.index_cast %get3A_173 : i32 to index
        %get3A_176 = arith.index_cast %mul3A_152 : i32 to index
        %get3A_177 = tpu.vector_load %arg9[%get3A_174, %get3A_175, %get3A_176] {strides = array<i32>} : memref<2x36x768xf32, #tpu.memory_space<vmem>>, vector<16xf32>,
        %add3A_178 = arith.addf %add3A_171, %get3A_177 : vector<16xf32>
        %get3A_179 = arith.constant 0 : i32
        %get3A_180 = arith.constant 3 : i32
        %get3A_181 = arith.index_cast %get3A_179 : i32 to index
        %get3A_182 = arith.index_cast %get3A_180 : i32 to index
        %get3A_183 = arith.index_cast %mul3A_152 : i32 to index
        %get3A_184 = tpu.vector_load %arg9[%get3A_181, %get3A_182, %get3A_183] {strides = array<i32>} : memref<2x36x768xf32, #tpu.memory_space<vmem>>, vector<16xf32>,
        %add3A_185 = arith.addf %add3A_178, %get3A_184 : vector<16xf32>
        %get3A_186 = arith.constant 0 : i32
        %get3A_187 = arith.constant 4 : i32
        %get3A_188 = arith.index_cast %get3A_186 : i32 to index
        %get3A_189 = arith.index_cast %get3A_187 : i32 to index
        %get3A_190 = arith.index_cast %mul3A_152 : i32 to index
        %get3A_191 = tpu.vector_load %arg9[%get3A_188, %get3A_189, %get3A_190] {strides = array<i32>} : memref<2x36x768xf32, #tpu.memory_space<vmem>>, vector<16xf32>,
        %add3A_192 = arith.addf %add3A_185, %get3A_191 : vector<16xf32>
        %get3A_193 = arith.constant 0 : i32
        %get3A_194 = arith.constant 5 : i32
        %get3A_195 = arith.index_cast %get3A_193 : i32 to index
        %get3A_196 = arith.index_cast %get3A_194 : i32 to index
        %get3A_197 = arith.index_cast %mul3A_152 : i32 to index
        %get3A_198 = tpu.vector_load %arg9[%get3A_195, %get3A_196, %get3A_197] {strides = array<i32>} : memref<2x36x768xf32, #tpu.memory_space<vmem>>, vector<16xf32>,
        %add3A_199 = arith.addf %add3A_192, %get3A_198 : vector<16xf32>
        %get3A_200 = arith.constant 0 : i32
        %get3A_201 = arith.constant 6 : i32
        %get3A_202 = arith.index_cast %get3A_200 : i32 to index
        %get3A_203 = arith.index_cast %get3A_201 : i32 to index
        %get3A_204 = arith.index_cast %mul3A_152 : i32 to index
        %get3A_205 = tpu.vector_load %arg9[%get3A_202, %get3A_203, %get3A_204] {strides = array<i32>} : memref<2x36x768xf32, #tpu.memory_space<vmem>>, vector<16xf32>,
        %add3A_206 = arith.addf %add3A_199, %get3A_205 : vector<16xf32>
        %get3A_207 = arith.constant 0 : i32
        %get3A_208 = arith.constant 7 : i32
        %get3A_209 = arith.index_cast %get3A_207 : i32 to index
        %get3A_210 = arith.index_cast %get3A_208 : i32 to index
        %get3A_211 = arith.index_cast %mul3A_152 : i32 to index
        %get3A_212 = tpu.vector_load %arg9[%get3A_209, %get3A_210, %get3A_211] {strides = array<i32>} : memref<2x36x768xf32, #tpu.memory_space<vmem>>, vector<16xf32>,
        %add3A_213 = arith.addf %add3A_206, %get3A_212 : vector<16xf32>
        %get3A_214 = arith.constant 0 : i32
        %get3A_215 = arith.constant 8 : i32
        %get3A_216 = arith.index_cast %get3A_214 : i32 to index
        %get3A_217 = arith.index_cast %get3A_215 : i32 to index
        %get3A_218 = arith.index_cast %mul3A_152 : i32 to index
        %get3A_219 = tpu.vector_load %arg9[%get3A_216, %get3A_217, %get3A_218] {strides = array<i32>} : memref<2x36x768xf32, #tpu.memory_space<vmem>>, vector<16xf32>,
        %add3A_220 = arith.addf %add3A_213, %get3A_219 : vector<16xf32>
        %swap3A = arith.constant 0 : i32
        %swap3A_221 = arith.index_cast %swap3A : i32 to index
        %swap3A_222 = arith.index_cast %mul3A_152 : i32 to index
        %swap3A_223 = tpu.vector_load %arg11[%swap3A_221, %swap3A_222] {strides = array<i32>} : memref<4x768xf32, #tpu.memory_space<vmem>>, vector<16xf32>,
        tpu.vector_store %arg11[%swap3A_221, %swap3A_222], %add3A_220 {strides = array<i32>} : memref<4x768xf32, #tpu.memory_space<vmem>>, vector<16xf32>,
      }
      %scan3A_64 = arith.constant 48 : i32
      %scan3A_65 = arith.constant 0 : i32
      %scan3A_66 = arith.constant 0 : i32
      %scan3A_67 = arith.constant 48 : i32
      %scan3A_68 = arith.addi %scan3A_66, %scan3A_67 : i32
      %scan3A_69 = arith.constant 1 : i32
      scf.for %scan3A_150 = %scan3A_66 to %scan3A_68 step %scan3A_69  : i32 {
        %mul3A_151 = arith.constant 16 : i32
        %mul3A_152 = arith.muli %scan3A_150, %mul3A_151 : i32
        %get3A = arith.constant 0 : i32
        %get3A_153 = arith.constant 1 : i32
        %get3A_154 = arith.index_cast %get3A : i32 to index
        %get3A_155 = arith.index_cast %get3A_153 : i32 to index
        %get3A_156 = arith.index_cast %mul3A_152 : i32 to index
        %get3A_157 = tpu.vector_load %arg10[%get3A_154, %get3A_155, %get3A_156] {strides = array<i32>} : memref<2x4x768xf32, #tpu.memory_space<vmem>>, vector<16xf32>,
        %get3A_158 = arith.constant 0 : i32
        %get3A_159 = arith.constant 9 : i32
        %get3A_160 = arith.index_cast %get3A_158 : i32 to index
        %get3A_161 = arith.index_cast %get3A_159 : i32 to index
        %get3A_162 = arith.index_cast %mul3A_152 : i32 to index
        %get3A_163 = tpu.vector_load %arg9[%get3A_160, %get3A_161, %get3A_162] {strides = array<i32>} : memref<2x36x768xf32, #tpu.memory_space<vmem>>, vector<16xf32>,
        %add3A_164 = arith.addf %get3A_157, %get3A_163 : vector<16xf32>
        %get3A_165 = arith.constant 0 : i32
        %get3A_166 = arith.constant 10 : i32
        %get3A_167 = arith.index_cast %get3A_165 : i32 to index
        %get3A_168 = arith.index_cast %get3A_166 : i32 to index
        %get3A_169 = arith.index_cast %mul3A_152 : i32 to index
        %get3A_170 = tpu.vector_load %arg9[%get3A_167, %get3A_168, %get3A_169] {strides = array<i32>} : memref<2x36x768xf32, #tpu.memory_space<vmem>>, vector<16xf32>,
        %add3A_171 = arith.addf %add3A_164, %get3A_170 : vector<16xf32>
        %get3A_172 = arith.constant 0 : i32
        %get3A_173 = arith.constant 11 : i32
        %get3A_174 = arith.index_cast %get3A_172 : i32 to index
        %get3A_175 = arith.index_cast %get3A_173 : i32 to index
        %get3A_176 = arith.index_cast %mul3A_152 : i32 to index
        %get3A_177 = tpu.vector_load %arg9[%get3A_174, %get3A_175, %get3A_176] {strides = array<i32>} : memref<2x36x768xf32, #tpu.memory_space<vmem>>, vector<16xf32>,
        %add3A_178 = arith.addf %add3A_171, %get3A_177 : vector<16xf32>
        %get3A_179 = arith.constant 0 : i32
        %get3A_180 = arith.constant 12 : i32
        %get3A_181 = arith.index_cast %get3A_179 : i32 to index
        %get3A_182 = arith.index_cast %get3A_180 : i32 to index
        %get3A_183 = arith.index_cast %mul3A_152 : i32 to index
        %get3A_184 = tpu.vector_load %arg9[%get3A_181, %get3A_182, %get3A_183] {strides = array<i32>} : memref<2x36x768xf32, #tpu.memory_space<vmem>>, vector<16xf32>,
        %add3A_185 = arith.addf %add3A_178, %get3A_184 : vector<16xf32>
        %get3A_186 = arith.constant 0 : i32
        %get3A_187 = arith.constant 13 : i32
        %get3A_188 = arith.index_cast %get3A_186 : i32 to index
        %get3A_189 = arith.index_cast %get3A_187 : i32 to index
        %get3A_190 = arith.index_cast %mul3A_152 : i32 to index
        %get3A_191 = tpu.vector_load %arg9[%get3A_188, %get3A_189, %get3A_190] {strides = array<i32>} : memref<2x36x768xf32, #tpu.memory_space<vmem>>, vector<16xf32>,
        %add3A_192 = arith.addf %add3A_185, %get3A_191 : vector<16xf32>
        %get3A_193 = arith.constant 0 : i32
        %get3A_194 = arith.constant 14 : i32
        %get3A_195 = arith.index_cast %get3A_193 : i32 to index
        %get3A_196 = arith.index_cast %get3A_194 : i32 to index
        %get3A_197 = arith.index_cast %mul3A_152 : i32 to index
        %get3A_198 = tpu.vector_load %arg9[%get3A_195, %get3A_196, %get3A_197] {strides = array<i32>} : memref<2x36x768xf32, #tpu.memory_space<vmem>>, vector<16xf32>,
        %add3A_199 = arith.addf %add3A_192, %get3A_198 : vector<16xf32>
        %get3A_200 = arith.constant 0 : i32
        %get3A_201 = arith.constant 15 : i32
        %get3A_202 = arith.index_cast %get3A_200 : i32 to index
        %get3A_203 = arith.index_cast %get3A_201 : i32 to index
        %get3A_204 = arith.index_cast %mul3A_152 : i32 to index
        %get3A_205 = tpu.vector_load %arg9[%get3A_202, %get3A_203, %get3A_204] {strides = array<i32>} : memref<2x36x768xf32, #tpu.memory_space<vmem>>, vector<16xf32>,
        %add3A_206 = arith.addf %add3A_199, %get3A_205 : vector<16xf32>
        %get3A_207 = arith.constant 0 : i32
        %get3A_208 = arith.constant 16 : i32
        %get3A_209 = arith.index_cast %get3A_207 : i32 to index
        %get3A_210 = arith.index_cast %get3A_208 : i32 to index
        %get3A_211 = arith.index_cast %mul3A_152 : i32 to index
        %get3A_212 = tpu.vector_load %arg9[%get3A_209, %get3A_210, %get3A_211] {strides = array<i32>} : memref<2x36x768xf32, #tpu.memory_space<vmem>>, vector<16xf32>,
        %add3A_213 = arith.addf %add3A_206, %get3A_212 : vector<16xf32>
        %get3A_214 = arith.constant 0 : i32
        %get3A_215 = arith.constant 17 : i32
        %get3A_216 = arith.index_cast %get3A_214 : i32 to index
        %get3A_217 = arith.index_cast %get3A_215 : i32 to index
        %get3A_218 = arith.index_cast %mul3A_152 : i32 to index
        %get3A_219 = tpu.vector_load %arg9[%get3A_216, %get3A_217, %get3A_218] {strides = array<i32>} : memref<2x36x768xf32, #tpu.memory_space<vmem>>, vector<16xf32>,
        %add3A_220 = arith.addf %add3A_213, %get3A_219 : vector<16xf32>
        %swap3A = arith.constant 1 : i32
        %swap3A_221 = arith.index_cast %swap3A : i32 to index
        %swap3A_222 = arith.index_cast %mul3A_152 : i32 to index
        %swap3A_223 = tpu.vector_load %arg11[%swap3A_221, %swap3A_222] {strides = array<i32>} : memref<4x768xf32, #tpu.memory_space<vmem>>, vector<16xf32>,
        tpu.vector_store %arg11[%swap3A_221, %swap3A_222], %add3A_220 {strides = array<i32>} : memref<4x768xf32, #tpu.memory_space<vmem>>, vector<16xf32>,
      }
      %scan3A_70 = arith.constant 48 : i32
      %scan3A_71 = arith.constant 0 : i32
      %scan3A_72 = arith.constant 0 : i32
      %scan3A_73 = arith.constant 48 : i32
      %scan3A_74 = arith.addi %scan3A_72, %scan3A_73 : i32
      %scan3A_75 = arith.constant 1 : i32
      scf.for %scan3A_150 = %scan3A_72 to %scan3A_74 step %scan3A_75  : i32 {
        %mul3A_151 = arith.constant 16 : i32
        %mul3A_152 = arith.muli %scan3A_150, %mul3A_151 : i32
        %get3A = arith.constant 0 : i32
        %get3A_153 = arith.constant 2 : i32
        %get3A_154 = arith.index_cast %get3A : i32 to index
        %get3A_155 = arith.index_cast %get3A_153 : i32 to index
        %get3A_156 = arith.index_cast %mul3A_152 : i32 to index
        %get3A_157 = tpu.vector_load %arg10[%get3A_154, %get3A_155, %get3A_156] {strides = array<i32>} : memref<2x4x768xf32, #tpu.memory_space<vmem>>, vector<16xf32>,
        %get3A_158 = arith.constant 0 : i32
        %get3A_159 = arith.constant 18 : i32
        %get3A_160 = arith.index_cast %get3A_158 : i32 to index
        %get3A_161 = arith.index_cast %get3A_159 : i32 to index
        %get3A_162 = arith.index_cast %mul3A_152 : i32 to index
        %get3A_163 = tpu.vector_load %arg9[%get3A_160, %get3A_161, %get3A_162] {strides = array<i32>} : memref<2x36x768xf32, #tpu.memory_space<vmem>>, vector<16xf32>,
        %add3A_164 = arith.addf %get3A_157, %get3A_163 : vector<16xf32>
        %get3A_165 = arith.constant 0 : i32
        %get3A_166 = arith.constant 19 : i32
        %get3A_167 = arith.index_cast %get3A_165 : i32 to index
        %get3A_168 = arith.index_cast %get3A_166 : i32 to index
        %get3A_169 = arith.index_cast %mul3A_152 : i32 to index
        %get3A_170 = tpu.vector_load %arg9[%get3A_167, %get3A_168, %get3A_169] {strides = array<i32>} : memref<2x36x768xf32, #tpu.memory_space<vmem>>, vector<16xf32>,
        %add3A_171 = arith.addf %add3A_164, %get3A_170 : vector<16xf32>
        %get3A_172 = arith.constant 0 : i32
        %get3A_173 = arith.constant 20 : i32
        %get3A_174 = arith.index_cast %get3A_172 : i32 to index
        %get3A_175 = arith.index_cast %get3A_173 : i32 to index
        %get3A_176 = arith.index_cast %mul3A_152 : i32 to index
        %get3A_177 = tpu.vector_load %arg9[%get3A_174, %get3A_175, %get3A_176] {strides = array<i32>} : memref<2x36x768xf32, #tpu.memory_space<vmem>>, vector<16xf32>,
        %add3A_178 = arith.addf %add3A_171, %get3A_177 : vector<16xf32>
        %get3A_179 = arith.constant 0 : i32
        %get3A_180 = arith.constant 21 : i32
        %get3A_181 = arith.index_cast %get3A_179 : i32 to index
        %get3A_182 = arith.index_cast %get3A_180 : i32 to index
        %get3A_183 = arith.index_cast %mul3A_152 : i32 to index
        %get3A_184 = tpu.vector_load %arg9[%get3A_181, %get3A_182, %get3A_183] {strides = array<i32>} : memref<2x36x768xf32, #tpu.memory_space<vmem>>, vector<16xf32>,
        %add3A_185 = arith.addf %add3A_178, %get3A_184 : vector<16xf32>
        %get3A_186 = arith.constant 0 : i32
        %get3A_187 = arith.constant 22 : i32
        %get3A_188 = arith.index_cast %get3A_186 : i32 to index
        %get3A_189 = arith.index_cast %get3A_187 : i32 to index
        %get3A_190 = arith.index_cast %mul3A_152 : i32 to index
        %get3A_191 = tpu.vector_load %arg9[%get3A_188, %get3A_189, %get3A_190] {strides = array<i32>} : memref<2x36x768xf32, #tpu.memory_space<vmem>>, vector<16xf32>,
        %add3A_192 = arith.addf %add3A_185, %get3A_191 : vector<16xf32>
        %get3A_193 = arith.constant 0 : i32
        %get3A_194 = arith.constant 23 : i32
        %get3A_195 = arith.index_cast %get3A_193 : i32 to index
        %get3A_196 = arith.index_cast %get3A_194 : i32 to index
        %get3A_197 = arith.index_cast %mul3A_152 : i32 to index
        %get3A_198 = tpu.vector_load %arg9[%get3A_195, %get3A_196, %get3A_197] {strides = array<i32>} : memref<2x36x768xf32, #tpu.memory_space<vmem>>, vector<16xf32>,
        %add3A_199 = arith.addf %add3A_192, %get3A_198 : vector<16xf32>
        %get3A_200 = arith.constant 0 : i32
        %get3A_201 = arith.constant 24 : i32
        %get3A_202 = arith.index_cast %get3A_200 : i32 to index
        %get3A_203 = arith.index_cast %get3A_201 : i32 to index
        %get3A_204 = arith.index_cast %mul3A_152 : i32 to index
        %get3A_205 = tpu.vector_load %arg9[%get3A_202, %get3A_203, %get3A_204] {strides = array<i32>} : memref<2x36x768xf32, #tpu.memory_space<vmem>>, vector<16xf32>,
        %add3A_206 = arith.addf %add3A_199, %get3A_205 : vector<16xf32>
        %get3A_207 = arith.constant 0 : i32
        %get3A_208 = arith.constant 25 : i32
        %get3A_209 = arith.index_cast %get3A_207 : i32 to index
        %get3A_210 = arith.index_cast %get3A_208 : i32 to index
        %get3A_211 = arith.index_cast %mul3A_152 : i32 to index
        %get3A_212 = tpu.vector_load %arg9[%get3A_209, %get3A_210, %get3A_211] {strides = array<i32>} : memref<2x36x768xf32, #tpu.memory_space<vmem>>, vector<16xf32>,
        %add3A_213 = arith.addf %add3A_206, %get3A_212 : vector<16xf32>
        %get3A_214 = arith.constant 0 : i32
        %get3A_215 = arith.constant 26 : i32
        %get3A_216 = arith.index_cast %get3A_214 : i32 to index
        %get3A_217 = arith.index_cast %get3A_215 : i32 to index
        %get3A_218 = arith.index_cast %mul3A_152 : i32 to index
        %get3A_219 = tpu.vector_load %arg9[%get3A_216, %get3A_217, %get3A_218] {strides = array<i32>} : memref<2x36x768xf32, #tpu.memory_space<vmem>>, vector<16xf32>,
        %add3A_220 = arith.addf %add3A_213, %get3A_219 : vector<16xf32>
        %swap3A = arith.constant 2 : i32
        %swap3A_221 = arith.index_cast %swap3A : i32 to index
        %swap3A_222 = arith.index_cast %mul3A_152 : i32 to index
        %swap3A_223 = tpu.vector_load %arg11[%swap3A_221, %swap3A_222] {strides = array<i32>} : memref<4x768xf32, #tpu.memory_space<vmem>>, vector<16xf32>,
        tpu.vector_store %arg11[%swap3A_221, %swap3A_222], %add3A_220 {strides = array<i32>} : memref<4x768xf32, #tpu.memory_space<vmem>>, vector<16xf32>,
      }
      %scan3A_76 = arith.constant 48 : i32
      %scan3A_77 = arith.constant 0 : i32
      %scan3A_78 = arith.constant 0 : i32
      %scan3A_79 = arith.constant 48 : i32
      %scan3A_80 = arith.addi %scan3A_78, %scan3A_79 : i32
      %scan3A_81 = arith.constant 1 : i32
      scf.for %scan3A_150 = %scan3A_78 to %scan3A_80 step %scan3A_81  : i32 {
        %mul3A_151 = arith.constant 16 : i32
        %mul3A_152 = arith.muli %scan3A_150, %mul3A_151 : i32
        %get3A = arith.constant 0 : i32
        %get3A_153 = arith.constant 3 : i32
        %get3A_154 = arith.index_cast %get3A : i32 to index
        %get3A_155 = arith.index_cast %get3A_153 : i32 to index
        %get3A_156 = arith.index_cast %mul3A_152 : i32 to index
        %get3A_157 = tpu.vector_load %arg10[%get3A_154, %get3A_155, %get3A_156] {strides = array<i32>} : memref<2x4x768xf32, #tpu.memory_space<vmem>>, vector<16xf32>,
        %get3A_158 = arith.constant 0 : i32
        %get3A_159 = arith.constant 27 : i32
        %get3A_160 = arith.index_cast %get3A_158 : i32 to index
        %get3A_161 = arith.index_cast %get3A_159 : i32 to index
        %get3A_162 = arith.index_cast %mul3A_152 : i32 to index
        %get3A_163 = tpu.vector_load %arg9[%get3A_160, %get3A_161, %get3A_162] {strides = array<i32>} : memref<2x36x768xf32, #tpu.memory_space<vmem>>, vector<16xf32>,
        %add3A_164 = arith.addf %get3A_157, %get3A_163 : vector<16xf32>
        %get3A_165 = arith.constant 0 : i32
        %get3A_166 = arith.constant 28 : i32
        %get3A_167 = arith.index_cast %get3A_165 : i32 to index
        %get3A_168 = arith.index_cast %get3A_166 : i32 to index
        %get3A_169 = arith.index_cast %mul3A_152 : i32 to index
        %get3A_170 = tpu.vector_load %arg9[%get3A_167, %get3A_168, %get3A_169] {strides = array<i32>} : memref<2x36x768xf32, #tpu.memory_space<vmem>>, vector<16xf32>,
        %add3A_171 = arith.addf %add3A_164, %get3A_170 : vector<16xf32>
        %get3A_172 = arith.constant 0 : i32
        %get3A_173 = arith.constant 29 : i32
        %get3A_174 = arith.index_cast %get3A_172 : i32 to index
        %get3A_175 = arith.index_cast %get3A_173 : i32 to index
        %get3A_176 = arith.index_cast %mul3A_152 : i32 to index
        %get3A_177 = tpu.vector_load %arg9[%get3A_174, %get3A_175, %get3A_176] {strides = array<i32>} : memref<2x36x768xf32, #tpu.memory_space<vmem>>, vector<16xf32>,
        %add3A_178 = arith.addf %add3A_171, %get3A_177 : vector<16xf32>
        %get3A_179 = arith.constant 0 : i32
        %get3A_180 = arith.constant 30 : i32
        %get3A_181 = arith.index_cast %get3A_179 : i32 to index
        %get3A_182 = arith.index_cast %get3A_180 : i32 to index
        %get3A_183 = arith.index_cast %mul3A_152 : i32 to index
        %get3A_184 = tpu.vector_load %arg9[%get3A_181, %get3A_182, %get3A_183] {strides = array<i32>} : memref<2x36x768xf32, #tpu.memory_space<vmem>>, vector<16xf32>,
        %add3A_185 = arith.addf %add3A_178, %get3A_184 : vector<16xf32>
        %get3A_186 = arith.constant 0 : i32
        %get3A_187 = arith.constant 31 : i32
        %get3A_188 = arith.index_cast %get3A_186 : i32 to index
        %get3A_189 = arith.index_cast %get3A_187 : i32 to index
        %get3A_190 = arith.index_cast %mul3A_152 : i32 to index
        %get3A_191 = tpu.vector_load %arg9[%get3A_188, %get3A_189, %get3A_190] {strides = array<i32>} : memref<2x36x768xf32, #tpu.memory_space<vmem>>, vector<16xf32>,
        %add3A_192 = arith.addf %add3A_185, %get3A_191 : vector<16xf32>
        %get3A_193 = arith.constant 0 : i32
        %get3A_194 = arith.constant 32 : i32
        %get3A_195 = arith.index_cast %get3A_193 : i32 to index
        %get3A_196 = arith.index_cast %get3A_194 : i32 to index
        %get3A_197 = arith.index_cast %mul3A_152 : i32 to index
        %get3A_198 = tpu.vector_load %arg9[%get3A_195, %get3A_196, %get3A_197] {strides = array<i32>} : memref<2x36x768xf32, #tpu.memory_space<vmem>>, vector<16xf32>,
        %add3A_199 = arith.addf %add3A_192, %get3A_198 : vector<16xf32>
        %get3A_200 = arith.constant 0 : i32
        %get3A_201 = arith.constant 33 : i32
        %get3A_202 = arith.index_cast %get3A_200 : i32 to index
        %get3A_203 = arith.index_cast %get3A_201 : i32 to index
        %get3A_204 = arith.index_cast %mul3A_152 : i32 to index
        %get3A_205 = tpu.vector_load %arg9[%get3A_202, %get3A_203, %get3A_204] {strides = array<i32>} : memref<2x36x768xf32, #tpu.memory_space<vmem>>, vector<16xf32>,
        %add3A_206 = arith.addf %add3A_199, %get3A_205 : vector<16xf32>
        %get3A_207 = arith.constant 0 : i32
        %get3A_208 = arith.constant 34 : i32
        %get3A_209 = arith.index_cast %get3A_207 : i32 to index
        %get3A_210 = arith.index_cast %get3A_208 : i32 to index
        %get3A_211 = arith.index_cast %mul3A_152 : i32 to index
        %get3A_212 = tpu.vector_load %arg9[%get3A_209, %get3A_210, %get3A_211] {strides = array<i32>} : memref<2x36x768xf32, #tpu.memory_space<vmem>>, vector<16xf32>,
        %add3A_213 = arith.addf %add3A_206, %get3A_212 : vector<16xf32>
        %get3A_214 = arith.constant 0 : i32
        %get3A_215 = arith.constant 35 : i32
        %get3A_216 = arith.index_cast %get3A_214 : i32 to index
        %get3A_217 = arith.index_cast %get3A_215 : i32 to index
        %get3A_218 = arith.index_cast %mul3A_152 : i32 to index
        %get3A_219 = tpu.vector_load %arg9[%get3A_216, %get3A_217, %get3A_218] {strides = array<i32>} : memref<2x36x768xf32, #tpu.memory_space<vmem>>, vector<16xf32>,
        %add3A_220 = arith.addf %add3A_213, %get3A_219 : vector<16xf32>
        %swap3A = arith.constant 3 : i32
        %swap3A_221 = arith.index_cast %swap3A : i32 to index
        %swap3A_222 = arith.index_cast %mul3A_152 : i32 to index
        %swap3A_223 = tpu.vector_load %arg11[%swap3A_221, %swap3A_222] {strides = array<i32>} : memref<4x768xf32, #tpu.memory_space<vmem>>, vector<16xf32>,
        tpu.vector_store %arg11[%swap3A_221, %swap3A_222], %add3A_220 {strides = array<i32>} : memref<4x768xf32, #tpu.memory_space<vmem>>, vector<16xf32>,
      }
      %scan3A_82 = arith.constant 48 : i32
      %mul3A_83 = arith.constant 256 : i32
      %mul3A_84 = arith.muli %add3A, %mul3A_83 : i32
      %mul3A_85 = arith.constant 4 : i32
      %mul3A_86 = arith.muli %add3A_33, %mul3A_85 : i32
      %add3A_87 = arith.addi %mul3A_84, %mul3A_86 : i32
      "tpu.region"() ({
        %run_scoped3A = tpu.sem_alloc : memref<!tpu.dma_semaphore, #tpu.memory_space<semaphore_mem>>
        %dma_start3A_150 = arith.constant 0 : i32
        %dma_start3A_151 = tpu.memref_slice %arg6[%add3A_87, %dma_start3A_150] : memref<8192x768xf32, #tpu.memory_space<hbm>> -> memref<4x768xf32, #tpu.memory_space<hbm>>
        %dma_start3A_152 = arith.constant 0 : i32
        %dma_start3A_153 = tpu.memref_slice %arg6[%add3A_87, %dma_start3A_152] : memref<8192x768xf32, #tpu.memory_space<hbm>> -> memref<4x768xf32, #tpu.memory_space<hbm>>
        tpu.enqueue_dma source(%arg11 : memref<4x768xf32, #tpu.memory_space<vmem>>) target(%dma_start3A_153 : memref<4x768xf32, #tpu.memory_space<hbm>>) target_semaphore(%run_scoped3A : memref<!tpu.dma_semaphore, #tpu.memory_space<semaphore_mem>>)
        %dma_wait3A_154 = arith.constant 0 : i32
        %dma_wait3A_155 = tpu.memref_slice %arg6[%add3A_87, %dma_wait3A_154] : memref<8192x768xf32, #tpu.memory_space<hbm>> -> memref<4x768xf32, #tpu.memory_space<hbm>>
        %dma_wait3A_156 = arith.constant 0 : i32
        %dma_wait3A_157 = tpu.memref_slice %arg6[%add3A_87, %dma_wait3A_156] : memref<8192x768xf32, #tpu.memory_space<hbm>> -> memref<4x768xf32, #tpu.memory_space<hbm>>
        tpu.wait_dma2 semaphore(%run_scoped3A : memref<!tpu.dma_semaphore, #tpu.memory_space<semaphore_mem>>) src(%arg11 : memref<4x768xf32, #tpu.memory_space<vmem>>) dst(%dma_wait3A_157 : memref<4x768xf32, #tpu.memory_space<hbm>>)
        tpu.yield
      }) : () -> ()
      %mul3A_88 = arith.constant 2 : i32
      %mul3A_89 = arith.muli %scan3A_29, %mul3A_88 : i32
      %add3A_90 = arith.constant 1 : i32
      %add3A_91 = arith.addi %mul3A_89, %add3A_90 : i32
      %dma_wait3A_92 = arith.constant 1 : i32
      %dma_wait3A_93 = arith.constant 0 : i32
      %dma_wait3A_94 = arith.constant 0 : i32
      %dma_wait3A_95 = tpu.memref_slice %arg9[%dma_wait3A_92, %dma_wait3A_93, %dma_wait3A_94] : memref<2x36x768xf32, #tpu.memory_space<vmem>> -> memref<1x36x768xf32, #tpu.memory_space<vmem>>
      %dma_wait3A_96 = tpu.memref_squeeze %dma_wait3A_95 : memref<1x36x768xf32, #tpu.memory_space<vmem>> -> memref<36x768xf32, #tpu.memory_space<vmem>>
      %dma_wait3A_97 = arith.constant 0 : i32
      %dma_wait3A_98 = tpu.memref_slice %arg7[%add3A_91, %dma_wait3A_97] : memref<64x36xi32, #tpu.memory_space<vmem>> -> memref<1x36xi32, #tpu.memory_space<vmem>>
      %dma_wait3A_99 = tpu.memref_squeeze %dma_wait3A_98 : memref<1x36xi32, #tpu.memory_space<vmem>> -> memref<36xi32, #tpu.memory_space<vmem>>
      %dma_wait3A_100 = arith.constant 0 : i32
      %dma_wait3A_101 = arith.constant 0 : i32
      %dma_wait3A_102 = tpu.memref_slice %arg2[%dma_wait3A_100, %dma_wait3A_101] : memref<4609x768xf32, #tpu.memory_space<hbm>> -> memref<4609x768xf32, #tpu.memory_space<hbm>>
      tpu.wait_indirect_dma semaphore(%arg13 : memref<!tpu.dma_semaphore, #tpu.memory_space<semaphore_mem>>) src(%dma_wait3A_102 : memref<4609x768xf32, #tpu.memory_space<hbm>>) dst(%dma_wait3A_96 : memref<36x768xf32, #tpu.memory_space<vmem>>)
      %dma_wait3A_103 = arith.constant 1 : i32
      %dma_wait3A_104 = arith.constant 0 : i32
      %dma_wait3A_105 = arith.constant 0 : i32
      %dma_wait3A_106 = tpu.memref_slice %arg10[%dma_wait3A_103, %dma_wait3A_104, %dma_wait3A_105] : memref<2x4x768xf32, #tpu.memory_space<vmem>> -> memref<1x4x768xf32, #tpu.memory_space<vmem>>
      %dma_wait3A_107 = tpu.memref_squeeze %dma_wait3A_106 : memref<1x4x768xf32, #tpu.memory_space<vmem>> -> memref<4x768xf32, #tpu.memory_space<vmem>>
      %dma_wait3A_108 = arith.constant 0 : i32
      %dma_wait3A_109 = tpu.memref_slice %arg8[%add3A_91, %dma_wait3A_108] : memref<64x4xi32, #tpu.memory_space<vmem>> -> memref<1x4xi32, #tpu.memory_space<vmem>>
      %dma_wait3A_110 = tpu.memref_squeeze %dma_wait3A_109 : memref<1x4xi32, #tpu.memory_space<vmem>> -> memref<4xi32, #tpu.memory_space<vmem>>
      %dma_wait3A_111 = arith.constant 0 : i32
      %dma_wait3A_112 = arith.constant 0 : i32
      %dma_wait3A_113 = tpu.memref_slice %arg3[%dma_wait3A_111, %dma_wait3A_112] : memref<512x768xf32, #tpu.memory_space<hbm>> -> memref<512x768xf32, #tpu.memory_space<hbm>>
      tpu.wait_indirect_dma semaphore(%arg13 : memref<!tpu.dma_semaphore, #tpu.memory_space<semaphore_mem>>) src(%dma_wait3A_113 : memref<512x768xf32, #tpu.memory_space<hbm>>) dst(%dma_wait3A_107 : memref<4x768xf32, #tpu.memory_space<vmem>>)
      %add3A_114 = arith.constant 1 : i32
      %add3A_115 = arith.addi %add3A_91, %add3A_114 : i32
      %lt3A_116 = arith.constant 64 : i32
      %lt3A_117 = arith.cmpi slt, %add3A_115, %lt3A_116 : i32
      %convert_element_type3A_118 = arith.extui %lt3A_117 : i1 to i32
      %cond3A_119 = arith.constant 0 : i32
      %cond3A_120 = arith.cmpi ne, %convert_element_type3A_118, %cond3A_119 : i32
      scf.if %cond3A_120 {
        %add3A_150 = arith.constant 1 : i32
        %add3A_151 = arith.addi %add3A_91, %add3A_150 : i32
        %dma_start3A_152 = arith.constant 0 : i32
        %dma_start3A_153 = arith.constant 0 : i32
        %dma_start3A_154 = arith.constant 0 : i32
        %dma_start3A_155 = tpu.memref_slice %arg9[%dma_start3A_152, %dma_start3A_153, %dma_start3A_154] : memref<2x36x768xf32, #tpu.memory_space<vmem>> -> memref<1x36x768xf32, #tpu.memory_space<vmem>>
        %dma_start3A_156 = tpu.memref_squeeze %dma_start3A_155 : memref<1x36x768xf32, #tpu.memory_space<vmem>> -> memref<36x768xf32, #tpu.memory_space<vmem>>
        %dma_start3A_157 = arith.constant 0 : i32
        %dma_start3A_158 = tpu.memref_slice %arg7[%add3A_151, %dma_start3A_157] : memref<64x36xi32, #tpu.memory_space<vmem>> -> memref<1x36xi32, #tpu.memory_space<vmem>>
        %dma_start3A_159 = tpu.memref_squeeze %dma_start3A_158 : memref<1x36xi32, #tpu.memory_space<vmem>> -> memref<36xi32, #tpu.memory_space<vmem>>
        %dma_start3A_160 = arith.constant 0 : i32
        %dma_start3A_161 = arith.constant 0 : i32
        %dma_start3A_162 = tpu.memref_slice %arg2[%dma_start3A_160, %dma_start3A_161] : memref<4609x768xf32, #tpu.memory_space<hbm>> -> memref<4609x768xf32, #tpu.memory_space<hbm>>
        tpu.enqueue_indirect_dma source(%dma_start3A_162 : memref<4609x768xf32, #tpu.memory_space<hbm>>) target(%dma_start3A_156 : memref<36x768xf32, #tpu.memory_space<vmem>>) offsets(%dma_start3A_159 : memref<36xi32, #tpu.memory_space<vmem>>) semaphore(%arg12 : memref<!tpu.dma_semaphore, #tpu.memory_space<semaphore_mem>>)
        %dma_start3A_163 = arith.constant 0 : i32
        %dma_start3A_164 = arith.constant 0 : i32
        %dma_start3A_165 = arith.constant 0 : i32
        %dma_start3A_166 = tpu.memref_slice %arg10[%dma_start3A_163, %dma_start3A_164, %dma_start3A_165] : memref<2x4x768xf32, #tpu.memory_space<vmem>> -> memref<1x4x768xf32, #tpu.memory_space<vmem>>
        %dma_start3A_167 = tpu.memref_squeeze %dma_start3A_166 : memref<1x4x768xf32, #tpu.memory_space<vmem>> -> memref<4x768xf32, #tpu.memory_space<vmem>>
        %dma_start3A_168 = arith.constant 0 : i32
        %dma_start3A_169 = tpu.memref_slice %arg8[%add3A_151, %dma_start3A_168] : memref<64x4xi32, #tpu.memory_space<vmem>> -> memref<1x4xi32, #tpu.memory_space<vmem>>
        %dma_start3A_170 = tpu.memref_squeeze %dma_start3A_169 : memref<1x4xi32, #tpu.memory_space<vmem>> -> memref<4xi32, #tpu.memory_space<vmem>>
        %dma_start3A_171 = arith.constant 0 : i32
        %dma_start3A_172 = arith.constant 0 : i32
        %dma_start3A_173 = tpu.memref_slice %arg3[%dma_start3A_171, %dma_start3A_172] : memref<512x768xf32, #tpu.memory_space<hbm>> -> memref<512x768xf32, #tpu.memory_space<hbm>>
        tpu.enqueue_indirect_dma source(%dma_start3A_173 : memref<512x768xf32, #tpu.memory_space<hbm>>) target(%dma_start3A_167 : memref<4x768xf32, #tpu.memory_space<vmem>>) offsets(%dma_start3A_170 : memref<4xi32, #tpu.memory_space<vmem>>) semaphore(%arg12 : memref<!tpu.dma_semaphore, #tpu.memory_space<semaphore_mem>>)
      } else {
      }
      %scan3A_121 = arith.constant 0 : i32
      %scan3A_122 = arith.constant 0 : i32
      %scan3A_123 = arith.constant 48 : i32
      %scan3A_124 = arith.addi %scan3A_122, %scan3A_123 : i32
      %scan3A_125 = arith.constant 1 : i32
      scf.for %scan3A_150 = %scan3A_122 to %scan3A_124 step %scan3A_125  : i32 {
        %mul3A_151 = arith.constant 16 : i32
        %mul3A_152 = arith.muli %scan3A_150, %mul3A_151 : i32
        %get3A = arith.constant 1 : i32
        %get3A_153 = arith.constant 0 : i32
        %get3A_154 = arith.index_cast %get3A : i32 to index
        %get3A_155 = arith.index_cast %get3A_153 : i32 to index
        %get3A_156 = arith.index_cast %mul3A_152 : i32 to index
        %get3A_157 = tpu.vector_load %arg10[%get3A_154, %get3A_155, %get3A_156] {strides = array<i32>} : memref<2x4x768xf32, #tpu.memory_space<vmem>>, vector<16xf32>,
        %get3A_158 = arith.constant 1 : i32
        %get3A_159 = arith.constant 0 : i32
        %get3A_160 = arith.index_cast %get3A_158 : i32 to index
        %get3A_161 = arith.index_cast %get3A_159 : i32 to index
        %get3A_162 = arith.index_cast %mul3A_152 : i32 to index
        %get3A_163 = tpu.vector_load %arg9[%get3A_160, %get3A_161, %get3A_162] {strides = array<i32>} : memref<2x36x768xf32, #tpu.memory_space<vmem>>, vector<16xf32>,
        %add3A_164 = arith.addf %get3A_157, %get3A_163 : vector<16xf32>
        %get3A_165 = arith.constant 1 : i32
        %get3A_166 = arith.constant 1 : i32
        %get3A_167 = arith.index_cast %get3A_165 : i32 to index
        %get3A_168 = arith.index_cast %get3A_166 : i32 to index
        %get3A_169 = arith.index_cast %mul3A_152 : i32 to index
        %get3A_170 = tpu.vector_load %arg9[%get3A_167, %get3A_168, %get3A_169] {strides = array<i32>} : memref<2x36x768xf32, #tpu.memory_space<vmem>>, vector<16xf32>,
        %add3A_171 = arith.addf %add3A_164, %get3A_170 : vector<16xf32>
        %get3A_172 = arith.constant 1 : i32
        %get3A_173 = arith.constant 2 : i32
        %get3A_174 = arith.index_cast %get3A_172 : i32 to index
        %get3A_175 = arith.index_cast %get3A_173 : i32 to index
        %get3A_176 = arith.index_cast %mul3A_152 : i32 to index
        %get3A_177 = tpu.vector_load %arg9[%get3A_174, %get3A_175, %get3A_176] {strides = array<i32>} : memref<2x36x768xf32, #tpu.memory_space<vmem>>, vector<16xf32>,
        %add3A_178 = arith.addf %add3A_171, %get3A_177 : vector<16xf32>
        %get3A_179 = arith.constant 1 : i32
        %get3A_180 = arith.constant 3 : i32
        %get3A_181 = arith.index_cast %get3A_179 : i32 to index
        %get3A_182 = arith.index_cast %get3A_180 : i32 to index
        %get3A_183 = arith.index_cast %mul3A_152 : i32 to index
        %get3A_184 = tpu.vector_load %arg9[%get3A_181, %get3A_182, %get3A_183] {strides = array<i32>} : memref<2x36x768xf32, #tpu.memory_space<vmem>>, vector<16xf32>,
        %add3A_185 = arith.addf %add3A_178, %get3A_184 : vector<16xf32>
        %get3A_186 = arith.constant 1 : i32
        %get3A_187 = arith.constant 4 : i32
        %get3A_188 = arith.index_cast %get3A_186 : i32 to index
        %get3A_189 = arith.index_cast %get3A_187 : i32 to index
        %get3A_190 = arith.index_cast %mul3A_152 : i32 to index
        %get3A_191 = tpu.vector_load %arg9[%get3A_188, %get3A_189, %get3A_190] {strides = array<i32>} : memref<2x36x768xf32, #tpu.memory_space<vmem>>, vector<16xf32>,
        %add3A_192 = arith.addf %add3A_185, %get3A_191 : vector<16xf32>
        %get3A_193 = arith.constant 1 : i32
        %get3A_194 = arith.constant 5 : i32
        %get3A_195 = arith.index_cast %get3A_193 : i32 to index
        %get3A_196 = arith.index_cast %get3A_194 : i32 to index
        %get3A_197 = arith.index_cast %mul3A_152 : i32 to index
        %get3A_198 = tpu.vector_load %arg9[%get3A_195, %get3A_196, %get3A_197] {strides = array<i32>} : memref<2x36x768xf32, #tpu.memory_space<vmem>>, vector<16xf32>,
        %add3A_199 = arith.addf %add3A_192, %get3A_198 : vector<16xf32>
        %get3A_200 = arith.constant 1 : i32
        %get3A_201 = arith.constant 6 : i32
        %get3A_202 = arith.index_cast %get3A_200 : i32 to index
        %get3A_203 = arith.index_cast %get3A_201 : i32 to index
        %get3A_204 = arith.index_cast %mul3A_152 : i32 to index
        %get3A_205 = tpu.vector_load %arg9[%get3A_202, %get3A_203, %get3A_204] {strides = array<i32>} : memref<2x36x768xf32, #tpu.memory_space<vmem>>, vector<16xf32>,
        %add3A_206 = arith.addf %add3A_199, %get3A_205 : vector<16xf32>
        %get3A_207 = arith.constant 1 : i32
        %get3A_208 = arith.constant 7 : i32
        %get3A_209 = arith.index_cast %get3A_207 : i32 to index
        %get3A_210 = arith.index_cast %get3A_208 : i32 to index
        %get3A_211 = arith.index_cast %mul3A_152 : i32 to index
        %get3A_212 = tpu.vector_load %arg9[%get3A_209, %get3A_210, %get3A_211] {strides = array<i32>} : memref<2x36x768xf32, #tpu.memory_space<vmem>>, vector<16xf32>,
        %add3A_213 = arith.addf %add3A_206, %get3A_212 : vector<16xf32>
        %get3A_214 = arith.constant 1 : i32
        %get3A_215 = arith.constant 8 : i32
        %get3A_216 = arith.index_cast %get3A_214 : i32 to index
        %get3A_217 = arith.index_cast %get3A_215 : i32 to index
        %get3A_218 = arith.index_cast %mul3A_152 : i32 to index
        %get3A_219 = tpu.vector_load %arg9[%get3A_216, %get3A_217, %get3A_218] {strides = array<i32>} : memref<2x36x768xf32, #tpu.memory_space<vmem>>, vector<16xf32>,
        %add3A_220 = arith.addf %add3A_213, %get3A_219 : vector<16xf32>
        %swap3A = arith.constant 0 : i32
        %swap3A_221 = arith.index_cast %swap3A : i32 to index
        %swap3A_222 = arith.index_cast %mul3A_152 : i32 to index
        %swap3A_223 = tpu.vector_load %arg11[%swap3A_221, %swap3A_222] {strides = array<i32>} : memref<4x768xf32, #tpu.memory_space<vmem>>, vector<16xf32>,
        tpu.vector_store %arg11[%swap3A_221, %swap3A_222], %add3A_220 {strides = array<i32>} : memref<4x768xf32, #tpu.memory_space<vmem>>, vector<16xf32>,
      }
      %scan3A_126 = arith.constant 48 : i32
      %scan3A_127 = arith.constant 0 : i32
      %scan3A_128 = arith.constant 0 : i32
      %scan3A_129 = arith.constant 48 : i32
      %scan3A_130 = arith.addi %scan3A_128, %scan3A_129 : i32
      %scan3A_131 = arith.constant 1 : i32
      scf.for %scan3A_150 = %scan3A_128 to %scan3A_130 step %scan3A_131  : i32 {
        %mul3A_151 = arith.constant 16 : i32
        %mul3A_152 = arith.muli %scan3A_150, %mul3A_151 : i32
        %get3A = arith.constant 1 : i32
        %get3A_153 = arith.constant 1 : i32
        %get3A_154 = arith.index_cast %get3A : i32 to index
        %get3A_155 = arith.index_cast %get3A_153 : i32 to index
        %get3A_156 = arith.index_cast %mul3A_152 : i32 to index
        %get3A_157 = tpu.vector_load %arg10[%get3A_154, %get3A_155, %get3A_156] {strides = array<i32>} : memref<2x4x768xf32, #tpu.memory_space<vmem>>, vector<16xf32>,
        %get3A_158 = arith.constant 1 : i32
        %get3A_159 = arith.constant 9 : i32
        %get3A_160 = arith.index_cast %get3A_158 : i32 to index
        %get3A_161 = arith.index_cast %get3A_159 : i32 to index
        %get3A_162 = arith.index_cast %mul3A_152 : i32 to index
        %get3A_163 = tpu.vector_load %arg9[%get3A_160, %get3A_161, %get3A_162] {strides = array<i32>} : memref<2x36x768xf32, #tpu.memory_space<vmem>>, vector<16xf32>,
        %add3A_164 = arith.addf %get3A_157, %get3A_163 : vector<16xf32>
        %get3A_165 = arith.constant 1 : i32
        %get3A_166 = arith.constant 10 : i32
        %get3A_167 = arith.index_cast %get3A_165 : i32 to index
        %get3A_168 = arith.index_cast %get3A_166 : i32 to index
        %get3A_169 = arith.index_cast %mul3A_152 : i32 to index
        %get3A_170 = tpu.vector_load %arg9[%get3A_167, %get3A_168, %get3A_169] {strides = array<i32>} : memref<2x36x768xf32, #tpu.memory_space<vmem>>, vector<16xf32>,
        %add3A_171 = arith.addf %add3A_164, %get3A_170 : vector<16xf32>
        %get3A_172 = arith.constant 1 : i32
        %get3A_173 = arith.constant 11 : i32
        %get3A_174 = arith.index_cast %get3A_172 : i32 to index
        %get3A_175 = arith.index_cast %get3A_173 : i32 to index
        %get3A_176 = arith.index_cast %mul3A_152 : i32 to index
        %get3A_177 = tpu.vector_load %arg9[%get3A_174, %get3A_175, %get3A_176] {strides = array<i32>} : memref<2x36x768xf32, #tpu.memory_space<vmem>>, vector<16xf32>,
        %add3A_178 = arith.addf %add3A_171, %get3A_177 : vector<16xf32>
        %get3A_179 = arith.constant 1 : i32
        %get3A_180 = arith.constant 12 : i32
        %get3A_181 = arith.index_cast %get3A_179 : i32 to index
        %get3A_182 = arith.index_cast %get3A_180 : i32 to index
        %get3A_183 = arith.index_cast %mul3A_152 : i32 to index
        %get3A_184 = tpu.vector_load %arg9[%get3A_181, %get3A_182, %get3A_183] {strides = array<i32>} : memref<2x36x768xf32, #tpu.memory_space<vmem>>, vector<16xf32>,
        %add3A_185 = arith.addf %add3A_178, %get3A_184 : vector<16xf32>
        %get3A_186 = arith.constant 1 : i32
        %get3A_187 = arith.constant 13 : i32
        %get3A_188 = arith.index_cast %get3A_186 : i32 to index
        %get3A_189 = arith.index_cast %get3A_187 : i32 to index
        %get3A_190 = arith.index_cast %mul3A_152 : i32 to index
        %get3A_191 = tpu.vector_load %arg9[%get3A_188, %get3A_189, %get3A_190] {strides = array<i32>} : memref<2x36x768xf32, #tpu.memory_space<vmem>>, vector<16xf32>,
        %add3A_192 = arith.addf %add3A_185, %get3A_191 : vector<16xf32>
        %get3A_193 = arith.constant 1 : i32
        %get3A_194 = arith.constant 14 : i32
        %get3A_195 = arith.index_cast %get3A_193 : i32 to index
        %get3A_196 = arith.index_cast %get3A_194 : i32 to index
        %get3A_197 = arith.index_cast %mul3A_152 : i32 to index
        %get3A_198 = tpu.vector_load %arg9[%get3A_195, %get3A_196, %get3A_197] {strides = array<i32>} : memref<2x36x768xf32, #tpu.memory_space<vmem>>, vector<16xf32>,
        %add3A_199 = arith.addf %add3A_192, %get3A_198 : vector<16xf32>
        %get3A_200 = arith.constant 1 : i32
        %get3A_201 = arith.constant 15 : i32
        %get3A_202 = arith.index_cast %get3A_200 : i32 to index
        %get3A_203 = arith.index_cast %get3A_201 : i32 to index
        %get3A_204 = arith.index_cast %mul3A_152 : i32 to index
        %get3A_205 = tpu.vector_load %arg9[%get3A_202, %get3A_203, %get3A_204] {strides = array<i32>} : memref<2x36x768xf32, #tpu.memory_space<vmem>>, vector<16xf32>,
        %add3A_206 = arith.addf %add3A_199, %get3A_205 : vector<16xf32>
        %get3A_207 = arith.constant 1 : i32
        %get3A_208 = arith.constant 16 : i32
        %get3A_209 = arith.index_cast %get3A_207 : i32 to index
        %get3A_210 = arith.index_cast %get3A_208 : i32 to index
        %get3A_211 = arith.index_cast %mul3A_152 : i32 to index
        %get3A_212 = tpu.vector_load %arg9[%get3A_209, %get3A_210, %get3A_211] {strides = array<i32>} : memref<2x36x768xf32, #tpu.memory_space<vmem>>, vector<16xf32>,
        %add3A_213 = arith.addf %add3A_206, %get3A_212 : vector<16xf32>
        %get3A_214 = arith.constant 1 : i32
        %get3A_215 = arith.constant 17 : i32
        %get3A_216 = arith.index_cast %get3A_214 : i32 to index
        %get3A_217 = arith.index_cast %get3A_215 : i32 to index
        %get3A_218 = arith.index_cast %mul3A_152 : i32 to index
        %get3A_219 = tpu.vector_load %arg9[%get3A_216, %get3A_217, %get3A_218] {strides = array<i32>} : memref<2x36x768xf32, #tpu.memory_space<vmem>>, vector<16xf32>,
        %add3A_220 = arith.addf %add3A_213, %get3A_219 : vector<16xf32>
        %swap3A = arith.constant 1 : i32
        %swap3A_221 = arith.index_cast %swap3A : i32 to index
        %swap3A_222 = arith.index_cast %mul3A_152 : i32 to index
        %swap3A_223 = tpu.vector_load %arg11[%swap3A_221, %swap3A_222] {strides = array<i32>} : memref<4x768xf32, #tpu.memory_space<vmem>>, vector<16xf32>,
        tpu.vector_store %arg11[%swap3A_221, %swap3A_222], %add3A_220 {strides = array<i32>} : memref<4x768xf32, #tpu.memory_space<vmem>>, vector<16xf32>,
      }
      %scan3A_132 = arith.constant 48 : i32
      %scan3A_133 = arith.constant 0 : i32
      %scan3A_134 = arith.constant 0 : i32
      %scan3A_135 = arith.constant 48 : i32
      %scan3A_136 = arith.addi %scan3A_134, %scan3A_135 : i32
      %scan3A_137 = arith.constant 1 : i32
      scf.for %scan3A_150 = %scan3A_134 to %scan3A_136 step %scan3A_137  : i32 {
        %mul3A_151 = arith.constant 16 : i32
        %mul3A_152 = arith.muli %scan3A_150, %mul3A_151 : i32
        %get3A = arith.constant 1 : i32
        %get3A_153 = arith.constant 2 : i32
        %get3A_154 = arith.index_cast %get3A : i32 to index
        %get3A_155 = arith.index_cast %get3A_153 : i32 to index
        %get3A_156 = arith.index_cast %mul3A_152 : i32 to index
        %get3A_157 = tpu.vector_load %arg10[%get3A_154, %get3A_155, %get3A_156] {strides = array<i32>} : memref<2x4x768xf32, #tpu.memory_space<vmem>>, vector<16xf32>,
        %get3A_158 = arith.constant 1 : i32
        %get3A_159 = arith.constant 18 : i32
        %get3A_160 = arith.index_cast %get3A_158 : i32 to index
        %get3A_161 = arith.index_cast %get3A_159 : i32 to index
        %get3A_162 = arith.index_cast %mul3A_152 : i32 to index
        %get3A_163 = tpu.vector_load %arg9[%get3A_160, %get3A_161, %get3A_162] {strides = array<i32>} : memref<2x36x768xf32, #tpu.memory_space<vmem>>, vector<16xf32>,
        %add3A_164 = arith.addf %get3A_157, %get3A_163 : vector<16xf32>
        %get3A_165 = arith.constant 1 : i32
        %get3A_166 = arith.constant 19 : i32
        %get3A_167 = arith.index_cast %get3A_165 : i32 to index
        %get3A_168 = arith.index_cast %get3A_166 : i32 to index
        %get3A_169 = arith.index_cast %mul3A_152 : i32 to index
        %get3A_170 = tpu.vector_load %arg9[%get3A_167, %get3A_168, %get3A_169] {strides = array<i32>} : memref<2x36x768xf32, #tpu.memory_space<vmem>>, vector<16xf32>,
        %add3A_171 = arith.addf %add3A_164, %get3A_170 : vector<16xf32>
        %get3A_172 = arith.constant 1 : i32
        %get3A_173 = arith.constant 20 : i32
        %get3A_174 = arith.index_cast %get3A_172 : i32 to index
        %get3A_175 = arith.index_cast %get3A_173 : i32 to index
        %get3A_176 = arith.index_cast %mul3A_152 : i32 to index
        %get3A_177 = tpu.vector_load %arg9[%get3A_174, %get3A_175, %get3A_176] {strides = array<i32>} : memref<2x36x768xf32, #tpu.memory_space<vmem>>, vector<16xf32>,
        %add3A_178 = arith.addf %add3A_171, %get3A_177 : vector<16xf32>
        %get3A_179 = arith.constant 1 : i32
        %get3A_180 = arith.constant 21 : i32
        %get3A_181 = arith.index_cast %get3A_179 : i32 to index
        %get3A_182 = arith.index_cast %get3A_180 : i32 to index
        %get3A_183 = arith.index_cast %mul3A_152 : i32 to index
        %get3A_184 = tpu.vector_load %arg9[%get3A_181, %get3A_182, %get3A_183] {strides = array<i32>} : memref<2x36x768xf32, #tpu.memory_space<vmem>>, vector<16xf32>,
        %add3A_185 = arith.addf %add3A_178, %get3A_184 : vector<16xf32>
        %get3A_186 = arith.constant 1 : i32
        %get3A_187 = arith.constant 22 : i32
        %get3A_188 = arith.index_cast %get3A_186 : i32 to index
        %get3A_189 = arith.index_cast %get3A_187 : i32 to index
        %get3A_190 = arith.index_cast %mul3A_152 : i32 to index
        %get3A_191 = tpu.vector_load %arg9[%get3A_188, %get3A_189, %get3A_190] {strides = array<i32>} : memref<2x36x768xf32, #tpu.memory_space<vmem>>, vector<16xf32>,
        %add3A_192 = arith.addf %add3A_185, %get3A_191 : vector<16xf32>
        %get3A_193 = arith.constant 1 : i32
        %get3A_194 = arith.constant 23 : i32
        %get3A_195 = arith.index_cast %get3A_193 : i32 to index
        %get3A_196 = arith.index_cast %get3A_194 : i32 to index
        %get3A_197 = arith.index_cast %mul3A_152 : i32 to index
        %get3A_198 = tpu.vector_load %arg9[%get3A_195, %get3A_196, %get3A_197] {strides = array<i32>} : memref<2x36x768xf32, #tpu.memory_space<vmem>>, vector<16xf32>,
        %add3A_199 = arith.addf %add3A_192, %get3A_198 : vector<16xf32>
        %get3A_200 = arith.constant 1 : i32
        %get3A_201 = arith.constant 24 : i32
        %get3A_202 = arith.index_cast %get3A_200 : i32 to index
        %get3A_203 = arith.index_cast %get3A_201 : i32 to index
        %get3A_204 = arith.index_cast %mul3A_152 : i32 to index
        %get3A_205 = tpu.vector_load %arg9[%get3A_202, %get3A_203, %get3A_204] {strides = array<i32>} : memref<2x36x768xf32, #tpu.memory_space<vmem>>, vector<16xf32>,
        %add3A_206 = arith.addf %add3A_199, %get3A_205 : vector<16xf32>
        %get3A_207 = arith.constant 1 : i32
        %get3A_208 = arith.constant 25 : i32
        %get3A_209 = arith.index_cast %get3A_207 : i32 to index
        %get3A_210 = arith.index_cast %get3A_208 : i32 to index
        %get3A_211 = arith.index_cast %mul3A_152 : i32 to index
        %get3A_212 = tpu.vector_load %arg9[%get3A_209, %get3A_210, %get3A_211] {strides = array<i32>} : memref<2x36x768xf32, #tpu.memory_space<vmem>>, vector<16xf32>,
        %add3A_213 = arith.addf %add3A_206, %get3A_212 : vector<16xf32>
        %get3A_214 = arith.constant 1 : i32
        %get3A_215 = arith.constant 26 : i32
        %get3A_216 = arith.index_cast %get3A_214 : i32 to index
        %get3A_217 = arith.index_cast %get3A_215 : i32 to index
        %get3A_218 = arith.index_cast %mul3A_152 : i32 to index
        %get3A_219 = tpu.vector_load %arg9[%get3A_216, %get3A_217, %get3A_218] {strides = array<i32>} : memref<2x36x768xf32, #tpu.memory_space<vmem>>, vector<16xf32>,
        %add3A_220 = arith.addf %add3A_213, %get3A_219 : vector<16xf32>
        %swap3A = arith.constant 2 : i32
        %swap3A_221 = arith.index_cast %swap3A : i32 to index
        %swap3A_222 = arith.index_cast %mul3A_152 : i32 to index
        %swap3A_223 = tpu.vector_load %arg11[%swap3A_221, %swap3A_222] {strides = array<i32>} : memref<4x768xf32, #tpu.memory_space<vmem>>, vector<16xf32>,
        tpu.vector_store %arg11[%swap3A_221, %swap3A_222], %add3A_220 {strides = array<i32>} : memref<4x768xf32, #tpu.memory_space<vmem>>, vector<16xf32>,
      }
      %scan3A_138 = arith.constant 48 : i32
      %scan3A_139 = arith.constant 0 : i32
      %scan3A_140 = arith.constant 0 : i32
      %scan3A_141 = arith.constant 48 : i32
      %scan3A_142 = arith.addi %scan3A_140, %scan3A_141 : i32
      %scan3A_143 = arith.constant 1 : i32
      scf.for %scan3A_150 = %scan3A_140 to %scan3A_142 step %scan3A_143  : i32 {
        %mul3A_151 = arith.constant 16 : i32
        %mul3A_152 = arith.muli %scan3A_150, %mul3A_151 : i32
        %get3A = arith.constant 1 : i32
        %get3A_153 = arith.constant 3 : i32
        %get3A_154 = arith.index_cast %get3A : i32 to index
        %get3A_155 = arith.index_cast %get3A_153 : i32 to index
        %get3A_156 = arith.index_cast %mul3A_152 : i32 to index
        %get3A_157 = tpu.vector_load %arg10[%get3A_154, %get3A_155, %get3A_156] {strides = array<i32>} : memref<2x4x768xf32, #tpu.memory_space<vmem>>, vector<16xf32>,
        %get3A_158 = arith.constant 1 : i32
        %get3A_159 = arith.constant 27 : i32
        %get3A_160 = arith.index_cast %get3A_158 : i32 to index
        %get3A_161 = arith.index_cast %get3A_159 : i32 to index
        %get3A_162 = arith.index_cast %mul3A_152 : i32 to index
        %get3A_163 = tpu.vector_load %arg9[%get3A_160, %get3A_161, %get3A_162] {strides = array<i32>} : memref<2x36x768xf32, #tpu.memory_space<vmem>>, vector<16xf32>,
        %add3A_164 = arith.addf %get3A_157, %get3A_163 : vector<16xf32>
        %get3A_165 = arith.constant 1 : i32
        %get3A_166 = arith.constant 28 : i32
        %get3A_167 = arith.index_cast %get3A_165 : i32 to index
        %get3A_168 = arith.index_cast %get3A_166 : i32 to index
        %get3A_169 = arith.index_cast %mul3A_152 : i32 to index
        %get3A_170 = tpu.vector_load %arg9[%get3A_167, %get3A_168, %get3A_169] {strides = array<i32>} : memref<2x36x768xf32, #tpu.memory_space<vmem>>, vector<16xf32>,
        %add3A_171 = arith.addf %add3A_164, %get3A_170 : vector<16xf32>
        %get3A_172 = arith.constant 1 : i32
        %get3A_173 = arith.constant 29 : i32
        %get3A_174 = arith.index_cast %get3A_172 : i32 to index
        %get3A_175 = arith.index_cast %get3A_173 : i32 to index
        %get3A_176 = arith.index_cast %mul3A_152 : i32 to index
        %get3A_177 = tpu.vector_load %arg9[%get3A_174, %get3A_175, %get3A_176] {strides = array<i32>} : memref<2x36x768xf32, #tpu.memory_space<vmem>>, vector<16xf32>,
        %add3A_178 = arith.addf %add3A_171, %get3A_177 : vector<16xf32>
        %get3A_179 = arith.constant 1 : i32
        %get3A_180 = arith.constant 30 : i32
        %get3A_181 = arith.index_cast %get3A_179 : i32 to index
        %get3A_182 = arith.index_cast %get3A_180 : i32 to index
        %get3A_183 = arith.index_cast %mul3A_152 : i32 to index
        %get3A_184 = tpu.vector_load %arg9[%get3A_181, %get3A_182, %get3A_183] {strides = array<i32>} : memref<2x36x768xf32, #tpu.memory_space<vmem>>, vector<16xf32>,
        %add3A_185 = arith.addf %add3A_178, %get3A_184 : vector<16xf32>
        %get3A_186 = arith.constant 1 : i32
        %get3A_187 = arith.constant 31 : i32
        %get3A_188 = arith.index_cast %get3A_186 : i32 to index
        %get3A_189 = arith.index_cast %get3A_187 : i32 to index
        %get3A_190 = arith.index_cast %mul3A_152 : i32 to index
        %get3A_191 = tpu.vector_load %arg9[%get3A_188, %get3A_189, %get3A_190] {strides = array<i32>} : memref<2x36x768xf32, #tpu.memory_space<vmem>>, vector<16xf32>,
        %add3A_192 = arith.addf %add3A_185, %get3A_191 : vector<16xf32>
        %get3A_193 = arith.constant 1 : i32
        %get3A_194 = arith.constant 32 : i32
        %get3A_195 = arith.index_cast %get3A_193 : i32 to index
        %get3A_196 = arith.index_cast %get3A_194 : i32 to index
        %get3A_197 = arith.index_cast %mul3A_152 : i32 to index
        %get3A_198 = tpu.vector_load %arg9[%get3A_195, %get3A_196, %get3A_197] {strides = array<i32>} : memref<2x36x768xf32, #tpu.memory_space<vmem>>, vector<16xf32>,
        %add3A_199 = arith.addf %add3A_192, %get3A_198 : vector<16xf32>
        %get3A_200 = arith.constant 1 : i32
        %get3A_201 = arith.constant 33 : i32
        %get3A_202 = arith.index_cast %get3A_200 : i32 to index
        %get3A_203 = arith.index_cast %get3A_201 : i32 to index
        %get3A_204 = arith.index_cast %mul3A_152 : i32 to index
        %get3A_205 = tpu.vector_load %arg9[%get3A_202, %get3A_203, %get3A_204] {strides = array<i32>} : memref<2x36x768xf32, #tpu.memory_space<vmem>>, vector<16xf32>,
        %add3A_206 = arith.addf %add3A_199, %get3A_205 : vector<16xf32>
        %get3A_207 = arith.constant 1 : i32
        %get3A_208 = arith.constant 34 : i32
        %get3A_209 = arith.index_cast %get3A_207 : i32 to index
        %get3A_210 = arith.index_cast %get3A_208 : i32 to index
        %get3A_211 = arith.index_cast %mul3A_152 : i32 to index
        %get3A_212 = tpu.vector_load %arg9[%get3A_209, %get3A_210, %get3A_211] {strides = array<i32>} : memref<2x36x768xf32, #tpu.memory_space<vmem>>, vector<16xf32>,
        %add3A_213 = arith.addf %add3A_206, %get3A_212 : vector<16xf32>
        %get3A_214 = arith.constant 1 : i32
        %get3A_215 = arith.constant 35 : i32
        %get3A_216 = arith.index_cast %get3A_214 : i32 to index
        %get3A_217 = arith.index_cast %get3A_215 : i32 to index
        %get3A_218 = arith.index_cast %mul3A_152 : i32 to index
        %get3A_219 = tpu.vector_load %arg9[%get3A_216, %get3A_217, %get3A_218] {strides = array<i32>} : memref<2x36x768xf32, #tpu.memory_space<vmem>>, vector<16xf32>,
        %add3A_220 = arith.addf %add3A_213, %get3A_219 : vector<16xf32>
        %swap3A = arith.constant 3 : i32
        %swap3A_221 = arith.index_cast %swap3A : i32 to index
        %swap3A_222 = arith.index_cast %mul3A_152 : i32 to index
        %swap3A_223 = tpu.vector_load %arg11[%swap3A_221, %swap3A_222] {strides = array<i32>} : memref<4x768xf32, #tpu.memory_space<vmem>>, vector<16xf32>,
        tpu.vector_store %arg11[%swap3A_221, %swap3A_222], %add3A_220 {strides = array<i32>} : memref<4x768xf32, #tpu.memory_space<vmem>>, vector<16xf32>,
      }
      %scan3A_144 = arith.constant 48 : i32
      %mul3A_145 = arith.constant 256 : i32
      %mul3A_146 = arith.muli %add3A, %mul3A_145 : i32
      %mul3A_147 = arith.constant 4 : i32
      %mul3A_148 = arith.muli %add3A_91, %mul3A_147 : i32
      %add3A_149 = arith.addi %mul3A_146, %mul3A_148 : i32
      "tpu.region"() ({
        %run_scoped3A = tpu.sem_alloc : memref<!tpu.dma_semaphore, #tpu.memory_space<semaphore_mem>>
        %dma_start3A_150 = arith.constant 0 : i32
        %dma_start3A_151 = tpu.memref_slice %arg6[%add3A_149, %dma_start3A_150] : memref<8192x768xf32, #tpu.memory_space<hbm>> -> memref<4x768xf32, #tpu.memory_space<hbm>>
        %dma_start3A_152 = arith.constant 0 : i32
        %dma_start3A_153 = tpu.memref_slice %arg6[%add3A_149, %dma_start3A_152] : memref<8192x768xf32, #tpu.memory_space<hbm>> -> memref<4x768xf32, #tpu.memory_space<hbm>>
        tpu.enqueue_dma source(%arg11 : memref<4x768xf32, #tpu.memory_space<vmem>>) target(%dma_start3A_153 : memref<4x768xf32, #tpu.memory_space<hbm>>) target_semaphore(%run_scoped3A : memref<!tpu.dma_semaphore, #tpu.memory_space<semaphore_mem>>)
        %dma_wait3A_154 = arith.constant 0 : i32
        %dma_wait3A_155 = tpu.memref_slice %arg6[%add3A_149, %dma_wait3A_154] : memref<8192x768xf32, #tpu.memory_space<hbm>> -> memref<4x768xf32, #tpu.memory_space<hbm>>
        %dma_wait3A_156 = arith.constant 0 : i32
        %dma_wait3A_157 = tpu.memref_slice %arg6[%add3A_149, %dma_wait3A_156] : memref<8192x768xf32, #tpu.memory_space<hbm>> -> memref<4x768xf32, #tpu.memory_space<hbm>>
        tpu.wait_dma2 semaphore(%run_scoped3A : memref<!tpu.dma_semaphore, #tpu.memory_space<semaphore_mem>>) src(%arg11 : memref<4x768xf32, #tpu.memory_space<vmem>>) dst(%dma_wait3A_157 : memref<4x768xf32, #tpu.memory_space<hbm>>)
        tpu.yield
      }) : () -> ()
    }
    %scan3A_28 = arith.constant 32 : i32
    return
  }
}

module attributes {stable_mosaic.version = 14 : i64} {
  func.func @_apow_body(%arg0: i32, %arg1: memref<8x64x64xf32, #tpu.memory_space<vmem>>, %arg2: memref<8x64x64xi32, #tpu.memory_space<vmem>>, %arg3: memref<8x64x64xf32, #tpu.memory_space<vmem>>) attributes {dimension_semantics = [#tpu.dimension_semantics<arbitrary>], iteration_bounds = array<i64: 16>, scalar_prefetch = 0 : i64, scratch_operands = 0 : i64, tpu.core_type = #tpu.core_type<tc>, window_params = [{transform_indices = @transform_0, window_bounds = array<i64: 8, 64, 64>}, {transform_indices = @transform_1, window_bounds = array<i64: 8, 64, 64>}, {transform_indices = @transform_2, window_bounds = array<i64: 8, 64, 64>}]} {
    %get3A = arith.constant 0 : index
    %get3A_0 = arith.constant 0 : index
    %get3A_1 = arith.constant 0 : index
    %get3A_2 = vector.load %arg1[%get3A, %get3A_0, %get3A_1] : memref<8x64x64xf32, #tpu.memory_space<vmem>>, vector<8x64x64xf32>
    %convert_element_type3A = arith.truncf %get3A_2 : vector<8x64x64xf32> to vector<8x64x64xbf16>
    %broadcast_in_dim3A = arith.constant 0.000000e+00 : f32
    %broadcast_in_dim3A_3 = vector.broadcast %broadcast_in_dim3A : f32 to vector<8x64x64xf32>
    %convert_element_type3A_4 = arith.extf %convert_element_type3A : vector<8x64x64xbf16> to vector<8x64x64xf32>
    %mul3A = arith.constant 1.000000e+00 : f32
    %mul3A_5 = vector.broadcast %mul3A : f32 to vector<8x64x64xf32>
    %mul3A_6 = arith.mulf %mul3A_5, %convert_element_type3A_4 : vector<8x64x64xf32>
    %add3A = arith.addf %broadcast_in_dim3A_3, %mul3A_6 : vector<8x64x64xf32>
    %dot_general3A = arith.constant dense<0.000000e+00> : vector<8x64x64xf32>
    %dot_general3A_7 = tpu.matmul %convert_element_type3A, %convert_element_type3A, %dot_general3A {dimension_numbers = #tpu.dot_dimension_numbers<[2], [1], [1], [2], [0, 0, 0, 1, 1, 2], [0], [0]>, transpose_lhs_hint = false} : vector<8x64x64xbf16>, vector<8x64x64xbf16>, vector<8x64x64xf32> -> vector<8x64x64xf32>
    %min3A = arith.constant 1.000000e+00 : f32
    %min3A_8 = vector.broadcast %min3A : f32 to vector<8x64x64xf32>
    %min3A_9 = arith.minimumf %dot_general3A_7, %min3A_8 : vector<8x64x64xf32>
    %add3A_10 = arith.addf %get3A_2, %min3A_9 : vector<8x64x64xf32>
    %convert_element_type3A_11 = arith.truncf %min3A_9 : vector<8x64x64xf32> to vector<8x64x64xbf16>
    %convert_element_type3A_12 = arith.extf %convert_element_type3A_11 : vector<8x64x64xbf16> to vector<8x64x64xf32>
    %mul3A_13 = arith.constant 2.000000e+00 : f32
    %mul3A_14 = vector.broadcast %mul3A_13 : f32 to vector<8x64x64xf32>
    %mul3A_15 = arith.mulf %mul3A_14, %convert_element_type3A_12 : vector<8x64x64xf32>
    %add3A_16 = arith.addf %add3A, %mul3A_15 : vector<8x64x64xf32>
    %dot_general3A_17 = arith.constant dense<0.000000e+00> : vector<8x64x64xf32>
    %dot_general3A_18 = tpu.matmul %convert_element_type3A_11, %convert_element_type3A, %dot_general3A_17 {dimension_numbers = #tpu.dot_dimension_numbers<[2], [1], [1], [2], [0, 0, 0, 1, 1, 2], [0], [0]>, transpose_lhs_hint = false} : vector<8x64x64xbf16>, vector<8x64x64xbf16>, vector<8x64x64xf32> -> vector<8x64x64xf32>
    %min3A_19 = arith.constant 1.000000e+00 : f32
    %min3A_20 = vector.broadcast %min3A_19 : f32 to vector<8x64x64xf32>
    %min3A_21 = arith.minimumf %dot_general3A_18, %min3A_20 : vector<8x64x64xf32>
    %add3A_22 = arith.addf %add3A_10, %min3A_21 : vector<8x64x64xf32>
    %convert_element_type3A_23 = arith.truncf %min3A_21 : vector<8x64x64xf32> to vector<8x64x64xbf16>
    %convert_element_type3A_24 = arith.extf %convert_element_type3A_23 : vector<8x64x64xbf16> to vector<8x64x64xf32>
    %mul3A_25 = arith.constant 4.000000e+00 : f32
    %mul3A_26 = vector.broadcast %mul3A_25 : f32 to vector<8x64x64xf32>
    %mul3A_27 = arith.mulf %mul3A_26, %convert_element_type3A_24 : vector<8x64x64xf32>
    %add3A_28 = arith.addf %add3A_16, %mul3A_27 : vector<8x64x64xf32>
    %dot_general3A_29 = arith.constant dense<0.000000e+00> : vector<8x64x64xf32>
    %dot_general3A_30 = tpu.matmul %convert_element_type3A_23, %convert_element_type3A, %dot_general3A_29 {dimension_numbers = #tpu.dot_dimension_numbers<[2], [1], [1], [2], [0, 0, 0, 1, 1, 2], [0], [0]>, transpose_lhs_hint = false} : vector<8x64x64xbf16>, vector<8x64x64xbf16>, vector<8x64x64xf32> -> vector<8x64x64xf32>
    %min3A_31 = arith.constant 1.000000e+00 : f32
    %min3A_32 = vector.broadcast %min3A_31 : f32 to vector<8x64x64xf32>
    %min3A_33 = arith.minimumf %dot_general3A_30, %min3A_32 : vector<8x64x64xf32>
    %add3A_34 = arith.addf %add3A_22, %min3A_33 : vector<8x64x64xf32>
    %convert_element_type3A_35 = arith.truncf %min3A_33 : vector<8x64x64xf32> to vector<8x64x64xbf16>
    %convert_element_type3A_36 = arith.extf %convert_element_type3A_35 : vector<8x64x64xbf16> to vector<8x64x64xf32>
    %mul3A_37 = arith.constant 8.000000e+00 : f32
    %mul3A_38 = vector.broadcast %mul3A_37 : f32 to vector<8x64x64xf32>
    %mul3A_39 = arith.mulf %mul3A_38, %convert_element_type3A_36 : vector<8x64x64xf32>
    %add3A_40 = arith.addf %add3A_28, %mul3A_39 : vector<8x64x64xf32>
    %dot_general3A_41 = arith.constant dense<0.000000e+00> : vector<8x64x64xf32>
    %dot_general3A_42 = tpu.matmul %convert_element_type3A_35, %convert_element_type3A, %dot_general3A_41 {dimension_numbers = #tpu.dot_dimension_numbers<[2], [1], [1], [2], [0, 0, 0, 1, 1, 2], [0], [0]>, transpose_lhs_hint = false} : vector<8x64x64xbf16>, vector<8x64x64xbf16>, vector<8x64x64xf32> -> vector<8x64x64xf32>
    %min3A_43 = arith.constant 1.000000e+00 : f32
    %min3A_44 = vector.broadcast %min3A_43 : f32 to vector<8x64x64xf32>
    %min3A_45 = arith.minimumf %dot_general3A_42, %min3A_44 : vector<8x64x64xf32>
    %add3A_46 = arith.addf %add3A_34, %min3A_45 : vector<8x64x64xf32>
    %convert_element_type3A_47 = arith.truncf %min3A_45 : vector<8x64x64xf32> to vector<8x64x64xbf16>
    %convert_element_type3A_48 = arith.extf %convert_element_type3A_47 : vector<8x64x64xbf16> to vector<8x64x64xf32>
    %mul3A_49 = arith.constant 1.600000e+01 : f32
    %mul3A_50 = vector.broadcast %mul3A_49 : f32 to vector<8x64x64xf32>
    %mul3A_51 = arith.mulf %mul3A_50, %convert_element_type3A_48 : vector<8x64x64xf32>
    %add3A_52 = arith.addf %add3A_40, %mul3A_51 : vector<8x64x64xf32>
    %dot_general3A_53 = arith.constant dense<0.000000e+00> : vector<8x64x64xf32>
    %dot_general3A_54 = tpu.matmul %convert_element_type3A_47, %convert_element_type3A, %dot_general3A_53 {dimension_numbers = #tpu.dot_dimension_numbers<[2], [1], [1], [2], [0, 0, 0, 1, 1, 2], [0], [0]>, transpose_lhs_hint = false} : vector<8x64x64xbf16>, vector<8x64x64xbf16>, vector<8x64x64xf32> -> vector<8x64x64xf32>
    %min3A_55 = arith.constant 1.000000e+00 : f32
    %min3A_56 = vector.broadcast %min3A_55 : f32 to vector<8x64x64xf32>
    %min3A_57 = arith.minimumf %dot_general3A_54, %min3A_56 : vector<8x64x64xf32>
    %add3A_58 = arith.addf %add3A_46, %min3A_57 : vector<8x64x64xf32>
    %convert_element_type3A_59 = arith.fptosi %add3A_52 : vector<8x64x64xf32> to vector<8x64x64xi32>
    %swap3A = arith.constant 0 : index
    %swap3A_60 = arith.constant 0 : index
    %swap3A_61 = arith.constant 0 : index
    %swap3A_62 = vector.load %arg2[%swap3A, %swap3A_60, %swap3A_61] : memref<8x64x64xi32, #tpu.memory_space<vmem>>, vector<8x64x64xi32>
    tpu.vector_store %arg2[%swap3A, %swap3A_60, %swap3A_61], %convert_element_type3A_59 {strides = array<i32>} : memref<8x64x64xi32, #tpu.memory_space<vmem>>, vector<8x64x64xi32>,
    %gt3A = arith.constant 0.000000e+00 : f32
    %gt3A_63 = vector.broadcast %gt3A : f32 to vector<8x64x64xf32>
    %gt3A_64 = arith.cmpf ogt, %add3A_58, %gt3A_63 : vector<8x64x64xf32>
    %convert_element_type3A_65 = arith.extui %gt3A_64 : vector<8x64x64xi1> to vector<8x64x64xi32>
    %convert_element_type3A_66 = arith.sitofp %convert_element_type3A_65 : vector<8x64x64xi32> to vector<8x64x64xf32>
    %swap3A_67 = arith.constant 0 : index
    %swap3A_68 = arith.constant 0 : index
    %swap3A_69 = arith.constant 0 : index
    %swap3A_70 = vector.load %arg3[%swap3A_67, %swap3A_68, %swap3A_69] : memref<8x64x64xf32, #tpu.memory_space<vmem>>, vector<8x64x64xf32>
    tpu.vector_store %arg3[%swap3A_67, %swap3A_68, %swap3A_69], %convert_element_type3A_66 {strides = array<i32>} : memref<8x64x64xf32, #tpu.memory_space<vmem>>, vector<8x64x64xf32>,
    return
  }
  func.func @transform_0(%arg0: i32) -> (i32, i32, i32) {
    %c0_i32 = arith.constant 0 : i32
    %c0_i32_0 = arith.constant 0 : i32
    %c0_i32_1 = arith.constant 0 : i32
    return %arg0, %c0_i32, %c0_i32_0 : i32, i32, i32
  }
  func.func @transform_1(%arg0: i32) -> (i32, i32, i32) {
    %c0_i32 = arith.constant 0 : i32
    %c0_i32_0 = arith.constant 0 : i32
    %c0_i32_1 = arith.constant 0 : i32
    return %arg0, %c0_i32, %c0_i32_0 : i32, i32, i32
  }
  func.func @transform_2(%arg0: i32) -> (i32, i32, i32) {
    %c0_i32 = arith.constant 0 : i32
    %c0_i32_0 = arith.constant 0 : i32
    %c0_i32_1 = arith.constant 0 : i32
    return %arg0, %c0_i32, %c0_i32_0 : i32, i32, i32
  }
}

</mosaic_0001>

<sc_bundles>
// kernel: kernel.5.cloned.1.call-start
scs
__scs_entry_jumppad:
0x0: {  	(pc) =	sbr.rel $0x88, $3  }
0x1: {  	(tag) =	ssettag $0x0;
	lr =	simm.s32 $0x1  }
0x2: {  	[smem:$0x3F96] =	sst lr;
	_ =	strace $0xD0000000  }
0x3: {  	_ = 	snop  }
0x4: {  	_ = 	snop  }
0x5: {  	_ = 	snop  }
0x6: {  	_ = 	snop  }
0x7: {  	_ = 	snop  }
__scs_overlays_trampoline_lowered:
0x8: {  	[smem:$0x3FA5] =	sst s0  }
0x9: {  	[smem:$0x3FA6] =	sst s1  }
0xa: {  	[smem:$0x3FA7] =	sst s2  }
0xb: {  	[smem:$0x3FA8] =	sst s3  }
0xc: {  	[smem:$0x3FA9] =	sst s4  }
0xd: {  	[smem:$0x3FAA] =	sst s5  }
0xe: {  	[smem:$0x3FAB] =	sst s6  }
0xf: {  	[smem:$0x3FAC] =	sst s7  }
0x10: {  	[smem:$0x3FAD] =	sst s8  }
0x11: {  	[smem:$0x3FAE] =	sst s9;
	s0 =	simm.s32 @!p0 $0x0  }
0x12: {  	s1 =	sld [smem:$0x3F94];
	s0 =	simm.s32 @p0 $0x1  }
0x13: {  	[smem:$0x3FAF] =	sst s0;
	s0 =	simm.s32 @!p1 $0x0  }
0x14: {  	s2 =	sld [smem:$0x3F93];
	s0 =	simm.s32 @p1 $0x1  }
0x15: {  	[smem:$0x3FB0] =	sst s0;
	s0 =	simm.s32 @!p2 $0x0  }
0x16: {  	s3 =	sld [smem:$0x3FDB];
	s0 =	simm.s32 @p2 $0x1  }
0x17: {  	s4 =	simm.s32 $0x1BF5;
	[smem:$0x3FB2] =	sst s0  }
0x18: {  	s0 =	sld [smem:$0x3F95];
	_ =	swait.ge [sflag:s4], $0x0  }
0x19: {  	s7 =	sld [smem:$0x3F96]  }
0x1a: {  	s8 =	sadd.s32 $0xFFFFE003, lr  }
0x1b: {  	s9 =	sadd.s32 $0xFFFFFEF7, lr;
	s5 =	simm.s32 $0xFFFFFFFF;
	p2 =	slt.u32 s8, $0xFFFFF086  }
0x1c: {  	p1 =	slt.u32 s9, $0xF7A;
	s5 =	simm.s32 @!p2 $0x0  }
0x1d: {  	s5 =	simm.s32 @p1 $0x1;
	p0 =	seq.s32 s7, s2  }
0x1e: {  	s7 =	smul.u32 @!p0 $0xF7A, s2;
	p2 =	seq.s32 @!p0 s5, $0x0  }
0x1f: {  	s9 =	smul.u32 $0xF7A, s1;
	s8 =	simm.s32 @!p0 $0x1BF5;
	p2 =	por !p2, p0  }
0x20: {  	[sflag:s8] =	ssyncset.s32 @!p0 $0xFFFFF086;
	s6 =	sadd.s32 @!p0 s3, s7;
	s7 =	simm.s32 @!p0 $0x108  }
0x21: {  	s3 =	sadd.s32 s3, s9;
	s6 =	sadd.s32 @!p0 $0x88, s6;
	s7 =	simm.s32 @p2 $0x1082  }
0x22: {  	[simem:s7], [sflag:s8] =	dma.local @!p0 [hbm:s6], $0xF7A  }
0x23: {  	s9 =	sor.u32 $0xD0000000, s2;
	s6 =	simm.s32 $0x108;
	_ =	swait.ge @!p0 [sflag:s8], $0x0  }
0x24: {  	s3 =	sadd.s32 $0x88, s3;
	s6 =	simm.s32 @!p1 $0x1082;
	[sflag:s4] =	ssyncset.s32 $0xFFFFF086  }
0x25: {  	[simem:s6], [sflag:s4] =	dma.local [hbm:s3], $0xF7A  }
0x26: {  	[smem:$0x3F96] =	sst s1;
	(tag) =	ssettag s2;
	_ =	strace s9  }
0x27: {  	s1 =	sld [smem:$0x3FA6]  }
0x28: {  	s2 =	sld [smem:$0x3FA7]  }
0x29: {  	s4 =	sld [smem:$0x3FA9]  }
0x2a: {  	p0 =	seq.s32 s5, $0x0;
	s5 =	sld [smem:$0x3FAA]  }
0x2b: {  	s6 =	sld [smem:$0x3FAB]  }
0x2c: {  	s7 =	sld [smem:$0x3FAC]  }
0x2d: {  	s3 =	simm.s32 $0x108;
	s8 =	sld [smem:$0x3FAD]  }
0x2e: {  	s3 =	simm.s32 @!p0 $0x1082;
	s9 =	sld [smem:$0x3FAE]  }
0x2f: {  	lr =	sadd.s32 s0, s3;
	s0 =	sld [smem:$0x3FA5]  }
0x30: {  	s3 =	sld [smem:$0x3FA8]  }
0x31: {  	[smem:$0x3FB1] =	sst s10  }
0x32: {  	s10 =	sld [smem:$0x3FAF];
	_ =	sdelay $0x3  }
0x33: {  	p0 =	seq.s32 s10, $0x1;
	s10 =	sld [smem:$0x3FB1];
	_ =	sdelay $0x3  }
0x34: {  	[smem:$0x3FB1] =	sst s10  }
0x35: {  	s10 =	sld [smem:$0x3FB0];
	_ =	sdelay $0x3  }
0x36: {  	p1 =	seq.s32 s10, $0x1;
	s10 =	sld [smem:$0x3FB1];
	_ =	sdelay $0x3  }
0x37: {  	[smem:$0x3FB1] =	sst s10  }
0x38: {  	s10 =	sld [smem:$0x3FB2]  }
0x39: {  	_ = 	snop;
	(pc) =	sbr.ind lr, $3  }
0x3a: {  	_ = 	snop  }
0x3b: {  	_ = 	snop  }
0x3c: {  	p2 =	seq.s32 s10, $0x1;
	s10 =	sld [smem:$0x3FB1]  }
0x3d: {  	_ =	shalt  }
0x3e: {  	_ =	shalt  }
0x3f: {  	_ =	shalt  }
0x40: {  	_ =	shalt  }
0x41: {  	_ =	shalt  }
0x42: {  	_ =	shalt  }
0x43: {  	_ =	shalt  }
0x44: {  	_ =	shalt  }
0x45: {  	_ =	shalt  }
0x46: {  	_ =	shalt  }
0x47: {  	_ =	shalt  }
0x48: {  	_ =	shalt  }
0x49: {  	_ =	shalt  }
0x4a: {  	_ =	shalt  }
0x4b: {  	_ =	shalt  }
0x4c: {  	_ =	shalt  }
0x4d: {  	_ =	shalt  }
0x4e: {  	_ =	shalt  }
0x4f: {  	_ =	shalt  }
0x50: {  	_ =	shalt  }
0x51: {  	_ =	shalt  }
0x52: {  	_ =	shalt  }
0x53: {  	_ =	shalt  }
0x54: {  	_ =	shalt  }
0x55: {  	_ =	shalt  }
0x56: {  	_ =	shalt  }
0x57: {  	_ =	shalt  }
0x58: {  	_ =	shalt  }
0x59: {  	_ =	shalt  }
0x5a: {  	_ =	shalt  }
0x5b: {  	_ =	shalt  }
0x5c: {  	_ =	shalt  }
0x5d: {  	_ =	shalt  }
0x5e: {  	_ =	shalt  }
0x5f: {  	_ =	shalt  }
0x60: {  	_ =	shalt  }
0x61: {  	_ =	shalt  }
0x62: {  	_ =	shalt  }
0x63: {  	_ =	shalt  }
0x64: {  	_ =	shalt  }
0x65: {  	_ =	shalt  }
0x66: {  	_ =	shalt  }
0x67: {  	_ =	shalt  }
0x68: {  	_ =	shalt  }
0x69: {  	_ =	shalt  }
0x6a: {  	_ =	shalt  }
0x6b: {  	_ =	shalt  }
0x6c: {  	_ =	shalt  }
0x6d: {  	_ =	shalt  }
0x6e: {  	_ =	shalt  }
0x6f: {  	_ =	shalt  }
0x70: {  	_ =	shalt  }
0x71: {  	_ =	shalt  }
0x72: {  	_ =	shalt  }
0x73: {  	_ =	shalt  }
0x74: {  	_ =	shalt  }
0x75: {  	_ =	shalt  }
0x76: {  	_ =	shalt  }
0x77: {  	_ =	shalt  }
0x78: {  	_ =	shalt  }
0x79: {  	_ =	shalt  }
0x7a: {  	_ =	shalt  }
0x7b: {  	_ =	shalt  }
0x7c: {  	_ =	shalt  }
0x7d: {  	_ =	shalt  }
0x7e: {  	_ =	shalt  }
0x7f: {  	_ =	shalt  }
0x80: {  	_ =	shalt  }
0x81: {  	_ =	shalt  }
0x82: {  	_ =	shalt  }
0x83: {  	_ =	shalt  }
0x84: {  	_ =	shalt  }
0x85: {  	_ =	shalt  }
0x86: {  	_ =	shalt  }
0x87: {  	_ =	shalt  }
.Lfunc_end0:
.L_simem_size_0:
called_computation.3_lowered:
.L_overlay_start_0:
0x88: {  	s2 =	sld [smem:$0x3FD9]  }
0x89: {  	s3 =	sld [smem:$0x3FFE];
	_ =	sdelay $0x1  }
0x8a: {  	s1 =	srdreg.scid  }
0x8b: {  	s0 =	sand.u32 $0x1, s1  }
0x8c: {  	s15 =	sshll.u32 s0, $0xA;
	s2 =	sadd.s32 s3, s2  }
0x8d: {  	s2 =	sadd.s32 s2, s15  }
0x8e: {  	[smem:$0x3FBD] =	sst s2  }
0x8f: {  	_ = 	snop  }
0x90: {  	s2 =	sld [smem:$0x3FD0];
	_ =	sdelay $0x2  }
0x91: {  	s16 =	simm.s32 $0xB;
	s4 =	simm.s32 $0x10  }
0x92: {  	[smem:s4], [sflag:s16] =	dma.local [hbm:s2], $0x1  }
0x93: {  	_ =	swait.eq [sflag:s16], $0x1  }
0x94: {  	[sflag:s16] =	ssyncset.done $0x0  }
0x95: {  	[sflag:s16] =	ssyncadd.s32 $0xFFFFFFFF  }
0x96: {  	s17 =	sld [smem:$0x10];
	(tm) =	ssettm $0x1  }
0x97: {  	s18 =	sld [smem:$0x3FFB];
	_ =	sdelay $0x3  }
0x98: {  	_ =	strace s18  }
0x99: {  	s2 =	sld [smem:$0x3FFC];
	_ =	sdelay $0x3  }
0x9a: {  	_ =	strace s2  }
0x9b: {  	s2 =	sld [smem:$0x3FFD];
	_ =	sdelay $0x3  }
0x9c: {  	_ =	strace s2  }
0x9d: {  	_ =	strace $0x8FFFFFFF  }
0x9e: {  	s19 =	sld [smem:$0x3FDB];
	_ =	sdelay $0x1  }
0x9f: {  	s20 =	simm.s32 $_scs_section_size  }
0xa0: {  	s5 =	simm.s32 $_size__tile_overlayer_lowered;
	s6 =	simm.s32 $_tile_overlayer_lowered  }
0xa1: {  	s7 =	simm.s32 $0x1BFF;
	s21 =	sshll.u32 s6, $0x1;
	s4 =	sadd.s32 s20, s19  }
0xa2: {  	s22 =	simm.s32 $0x0;
	s5 =	sshll.u32 s5, $0x1;
	s6 =	sadd.s32 s21, s4  }
0xa3: {  	[timem:s22], [sflag:s7] =	dma.local [hbm:s6], s5  }
0xa4: {  	_ =	swait.ge [sflag:s7], s5  }
0xa5: {  	s5 =	ssub.s32 $0x0, s5;
	[sflag:s7] =	ssyncset.done $0x0  }
0xa6: {  	[sflag:s7] =	ssyncadd.s32 s5;
	_ =	sdelay $0x1  }
0xa7: {  	s23 =	simm.s32 $0x1B8B  }
0xa8: {  	_ =	swait.ge [sflag:s23], $0x1  }
0xa9: {  	[sflag:s23] =	ssyncset.done $0x0  }
0xaa: {  	[sflag:s23] =	ssyncadd.s32 $0xFFFFFFFF  }
0xab: {  	s5 =	sld [smem:$0x0]  }
0xac: {  	s6 =	sand.u32 $0xFFFFFFFE, s1  }
0xad: {  	p0 =	sne.s32 s1, s6  }
0xae: {  	s6 =	sshll.u32 @p0 s6, $0xE  }
0xaf: {  	s6 =	sadd.s32 @p0 $0x11B8D, s6;
	s7 =	sshll.u32 @p0 s5, $0x11  }
0xb0: {  	s6 =	sor.u32 @p0 s7, s6  }
0xb1: {  	[sflag:s6] =	ssyncadd.remote.s32 @p0 $0x1;
	_ =	sdelay $0x1  }
0xb2: {  	s6 =	simm.s32 @p0 $0x1B8D  }
0xb3: {  	_ =	swait.eq @p0 [sflag:s6], $0x1  }
0xb4: {  	[sflag:s6] =	ssyncadd.s32 @p0 $0xFFFFFFFF  }
0xb5: {  	s7 =	sshll.u32 @!p0 s1, $0xE  }
0xb6: {  	s7 =	sor.u32 @!p0 $0x4000, s7;
	s6 =	simm.s32 @!p0 $0x1B8D  }
0xb7: {  	s5 =	sshll.u32 @!p0 s5, $0x11;
	s7 =	sadd.s32 @!p0 $0x11B8D, s7;
	_ =	swait.eq @!p0 [sflag:s6], $0x1  }
0xb8: {  	s5 =	sor.u32 @!p0 s5, s7;
	[sflag:s6] =	ssyncadd.s32 @!p0 $0xFFFFFFFF  }
0xb9: {  	s25 =	simm.s32 $0x1B8E;
	s24 =	sld [smem:$0x3FFE];
	[sflag:s5] =	ssyncadd.remote.s32 @!p0 $0x1  }
0xba: {  	s26 =	simm.s32 $execute0_lowered;
	[smem:$0x3FD2] =	sst s25  }
0xbb: {  	s6 =	sshll.u32 s26, $0x1;
	_ =	strace $0x8000004F;
	[dreg:$0x1] =	wrdreg $0xFFFFFFFF  }
0xbc: {  	s28 =	simm.s32 $_size_execute0_lowered;
	s4 =	sadd.s32 s4, s6;
	[dreg:$0x0] =	wrdreg $0x0  }
0xbd: {  	s6 =	sshll.u32 s28, $0x1;
	[dreg:$0x2] =	wrdreg s4  }
0xbe: {  	[dreg:$0x3] =	wrdreg s6  }
0xbf: {  	[dreg:$0x4] =	wrdreg $0xC0  }
0xc0: {  	_ =	task [dreg:s22], $0x5FFFF  }
0xc1: {  	[dreg:$0x1] =	wrdreg $0xFFFFFFFF  }
0xc2: {  	[dreg:$0x0] =	wrdreg $0x60  }
0xc3: {  	[dreg:$0x2] =	wrdreg s17  }
0xc4: {  	[dreg:$0x3] =	wrdreg s24  }
0xc5: {  	[dreg:$0x4] =	wrdreg $0x9  }
0xc6: {  	_ =	task.clear_ibuf [dreg:s22], $0x5FFFF;
	_ =	strace $0x9000004F  }
0xc7: {  	s29 =	simm.s32 $0x9;
	_ =	strace $0x80000051  }
0xc8: {  	_ =	swait.ge [sflag:s29], $0x1  }
0xc9: {  	[sflag:s29] =	ssyncadd.s32 $0xFFFFFFFF  }
0xca: {  	_ =	strace $0x90000051  }
0xcb: {  	_ =	sfence  }
0xcc: {  	s30 =	sld [smem:$0x0];
	_ =	sdelay $0x2  }
0xcd: {  	s31 =	sshll.u32 s1, $0xD;
	s1 =	sshrl.u32 s1, $0x2  }
0xce: {  	s4 =	sand.u32 $0x4000, s31;
	s1 =	sadd.s32 s1, s30  }
0xcf: {  	s0 =	sor.u32 s4, s0;
	s1 =	sshll.u32 s1, $0x11  }
0xd0: {  	s0 =	sor.u32 s1, s0  }
0xd1: {  	s0 =	sadd.s32 $0x8F2B, s0  }
0xd2: {  	[sflag:s0] =	ssyncadd.remote.s32 $0x1  }
0xd3: {  	_ =	sfence.sel $0xFFFF  }
0xd4: {  	[dreg:$0x0] =	wrdreg $0xFFFFFFFF;
	(pc) =	sbr.abs _section_cstart, $3  }
0xd5: {  	[dreg:$0x1] =	wrdreg $0xFFFFFFFF  }
0xd6: {  	_ =	task.clear_ibuf [dreg:s22], $0x2FFFF;
	_ =	strace $0x9FFFFFFF  }
0xd7: {  	(tm) =	ssettm $0x7FFFFFFF  }
tec
execute0_lowered:
.L_overlay_start_1:
0x0: {  	(tag) =	ssettag $0x1  }
0x1: {  	s2 =	rddreg [dreg:$0x0]  }
0x2: {  	s5 =	rddreg [dreg:$0x1]  }
0x3: {  	s0 =	rddreg [dreg:$0x2]  }
0x4: {  	s4 =	srdreg.scid;
	s1 =	stileid.u32;
	s3 =	simm.s32 $0x0  }
0x5: {  	s11 =	simm.s32 $0xA00;
	s12 =	simm.s32 $0x24;
	s13 =	simm.s32 $0xC00  }
0x6: {  	s14 =	simm.s32 $0x4;
	s15 =	simm.s32 $0xE400;
	s16 =	simm.s32 $0x1  }
0x7: {  	s17 =	simm.s32 $0x7800;
	s18 =	simm.s32 $0xF000;
	s19 =	simm.s32 $0xFC00  }
0x8: {  	s20 =	simm.s32 $0x2;
	s6 =	sand.u32 $0x1, s4;
	s31 =	sshll.u32 s1, $0x1  }
0x9: {  	s21 =	simm.s32 $0x0;
	[smem:$0x7FF] =	sst s3;
	s8 =	sor.u32 s6, s31  }
0xa: {  	s4 =	sadd.s32 $0x259000, s5;
	s6 =	ssub.s32 $0x2, s6;
	s7 =	smul.u32 $0x140, s8  }
0xb: {  	_ =	strace $0x80000050;
	s9 =	sshll.u32 s8, $0x6;
	s10 =	sshrl.u32 s6, $0x1  }
0xc: {  	s8 =	sshll.u32 s8, $0x8;
	s9 =	sadd.s32 s9, s5;
	s7 =	sadd.s32 s7, s5  }
0xd: {  	s10 =	ssub.s32 s6, s10;
	s5 =	sadd.s32 $0x265000, s5;
	s6 =	sadd.s32 $0x256000, s7  }
0xe: {  	s7 =	sadd.s32 $0x258800, s9;
	s9 =	smax.u32 s10, $0x1;
	s10 =	simm.s32 $0x3  }
.LBB2_1:
0xf: {  	[tilespmem:s3], [sflag:$0x3] =	stream.linear.gather [hbm4b:s6+s3], $0xA00, $0x38;
	[tilespmem:$0x10800] =	vst v63  }
0x10: {  	_ =	swait.ge [sflag:s10], $0xA00  }
0x11: {  	[sflag:s10] =	ssyncset.done $0x0  }
0x12: {  	[sflag:s10] =	ssyncadd.s32 $0xFFFFF600  }
0x13: {  	[tilespmem:s11], [sflag:$0x3] =	stream.linear.gather [hbm4b:s7+s3], $0x200, $0x38;
	[tilespmem:$0x10800] =	vst v63  }
0x14: {  	_ =	swait.ge [sflag:s10], $0x200  }
0x15: {  	[sflag:s10] =	ssyncset.done $0x0  }
0x16: {  	[sflag:s10] =	ssyncadd.s32 $0xFFFFFE00  }
0x17: {  	[tilespmem:s13], [sflag:$0x1] =	stream.indirect.gather [hbm4b:s2+s12], $0x300, s3, s12, $0xb8;
	[tilespmem:$0x10800] =	vst v63  }
0x18: {  	s22 =	simm.s32 $0x0  }
0x19: {  	[tilespmem:s15], [sflag:$0x1] =	stream.indirect.gather [hbm4b:s4+s14], $0x300, s11, s14, $0xb8;
	[tilespmem:$0x10800] =	vst v63  }
.LBB2_2:
0x1a: {  	_ =	swait.ge [sflag:s16], $0x6C00  }
0x1b: {  	[sflag:s16] =	ssyncset.done $0x0  }
0x1c: {  	s23 =	sshllo.u32 s22, $0x1;
	[sflag:s16] =	ssyncadd.s32 $0xFFFF9400  }
0x1d: {  	s24 =	smul.u32 $0xA0, s23;
	_ =	swait.ge [sflag:s16], $0xC00  }
0x1e: {  	[sflag:s16] =	ssyncset.done $0x0  }
0x1f: {  	s26 =	sshll.u32 s23, $0x3;
	s24 =	sshra.s32 s24, $0x2;
	[sflag:s16] =	ssyncadd.s32 $0xFFFFF400  }
0x20: {  	[tilespmem:s17], [sflag:$0x2] =	stream.indirect.gather [hbm4b:s2+s12], $0x300, s24, s12, $0xb8;
	[tilespmem:$0x10800] =	vst v63  }
0x21: {  	s24 =	sand.u32 $0x3FFFFFF8, s26  }
0x22: {  	s26 =	simm.s32 $0x0;
	s24 =	sadd.s32 $0xA00, s24  }
0x23: {  	[tilespmem:s18], [sflag:$0x2] =	stream.indirect.gather [hbm4b:s4+s14], $0x300, s24, s14, $0xb8;
	[tilespmem:$0x10800] =	vst v63  }
0x24: {  	v0 =	vld [tilespmem:s26+$0xE400]  }
0x25: {  	v1 =	vld [tilespmem:s26+$0xC00];
	_ =	sdelay $0x1  }
0x26: {  	v2 =	vld [tilespmem:s26+$0xF00];
	_ =	sdelay $0x1  }
0x27: {  	v3 =	vld [tilespmem:s26+$0x1200]  }
0x28: {  	v0 =	vadd.f32 v1, v0  }
0x29: {  	v1 =	vld [tilespmem:s26+$0x1500]  }
0x2a: {  	s25 =	simm.s32 $0x10;
	v4 =	vld [tilespmem:s26+$0x1800];
	v0 =	vadd.f32 v2, v0  }
0x2b: {  	v5 =	vld [tilespmem:s25+$0xE400]  }
0x2c: {  	v2 =	vld [tilespmem:s26+$0x1B00];
	v0 =	vadd.f32 v3, v0  }
0x2d: {  	v3 =	vld [tilespmem:s25+$0xC00]  }
0x2e: {  	v6 =	vld [tilespmem:s26+$0x1E00];
	v0 =	vadd.f32 v1, v0  }
0x2f: {  	v7 =	vld [tilespmem:s25+$0xF00]  }
0x30: {  	v8 =	vld [tilespmem:s26+$0x2100];
	v0 =	vadd.f32 v4, v0  }
0x31: {  	v9 =	vld [tilespmem:s25+$0x1200]  }
0x32: {  	v1 =	vld [tilespmem:s26+$0x2400];
	v4 =	vadd.f32 v3, v5;
	v2 =	vadd.f32 v2, v0  }
0x33: {  	v3 =	vld [tilespmem:s25+$0x1500]  }
0x34: {  	v0 =	vld [tilespmem:s25+$0x1B00];
	v5 =	vadd.f32 v7, v4;
	v6 =	vadd.f32 v6, v2  }
0x35: {  	s29 =	simm.s32 $0x20;
	s31 =	simm.s32 $0xC0;
	v4 =	vld [tilespmem:s25+$0x1800]  }
0x36: {  	s28 =	simm.s32 $0x10;
	s30 =	simm.s32 $0x0;
	s24 =	sshll.u32 s22, $0x1;
	v2 =	vld [tilespmem:s29+$0xE400];
	v5 =	vadd.f32 v9, v5;
	v6 =	vadd.f32 v8, v6  }
.LBB2_3:
0x37: {  	p0 =	sne.s32 s31, $0xBC0;
	v7 =	vld [tilespmem:s29+$0xC00]  }
0x38: {  	v3 =	vadd.f32 v3, v5;
	v5 =	vld [tilespmem:s28+$0x1E00];
	v1 =	vadd.f32 v1, v6  }
0x39: {  	v6 =	vld [tilespmem:s29+$0xF00]  }
0x3a: {  	v3 =	vadd.f32 v4, v3;
	v8 =	vld [tilespmem:s28+$0x2100];
	[tilespmem:s30+$0xFC00] =	vst v1;
	s30 =	smov.u32 s28;
	s28 =	smov.u32 s29  }
0x3b: {  	v9 =	vld [tilespmem:s28+$0x1200]  }
.Ltmp0:
0x3c: {  	v2 =	vadd.f32 v7, v2;
	v4 =	vadd.f32 v0, v3;
	v1 =	vld [tilespmem:s30+$0x2400];
	(pc) =	sbr.rel @p0 .LBB2_3-.Ltmp0, $4  }
0x3d: {  	v3 =	vld [tilespmem:s28+$0x1500]  }
0x3e: {  	v6 =	vadd.f32 v6, v2;
	v0 =	vld [tilespmem:s28+$0x1B00];
	v7 =	vadd.f32 v5, v4  }
0x3f: {  	s29 =	sshra.s32 s31, $0x2;
	v4 =	vld [tilespmem:s28+$0x1800]  }
0x40: {  	s31 =	sadd.s32 $0x40, s31;
	v2 =	vld [tilespmem:s29+$0xE400];
	v5 =	vadd.f32 v9, v6;
	v6 =	vadd.f32 v8, v7  }
0x41: {  	v7 =	vld [tilespmem:s29+$0xC00]  }
0x42: {  	v8 =	vld [tilespmem:s28+$0x1E00];
	v1 =	vadd.f32 v1, v6  }
0x43: {  	v6 =	vld [tilespmem:s29+$0xF00]  }
0x44: {  	v9 =	vld [tilespmem:s28+$0x2100];
	v3 =	vadd.f32 v3, v5;
	[tilespmem:s30+$0xFC00] =	vst v1  }
0x45: {  	v1 =	vld [tilespmem:s29+$0x1200]  }
0x46: {  	v3 =	vadd.f32 v4, v3;
	v2 =	vadd.f32 v7, v2  }
0x47: {  	v4 =	vld [tilespmem:s29+$0x1500]  }
0x48: {  	v5 =	vld [tilespmem:s29+$0x1800];
	v0 =	vadd.f32 v0, v3;
	v2 =	vadd.f32 v6, v2  }
0x49: {  	v3 =	vld [tilespmem:s28+$0x2400]  }
0x4a: {  	v0 =	vadd.f32 v8, v0;
	v1 =	vadd.f32 v1, v2  }
0x4b: {  	v2 =	vld [tilespmem:s29+$0x1B00]  }
0x4c: {  	v0 =	vadd.f32 v9, v0;
	v1 =	vadd.f32 v4, v1  }
0x4d: {  	v4 =	vld [tilespmem:s29+$0x1E00]  }
0x4e: {  	v0 =	vadd.f32 v3, v0;
	v1 =	vadd.f32 v5, v1  }
0x4f: {  	v3 =	vld [tilespmem:s29+$0x2100]  }
0x50: {  	[tilespmem:s28+$0xFC00] =	vst v0;
	v0 =	vadd.f32 v2, v1  }
0x51: {  	v1 =	vld [tilespmem:s29+$0x2400]  }
0x52: {  	v0 =	vadd.f32 v4, v0;
	_ =	sdelay $0x1  }
0x53: {  	v0 =	vadd.f32 v3, v0;
	_ =	sdelay $0x1  }
0x54: {  	v0 =	vadd.f32 v1, v0;
	_ =	sdelay $0x1  }
0x55: {  	[tilespmem:s29+$0xFC00] =	vst v0  }
0x56: {  	v0 =	vld [tilespmem:s26+$0xE700]  }
0x57: {  	v1 =	vld [tilespmem:s26+$0x2700];
	_ =	sdelay $0x1  }
0x58: {  	v2 =	vld [tilespmem:s26+$0x2A00];
	_ =	sdelay $0x1  }
0x59: {  	v3 =	vld [tilespmem:s26+$0x2D00]  }
0x5a: {  	v0 =	vadd.f32 v1, v0  }
0x5b: {  	v1 =	vld [tilespmem:s26+$0x3000]  }
0x5c: {  	v4 =	vld [tilespmem:s26+$0x3300];
	v0 =	vadd.f32 v2, v0  }
0x5d: {  	v5 =	vld [tilespmem:s25+$0xE700]  }
0x5e: {  	v2 =	vld [tilespmem:s26+$0x3600];
	v0 =	vadd.f32 v3, v0  }
0x5f: {  	v3 =	vld [tilespmem:s25+$0x2700]  }
0x60: {  	v6 =	vld [tilespmem:s25+$0x2A00];
	v0 =	vadd.f32 v1, v0  }
0x61: {  	v1 =	vld [tilespmem:s26+$0x3900]  }
0x62: {  	v7 =	vld [tilespmem:s26+$0x3C00];
	v0 =	vadd.f32 v4, v0  }
0x63: {  	v8 =	vld [tilespmem:s25+$0x2D00]  }
0x64: {  	v4 =	vadd.f32 v3, v5;
	v3 =	vld [tilespmem:s25+$0x3000];
	v5 =	vadd.f32 v2, v0  }
0x65: {  	v2 =	vld [tilespmem:s26+$0x3F00]  }
0x66: {  	v0 =	vld [tilespmem:s25+$0x3600];
	v6 =	vadd.f32 v6, v4;
	v63 =	vadd.f32 v1, v5  }
0x67: {  	s28 =	simm.s32 $0x20;
	v4 =	vld [tilespmem:s25+$0x3300]  }
0x68: {  	s29 =	simm.s32 $0xC0;
	v1 =	vld [tilespmem:s28+$0xE700];
	v5 =	vadd.f32 v8, v6;
	v6 =	vadd.f32 v7, v63  }
.LBB2_5:
0x69: {  	p0 =	sne.s32 s29, $0xBC0;
	v7 =	vld [tilespmem:s28+$0x2700]  }
0x6a: {  	v3 =	vadd.f32 v3, v5;
	v5 =	vld [tilespmem:s25+$0x3900];
	v2 =	vadd.f32 v2, v6  }
0x6b: {  	v6 =	vld [tilespmem:s28+$0x2A00]  }
0x6c: {  	v3 =	vadd.f32 v4, v3;
	v8 =	vld [tilespmem:s25+$0x3C00];
	[tilespmem:s26+$0xFF00] =	vst v2;
	s26 =	smov.u32 s25;
	s25 =	smov.u32 s28  }
0x6d: {  	v9 =	vld [tilespmem:s25+$0x2D00]  }
.Ltmp1:
0x6e: {  	v1 =	vadd.f32 v7, v1;
	v4 =	vadd.f32 v0, v3;
	v2 =	vld [tilespmem:s26+$0x3F00];
	(pc) =	sbr.rel @p0 .LBB2_5-.Ltmp1, $4  }
0x6f: {  	v3 =	vld [tilespmem:s25+$0x3000]  }
0x70: {  	v6 =	vadd.f32 v6, v1;
	v0 =	vld [tilespmem:s25+$0x3600];
	v7 =	vadd.f32 v5, v4  }
0x71: {  	s28 =	sshra.s32 s29, $0x2;
	v4 =	vld [tilespmem:s25+$0x3300]  }
0x72: {  	s29 =	sadd.s32 $0x40, s29;
	v1 =	vld [tilespmem:s28+$0xE700];
	v5 =	vadd.f32 v9, v6;
	v6 =	vadd.f32 v8, v7  }
0x73: {  	v7 =	vld [tilespmem:s28+$0x2700]  }
0x74: {  	v8 =	vld [tilespmem:s25+$0x3900];
	v2 =	vadd.f32 v2, v6  }
0x75: {  	v6 =	vld [tilespmem:s28+$0x2A00]  }
0x76: {  	v9 =	vld [tilespmem:s25+$0x3C00];
	v3 =	vadd.f32 v3, v5;
	[tilespmem:s26+$0xFF00] =	vst v2  }
0x77: {  	v2 =	vld [tilespmem:s28+$0x2D00]  }
0x78: {  	v3 =	vadd.f32 v4, v3;
	v1 =	vadd.f32 v7, v1  }
0x79: {  	v4 =	vld [tilespmem:s28+$0x3000]  }
0x7a: {  	v5 =	vld [tilespmem:s28+$0x3300];
	v0 =	vadd.f32 v0, v3;
	v1 =	vadd.f32 v6, v1  }
0x7b: {  	v3 =	vld [tilespmem:s25+$0x3F00]  }
0x7c: {  	v0 =	vadd.f32 v8, v0;
	v1 =	vadd.f32 v2, v1  }
0x7d: {  	v2 =	vld [tilespmem:s28+$0x3600]  }
0x7e: {  	v0 =	vadd.f32 v9, v0;
	v1 =	vadd.f32 v4, v1  }
0x7f: {  	v4 =	vld [tilespmem:s28+$0x3900]  }
0x80: {  	v0 =	vadd.f32 v3, v0;
	v1 =	vadd.f32 v5, v1  }
0x81: {  	v3 =	vld [tilespmem:s28+$0x3C00]  }
0x82: {  	[tilespmem:s25+$0xFF00] =	vst v0;
	v0 =	vadd.f32 v2, v1  }
0x83: {  	v1 =	vld [tilespmem:s28+$0x3F00]  }
0x84: {  	v0 =	vadd.f32 v4, v0;
	_ =	sdelay $0x1  }
0x85: {  	v0 =	vadd.f32 v3, v0;
	_ =	sdelay $0x1  }
0x86: {  	v0 =	vadd.f32 v1, v0;
	_ =	sdelay $0x1  }
0x87: {  	s26 =	simm.s32 $0x0;
	[tilespmem:s28+$0xFF00] =	vst v0  }
0x88: {  	v0 =	vld [tilespmem:s26+$0xEA00]  }
0x89: {  	v1 =	vld [tilespmem:s26+$0x4200];
	_ =	sdelay $0x1  }
0x8a: {  	v2 =	vld [tilespmem:s26+$0x4500];
	_ =	sdelay $0x1  }
0x8b: {  	v3 =	vld [tilespmem:s26+$0x4800]  }
0x8c: {  	v0 =	vadd.f32 v1, v0  }
0x8d: {  	v1 =	vld [tilespmem:s26+$0x4B00]  }
0x8e: {  	s25 =	simm.s32 $0x10;
	v4 =	vld [tilespmem:s26+$0x4E00];
	v0 =	vadd.f32 v2, v0  }
0x8f: {  	v5 =	vld [tilespmem:s25+$0xEA00]  }
0x90: {  	v2 =	vld [tilespmem:s26+$0x5100];
	v0 =	vadd.f32 v3, v0  }
0x91: {  	v3 =	vld [tilespmem:s25+$0x4200]  }
0x92: {  	v6 =	vld [tilespmem:s25+$0x4500];
	v0 =	vadd.f32 v1, v0  }
0x93: {  	v1 =	vld [tilespmem:s26+$0x5400]  }
0x94: {  	v7 =	vld [tilespmem:s26+$0x5700];
	v0 =	vadd.f32 v4, v0  }
0x95: {  	v8 =	vld [tilespmem:s25+$0x4800]  }
0x96: {  	v4 =	vadd.f32 v3, v5;
	v3 =	vld [tilespmem:s25+$0x4B00];
	v5 =	vadd.f32 v2, v0  }
0x97: {  	v2 =	vld [tilespmem:s26+$0x5A00]  }
0x98: {  	v0 =	vld [tilespmem:s25+$0x5100];
	v6 =	vadd.f32 v6, v4;
	v63 =	vadd.f32 v1, v5  }
0x99: {  	s29 =	simm.s32 $0x20;
	v4 =	vld [tilespmem:s25+$0x4E00]  }
0x9a: {  	s31 =	simm.s32 $0xC0;
	s30 =	simm.s32 $0x0;
	s28 =	simm.s32 $0x10;
	v1 =	vld [tilespmem:s29+$0xEA00];
	v5 =	vadd.f32 v8, v6;
	v6 =	vadd.f32 v7, v63  }
.LBB2_7:
0x9b: {  	p0 =	sne.s32 s31, $0xBC0;
	v7 =	vld [tilespmem:s29+$0x4200]  }
0x9c: {  	v3 =	vadd.f32 v3, v5;
	v5 =	vld [tilespmem:s28+$0x5400];
	v2 =	vadd.f32 v2, v6  }
0x9d: {  	v6 =	vld [tilespmem:s29+$0x4500]  }
0x9e: {  	v3 =	vadd.f32 v4, v3;
	v8 =	vld [tilespmem:s28+$0x5700];
	[tilespmem:s30+$0x10200] =	vst v2;
	s30 =	smov.u32 s28;
	s28 =	smov.u32 s29  }
0x9f: {  	v9 =	vld [tilespmem:s28+$0x4800]  }
.Ltmp2:
0xa0: {  	v1 =	vadd.f32 v7, v1;
	v4 =	vadd.f32 v0, v3;
	v2 =	vld [tilespmem:s30+$0x5A00];
	(pc) =	sbr.rel @p0 .LBB2_7-.Ltmp2, $4  }
0xa1: {  	v3 =	vld [tilespmem:s28+$0x4B00]  }
0xa2: {  	v6 =	vadd.f32 v6, v1;
	v0 =	vld [tilespmem:s28+$0x5100];
	v7 =	vadd.f32 v5, v4  }
0xa3: {  	s29 =	sshra.s32 s31, $0x2;
	v4 =	vld [tilespmem:s28+$0x4E00]  }
0xa4: {  	s31 =	sadd.s32 $0x40, s31;
	v1 =	vld [tilespmem:s29+$0xEA00];
	v5 =	vadd.f32 v9, v6;
	v6 =	vadd.f32 v8, v7  }
0xa5: {  	v7 =	vld [tilespmem:s29+$0x4200]  }
0xa6: {  	v8 =	vld [tilespmem:s28+$0x5400];
	v2 =	vadd.f32 v2, v6  }
0xa7: {  	v6 =	vld [tilespmem:s29+$0x4500]  }
0xa8: {  	v9 =	vld [tilespmem:s28+$0x5700];
	v3 =	vadd.f32 v3, v5;
	[tilespmem:s30+$0x10200] =	vst v2  }
0xa9: {  	v2 =	vld [tilespmem:s29+$0x4800]  }
0xaa: {  	v3 =	vadd.f32 v4, v3;
	v1 =	vadd.f32 v7, v1  }
0xab: {  	v4 =	vld [tilespmem:s29+$0x4B00]  }
0xac: {  	v5 =	vld [tilespmem:s29+$0x4E00];
	v0 =	vadd.f32 v0, v3;
	v1 =	vadd.f32 v6, v1  }
0xad: {  	v3 =	vld [tilespmem:s28+$0x5A00]  }
0xae: {  	v0 =	vadd.f32 v8, v0;
	v1 =	vadd.f32 v2, v1  }
0xaf: {  	v2 =	vld [tilespmem:s29+$0x5100]  }
0xb0: {  	v0 =	vadd.f32 v9, v0;
	v1 =	vadd.f32 v4, v1  }
0xb1: {  	v4 =	vld [tilespmem:s29+$0x5400]  }
0xb2: {  	v0 =	vadd.f32 v3, v0;
	v1 =	vadd.f32 v5, v1  }
0xb3: {  	v3 =	vld [tilespmem:s29+$0x5700]  }
0xb4: {  	[tilespmem:s28+$0x10200] =	vst v0;
	v0 =	vadd.f32 v2, v1  }
0xb5: {  	v1 =	vld [tilespmem:s29+$0x5A00]  }
0xb6: {  	v0 =	vadd.f32 v4, v0;
	_ =	sdelay $0x1  }
0xb7: {  	v0 =	vadd.f32 v3, v0;
	_ =	sdelay $0x1  }
0xb8: {  	v0 =	vadd.f32 v1, v0;
	_ =	sdelay $0x1  }
0xb9: {  	[tilespmem:s29+$0x10200] =	vst v0  }
0xba: {  	v0 =	vld [tilespmem:s26+$0xED00]  }
0xbb: {  	v1 =	vld [tilespmem:s26+$0x5D00];
	_ =	sdelay $0x1  }
0xbc: {  	v2 =	vld [tilespmem:s26+$0x6000];
	_ =	sdelay $0x1  }
0xbd: {  	v3 =	vld [tilespmem:s26+$0x6300]  }
0xbe: {  	v0 =	vadd.f32 v1, v0  }
0xbf: {  	v1 =	vld [tilespmem:s26+$0x6600]  }
0xc0: {  	v4 =	vld [tilespmem:s26+$0x6900];
	v0 =	vadd.f32 v2, v0  }
0xc1: {  	v5 =	vld [tilespmem:s25+$0xED00]  }
0xc2: {  	v2 =	vld [tilespmem:s26+$0x6C00];
	v0 =	vadd.f32 v3, v0  }
0xc3: {  	v3 =	vld [tilespmem:s25+$0x5D00]  }
0xc4: {  	v6 =	vld [tilespmem:s25+$0x6000];
	v0 =	vadd.f32 v1, v0  }
0xc5: {  	v1 =	vld [tilespmem:s26+$0x6F00]  }
0xc6: {  	v7 =	vld [tilespmem:s26+$0x7200];
	v0 =	vadd.f32 v4, v0  }
0xc7: {  	v8 =	vld [tilespmem:s25+$0x6300]  }
0xc8: {  	v4 =	vadd.f32 v3, v5;
	v3 =	vld [tilespmem:s25+$0x6600];
	v5 =	vadd.f32 v2, v0  }
0xc9: {  	v2 =	vld [tilespmem:s26+$0x7500]  }
0xca: {  	v0 =	vld [tilespmem:s25+$0x6C00];
	v6 =	vadd.f32 v6, v4;
	v63 =	vadd.f32 v1, v5  }
0xcb: {  	s28 =	simm.s32 $0x20;
	v4 =	vld [tilespmem:s25+$0x6900]  }
0xcc: {  	s29 =	simm.s32 $0xC0;
	v1 =	vld [tilespmem:s28+$0xED00];
	v5 =	vadd.f32 v8, v6;
	v6 =	vadd.f32 v7, v63  }
.LBB2_9:
0xcd: {  	p0 =	sne.s32 s29, $0xBC0;
	v7 =	vld [tilespmem:s28+$0x5D00]  }
0xce: {  	v3 =	vadd.f32 v3, v5;
	v5 =	vld [tilespmem:s25+$0x6F00];
	v2 =	vadd.f32 v2, v6  }
0xcf: {  	v6 =	vld [tilespmem:s28+$0x6000]  }
0xd0: {  	v3 =	vadd.f32 v4, v3;
	v8 =	vld [tilespmem:s25+$0x7200];
	[tilespmem:s26+$0x10500] =	vst v2;
	s26 =	smov.u32 s25;
	s25 =	smov.u32 s28  }
0xd1: {  	v9 =	vld [tilespmem:s25+$0x6300]  }
.Ltmp3:
0xd2: {  	v1 =	vadd.f32 v7, v1;
	v4 =	vadd.f32 v0, v3;
	v2 =	vld [tilespmem:s26+$0x7500];
	(pc) =	sbr.rel @p0 .LBB2_9-.Ltmp3, $4  }
0xd3: {  	v3 =	vld [tilespmem:s25+$0x6600]  }
0xd4: {  	v6 =	vadd.f32 v6, v1;
	v0 =	vld [tilespmem:s25+$0x6C00];
	v7 =	vadd.f32 v5, v4  }
0xd5: {  	s28 =	sshra.s32 s29, $0x2;
	v4 =	vld [tilespmem:s25+$0x6900]  }
0xd6: {  	s29 =	sadd.s32 $0x40, s29;
	v1 =	vld [tilespmem:s28+$0xED00];
	v5 =	vadd.f32 v9, v6;
	v6 =	vadd.f32 v8, v7  }
0xd7: {  	v7 =	vld [tilespmem:s28+$0x5D00]  }
0xd8: {  	v8 =	vld [tilespmem:s25+$0x6F00];
	v2 =	vadd.f32 v2, v6  }
0xd9: {  	v6 =	vld [tilespmem:s28+$0x6000]  }
0xda: {  	v9 =	vld [tilespmem:s25+$0x7200];
	v3 =	vadd.f32 v3, v5;
	[tilespmem:s26+$0x10500] =	vst v2  }
0xdb: {  	v2 =	vld [tilespmem:s28+$0x6300]  }
0xdc: {  	v3 =	vadd.f32 v4, v3;
	v1 =	vadd.f32 v7, v1  }
0xdd: {  	v4 =	vld [tilespmem:s28+$0x6600]  }
0xde: {  	v5 =	vld [tilespmem:s28+$0x6900];
	v0 =	vadd.f32 v0, v3;
	v1 =	vadd.f32 v6, v1  }
0xdf: {  	v3 =	vld [tilespmem:s25+$0x7500]  }
0xe0: {  	v0 =	vadd.f32 v8, v0;
	v1 =	vadd.f32 v2, v1  }
0xe1: {  	v2 =	vld [tilespmem:s28+$0x6C00]  }
0xe2: {  	v0 =	vadd.f32 v9, v0;
	v1 =	vadd.f32 v4, v1  }
0xe3: {  	v4 =	vld [tilespmem:s28+$0x6F00]  }
0xe4: {  	v0 =	vadd.f32 v3, v0;
	v1 =	vadd.f32 v5, v1  }
0xe5: {  	v3 =	vld [tilespmem:s28+$0x7200]  }
0xe6: {  	[tilespmem:s25+$0x10500] =	vst v0;
	v0 =	vadd.f32 v2, v1  }
0xe7: {  	v1 =	vld [tilespmem:s28+$0x7500]  }
0xe8: {  	v0 =	vadd.f32 v4, v0;
	_ =	sdelay $0x1  }
0xe9: {  	s31 =	sshll.u32 s22, $0x3;
	v0 =	vadd.f32 v3, v0  }
0xea: {  	s25 =	sadd.s32 s8, s31  }
0xeb: {  	s25 =	smul.u32 $0x60, s25;
	v0 =	vadd.f32 v1, v0;
	_ =	sdelay $0x1  }
0xec: {  	s25 =	sadd.s32 s5, s25;
	[tilespmem:s28+$0x10500] =	vst v0  }
0xed: {  	[hbm4b:s25+s3] =	stream.linear.scatter [tilespmem:s19], [sflag:$0x3], $0xC00, $0x38;
	[tilespmem:$0x10800] =	vst v63  }
0xee: {  	_ =	swait.ge [sflag:s10], $0xC00  }
0xef: {  	[sflag:s10] =	ssyncset.done $0x0  }
0xf0: {  	[sflag:s10] =	ssyncadd.s32 $0xFFFFF400  }
0xf1: {  	_ =	swait.ge [sflag:s20], $0x6C00  }
0xf2: {  	p0 =	seq.s32 s22, $0x1F;
	[sflag:s20] =	ssyncset.done $0x0  }
0xf3: {  	s24 =	sadd.s32 @!p0 $0x2, s24;
	[sflag:s20] =	ssyncadd.s32 $0xFFFF9400  }
0xf4: {  	s26 =	simm.s32 @!p0 $0x24;
	s25 =	smul.u32 @!p0 $0xA0, s24;
	_ =	swait.ge [sflag:s20], $0xC00  }
0xf5: {  	s28 =	simm.s32 @!p0 $0xC00;
	s24 =	sshll.u32 @!p0 s24, $0x3;
	[sflag:s20] =	ssyncset.done $0x0  }
0xf6: {  	s24 =	sand.u32 @!p0 $0x3FFFFFF8, s24;
	s25 =	sshra.s32 @!p0 s25, $0x2;
	[sflag:s20] =	ssyncadd.s32 $0xFFFFF400  }
0xf7: {  	[tilespmem:s28], [sflag:$0x1] =	stream.indirect.gather @!p0 [hbm4b:s2+s26], $0x300, s25, s26, $0xb8;
	[tilespmem:$0x10800] =	vst v63  }
0xf8: {  	s24 =	sadd.s32 @!p0 $0xA00, s24;
	s25 =	simm.s32 @!p0 $0x4;
	s26 =	simm.s32 @!p0 $0xE400  }
0xf9: {  	[tilespmem:s26], [sflag:$0x1] =	stream.indirect.gather @!p0 [hbm4b:s4+s25], $0x300, s24, s25, $0xb8;
	[tilespmem:$0x10800] =	vst v63  }
0xfa: {  	s25 =	simm.s32 $0x0  }
0xfb: {  	v0 =	vld [tilespmem:s25+$0xF000]  }
0xfc: {  	v1 =	vld [tilespmem:s25+$0x7800];
	_ =	sdelay $0x1  }
0xfd: {  	v2 =	vld [tilespmem:s25+$0x7B00];
	_ =	sdelay $0x1  }
0xfe: {  	v3 =	vld [tilespmem:s25+$0x7E00]  }
0xff: {  	v0 =	vadd.f32 v1, v0  }
0x100: {  	v1 =	vld [tilespmem:s25+$0x8100]  }
0x101: {  	s24 =	simm.s32 $0x10;
	v4 =	vld [tilespmem:s25+$0x8400];
	v0 =	vadd.f32 v2, v0  }
0x102: {  	v5 =	vld [tilespmem:s24+$0xF000]  }
0x103: {  	v2 =	vld [tilespmem:s25+$0x8700];
	v0 =	vadd.f32 v3, v0  }
0x104: {  	v3 =	vld [tilespmem:s24+$0x7800]  }
0x105: {  	v6 =	vld [tilespmem:s24+$0x7B00];
	v0 =	vadd.f32 v1, v0  }
0x106: {  	v1 =	vld [tilespmem:s25+$0x8A00]  }
0x107: {  	v7 =	vld [tilespmem:s25+$0x8D00];
	v0 =	vadd.f32 v4, v0  }
0x108: {  	v8 =	vld [tilespmem:s24+$0x7E00]  }
0x109: {  	v4 =	vadd.f32 v3, v5;
	v3 =	vld [tilespmem:s24+$0x8100];
	v5 =	vadd.f32 v2, v0  }
0x10a: {  	v2 =	vld [tilespmem:s25+$0x9000]  }
0x10b: {  	v0 =	vld [tilespmem:s24+$0x8700];
	v6 =	vadd.f32 v6, v4;
	v63 =	vadd.f32 v1, v5  }
0x10c: {  	s28 =	simm.s32 $0x20;
	v4 =	vld [tilespmem:s24+$0x8400]  }
0x10d: {  	s30 =	simm.s32 $0xC0;
	s29 =	simm.s32 $0x0;
	s26 =	simm.s32 $0x10;
	v1 =	vld [tilespmem:s28+$0xF000];
	v5 =	vadd.f32 v8, v6;
	v6 =	vadd.f32 v7, v63  }
.LBB2_11:
0x10e: {  	p0 =	sne.s32 s30, $0xBC0;
	v7 =	vld [tilespmem:s28+$0x7800]  }
0x10f: {  	v3 =	vadd.f32 v3, v5;
	v5 =	vld [tilespmem:s26+$0x8A00];
	v2 =	vadd.f32 v2, v6  }
0x110: {  	v6 =	vld [tilespmem:s28+$0x7B00]  }
0x111: {  	v3 =	vadd.f32 v4, v3;
	v8 =	vld [tilespmem:s26+$0x8D00];
	[tilespmem:s29+$0xFC00] =	vst v2;
	s29 =	smov.u32 s26;
	s26 =	smov.u32 s28  }
0x112: {  	v9 =	vld [tilespmem:s26+$0x7E00]  }
.Ltmp4:
0x113: {  	v1 =	vadd.f32 v7, v1;
	v4 =	vadd.f32 v0, v3;
	v2 =	vld [tilespmem:s29+$0x9000];
	(pc) =	sbr.rel @p0 .LBB2_11-.Ltmp4, $4  }
0x114: {  	v3 =	vld [tilespmem:s26+$0x8100]  }
0x115: {  	v6 =	vadd.f32 v6, v1;
	v0 =	vld [tilespmem:s26+$0x8700];
	v7 =	vadd.f32 v5, v4  }
0x116: {  	s28 =	sshra.s32 s30, $0x2;
	v4 =	vld [tilespmem:s26+$0x8400]  }
0x117: {  	s30 =	sadd.s32 $0x40, s30;
	v1 =	vld [tilespmem:s28+$0xF000];
	v5 =	vadd.f32 v9, v6;
	v6 =	vadd.f32 v8, v7  }
0x118: {  	v7 =	vld [tilespmem:s28+$0x7800]  }
0x119: {  	v8 =	vld [tilespmem:s26+$0x8A00];
	v2 =	vadd.f32 v2, v6  }
0x11a: {  	v6 =	vld [tilespmem:s28+$0x7B00]  }
0x11b: {  	v9 =	vld [tilespmem:s26+$0x8D00];
	v3 =	vadd.f32 v3, v5;
	[tilespmem:s29+$0xFC00] =	vst v2  }
0x11c: {  	v2 =	vld [tilespmem:s28+$0x7E00]  }
0x11d: {  	v3 =	vadd.f32 v4, v3;
	v1 =	vadd.f32 v7, v1  }
0x11e: {  	v4 =	vld [tilespmem:s28+$0x8100]  }
0x11f: {  	v5 =	vld [tilespmem:s28+$0x8400];
	v0 =	vadd.f32 v0, v3;
	v1 =	vadd.f32 v6, v1  }
0x120: {  	v3 =	vld [tilespmem:s26+$0x9000]  }
0x121: {  	v0 =	vadd.f32 v8, v0;
	v1 =	vadd.f32 v2, v1  }
0x122: {  	v2 =	vld [tilespmem:s28+$0x8700]  }
0x123: {  	v0 =	vadd.f32 v9, v0;
	v1 =	vadd.f32 v4, v1  }
0x124: {  	v4 =	vld [tilespmem:s28+$0x8A00]  }
0x125: {  	v0 =	vadd.f32 v3, v0;
	v1 =	vadd.f32 v5, v1  }
0x126: {  	v3 =	vld [tilespmem:s28+$0x8D00]  }
0x127: {  	[tilespmem:s26+$0xFC00] =	vst v0;
	v0 =	vadd.f32 v2, v1  }
0x128: {  	v1 =	vld [tilespmem:s28+$0x9000]  }
0x129: {  	v0 =	vadd.f32 v4, v0;
	_ =	sdelay $0x1  }
0x12a: {  	v0 =	vadd.f32 v3, v0;
	_ =	sdelay $0x1  }
0x12b: {  	v0 =	vadd.f32 v1, v0;
	_ =	sdelay $0x1  }
0x12c: {  	[tilespmem:s28+$0xFC00] =	vst v0  }
0x12d: {  	v0 =	vld [tilespmem:s25+$0xF300]  }
0x12e: {  	v1 =	vld [tilespmem:s25+$0x9300];
	_ =	sdelay $0x1  }
0x12f: {  	v2 =	vld [tilespmem:s25+$0x9600];
	_ =	sdelay $0x1  }
0x130: {  	v3 =	vld [tilespmem:s25+$0x9900]  }
0x131: {  	v0 =	vadd.f32 v1, v0  }
0x132: {  	v1 =	vld [tilespmem:s25+$0x9C00]  }
0x133: {  	v4 =	vld [tilespmem:s25+$0x9F00];
	v0 =	vadd.f32 v2, v0  }
0x134: {  	v5 =	vld [tilespmem:s24+$0xF300]  }
0x135: {  	v2 =	vld [tilespmem:s25+$0xA200];
	v0 =	vadd.f32 v3, v0  }
0x136: {  	v3 =	vld [tilespmem:s24+$0x9300]  }
0x137: {  	v6 =	vld [tilespmem:s24+$0x9600];
	v0 =	vadd.f32 v1, v0  }
0x138: {  	v1 =	vld [tilespmem:s25+$0xA500]  }
0x139: {  	v7 =	vld [tilespmem:s25+$0xA800];
	v0 =	vadd.f32 v4, v0  }
0x13a: {  	v8 =	vld [tilespmem:s24+$0x9900]  }
0x13b: {  	v4 =	vadd.f32 v3, v5;
	v3 =	vld [tilespmem:s24+$0x9C00];
	v5 =	vadd.f32 v2, v0  }
0x13c: {  	v2 =	vld [tilespmem:s25+$0xAB00]  }
0x13d: {  	v0 =	vld [tilespmem:s24+$0xA200];
	v6 =	vadd.f32 v6, v4;
	v63 =	vadd.f32 v1, v5  }
0x13e: {  	s26 =	simm.s32 $0x20;
	v4 =	vld [tilespmem:s24+$0x9F00]  }
0x13f: {  	s28 =	simm.s32 $0xC0;
	v1 =	vld [tilespmem:s26+$0xF300];
	v5 =	vadd.f32 v8, v6;
	v6 =	vadd.f32 v7, v63  }
.LBB2_13:
0x140: {  	p0 =	sne.s32 s28, $0xBC0;
	v7 =	vld [tilespmem:s26+$0x9300]  }
0x141: {  	v3 =	vadd.f32 v3, v5;
	v5 =	vld [tilespmem:s24+$0xA500];
	v2 =	vadd.f32 v2, v6  }
0x142: {  	v6 =	vld [tilespmem:s26+$0x9600]  }
0x143: {  	v3 =	vadd.f32 v4, v3;
	v8 =	vld [tilespmem:s24+$0xA800];
	[tilespmem:s25+$0xFF00] =	vst v2;
	s25 =	smov.u32 s24;
	s24 =	smov.u32 s26  }
0x144: {  	v9 =	vld [tilespmem:s24+$0x9900]  }
.Ltmp5:
0x145: {  	v1 =	vadd.f32 v7, v1;
	v4 =	vadd.f32 v0, v3;
	v2 =	vld [tilespmem:s25+$0xAB00];
	(pc) =	sbr.rel @p0 .LBB2_13-.Ltmp5, $4  }
0x146: {  	v3 =	vld [tilespmem:s24+$0x9C00]  }
0x147: {  	v6 =	vadd.f32 v6, v1;
	v0 =	vld [tilespmem:s24+$0xA200];
	v7 =	vadd.f32 v5, v4  }
0x148: {  	s26 =	sshra.s32 s28, $0x2;
	v4 =	vld [tilespmem:s24+$0x9F00]  }
0x149: {  	s28 =	sadd.s32 $0x40, s28;
	v1 =	vld [tilespmem:s26+$0xF300];
	v5 =	vadd.f32 v9, v6;
	v6 =	vadd.f32 v8, v7  }
0x14a: {  	v7 =	vld [tilespmem:s26+$0x9300]  }
0x14b: {  	v8 =	vld [tilespmem:s24+$0xA500];
	v2 =	vadd.f32 v2, v6  }
0x14c: {  	v6 =	vld [tilespmem:s26+$0x9600]  }
0x14d: {  	v9 =	vld [tilespmem:s24+$0xA800];
	v3 =	vadd.f32 v3, v5;
	[tilespmem:s25+$0xFF00] =	vst v2  }
0x14e: {  	v2 =	vld [tilespmem:s26+$0x9900]  }
0x14f: {  	v3 =	vadd.f32 v4, v3;
	v1 =	vadd.f32 v7, v1  }
0x150: {  	v4 =	vld [tilespmem:s26+$0x9C00]  }
0x151: {  	v5 =	vld [tilespmem:s26+$0x9F00];
	v0 =	vadd.f32 v0, v3;
	v1 =	vadd.f32 v6, v1  }
0x152: {  	v3 =	vld [tilespmem:s24+$0xAB00]  }
0x153: {  	v0 =	vadd.f32 v8, v0;
	v1 =	vadd.f32 v2, v1  }
0x154: {  	v2 =	vld [tilespmem:s26+$0xA200]  }
0x155: {  	v0 =	vadd.f32 v9, v0;
	v1 =	vadd.f32 v4, v1  }
0x156: {  	v4 =	vld [tilespmem:s26+$0xA500]  }
0x157: {  	v0 =	vadd.f32 v3, v0;
	v1 =	vadd.f32 v5, v1  }
0x158: {  	v3 =	vld [tilespmem:s26+$0xA800]  }
0x159: {  	[tilespmem:s24+$0xFF00] =	vst v0;
	v0 =	vadd.f32 v2, v1  }
0x15a: {  	v1 =	vld [tilespmem:s26+$0xAB00]  }
0x15b: {  	v0 =	vadd.f32 v4, v0;
	_ =	sdelay $0x1  }
0x15c: {  	v0 =	vadd.f32 v3, v0;
	_ =	sdelay $0x1  }
0x15d: {  	v0 =	vadd.f32 v1, v0;
	_ =	sdelay $0x1  }
0x15e: {  	s25 =	simm.s32 $0x0;
	[tilespmem:s26+$0xFF00] =	vst v0  }
0x15f: {  	v0 =	vld [tilespmem:s25+$0xF600]  }
0x160: {  	v1 =	vld [tilespmem:s25+$0xAE00];
	_ =	sdelay $0x1  }
0x161: {  	v2 =	vld [tilespmem:s25+$0xB100];
	_ =	sdelay $0x1  }
0x162: {  	v3 =	vld [tilespmem:s25+$0xB400]  }
0x163: {  	v0 =	vadd.f32 v1, v0  }
0x164: {  	v1 =	vld [tilespmem:s25+$0xB700]  }
0x165: {  	s24 =	simm.s32 $0x10;
	v4 =	vld [tilespmem:s25+$0xBA00];
	v0 =	vadd.f32 v2, v0  }
0x166: {  	v5 =	vld [tilespmem:s24+$0xF600]  }
0x167: {  	v2 =	vld [tilespmem:s25+$0xBD00];
	v0 =	vadd.f32 v3, v0  }
0x168: {  	v3 =	vld [tilespmem:s24+$0xAE00]  }
0x169: {  	v6 =	vld [tilespmem:s24+$0xB100];
	v0 =	vadd.f32 v1, v0  }
0x16a: {  	v1 =	vld [tilespmem:s25+$0xC000]  }
0x16b: {  	v7 =	vld [tilespmem:s25+$0xC300];
	v0 =	vadd.f32 v4, v0  }
0x16c: {  	v8 =	vld [tilespmem:s24+$0xB400]  }
0x16d: {  	v4 =	vadd.f32 v3, v5;
	v3 =	vld [tilespmem:s24+$0xB700];
	v5 =	vadd.f32 v2, v0  }
0x16e: {  	v2 =	vld [tilespmem:s25+$0xC600]  }
0x16f: {  	v0 =	vld [tilespmem:s24+$0xBD00];
	v6 =	vadd.f32 v6, v4;
	v63 =	vadd.f32 v1, v5  }
0x170: {  	s28 =	simm.s32 $0x20;
	v4 =	vld [tilespmem:s24+$0xBA00]  }
0x171: {  	s30 =	simm.s32 $0xC0;
	s29 =	simm.s32 $0x0;
	s26 =	simm.s32 $0x10;
	v1 =	vld [tilespmem:s28+$0xF600];
	v5 =	vadd.f32 v8, v6;
	v6 =	vadd.f32 v7, v63  }
.LBB2_15:
0x172: {  	p0 =	sne.s32 s30, $0xBC0;
	v7 =	vld [tilespmem:s28+$0xAE00]  }
0x173: {  	v3 =	vadd.f32 v3, v5;
	v5 =	vld [tilespmem:s26+$0xC000];
	v2 =	vadd.f32 v2, v6  }
0x174: {  	v6 =	vld [tilespmem:s28+$0xB100]  }
0x175: {  	v3 =	vadd.f32 v4, v3;
	v8 =	vld [tilespmem:s26+$0xC300];
	[tilespmem:s29+$0x10200] =	vst v2;
	s29 =	smov.u32 s26;
	s26 =	smov.u32 s28  }
0x176: {  	v9 =	vld [tilespmem:s26+$0xB400]  }
.Ltmp6:
0x177: {  	v1 =	vadd.f32 v7, v1;
	v4 =	vadd.f32 v0, v3;
	v2 =	vld [tilespmem:s29+$0xC600];
	(pc) =	sbr.rel @p0 .LBB2_15-.Ltmp6, $4  }
0x178: {  	v3 =	vld [tilespmem:s26+$0xB700]  }
0x179: {  	v6 =	vadd.f32 v6, v1;
	v0 =	vld [tilespmem:s26+$0xBD00];
	v7 =	vadd.f32 v5, v4  }
0x17a: {  	s28 =	sshra.s32 s30, $0x2;
	v4 =	vld [tilespmem:s26+$0xBA00]  }
0x17b: {  	s30 =	sadd.s32 $0x40, s30;
	v1 =	vld [tilespmem:s28+$0xF600];
	v5 =	vadd.f32 v9, v6;
	v6 =	vadd.f32 v8, v7  }
0x17c: {  	v7 =	vld [tilespmem:s28+$0xAE00]  }
0x17d: {  	v8 =	vld [tilespmem:s26+$0xC000];
	v2 =	vadd.f32 v2, v6  }
0x17e: {  	v6 =	vld [tilespmem:s28+$0xB100]  }
0x17f: {  	v9 =	vld [tilespmem:s26+$0xC300];
	v3 =	vadd.f32 v3, v5;
	[tilespmem:s29+$0x10200] =	vst v2  }
0x180: {  	v2 =	vld [tilespmem:s28+$0xB400]  }
0x181: {  	v3 =	vadd.f32 v4, v3;
	v1 =	vadd.f32 v7, v1  }
0x182: {  	v4 =	vld [tilespmem:s28+$0xB700]  }
0x183: {  	v5 =	vld [tilespmem:s28+$0xBA00];
	v0 =	vadd.f32 v0, v3;
	v1 =	vadd.f32 v6, v1  }
0x184: {  	v3 =	vld [tilespmem:s26+$0xC600]  }
0x185: {  	v0 =	vadd.f32 v8, v0;
	v1 =	vadd.f32 v2, v1  }
0x186: {  	v2 =	vld [tilespmem:s28+$0xBD00]  }
0x187: {  	v0 =	vadd.f32 v9, v0;
	v1 =	vadd.f32 v4, v1  }
0x188: {  	v4 =	vld [tilespmem:s28+$0xC000]  }
0x189: {  	v0 =	vadd.f32 v3, v0;
	v1 =	vadd.f32 v5, v1  }
0x18a: {  	v3 =	vld [tilespmem:s28+$0xC300]  }
0x18b: {  	[tilespmem:s26+$0x10200] =	vst v0;
	v0 =	vadd.f32 v2, v1  }
0x18c: {  	v1 =	vld [tilespmem:s28+$0xC600]  }
0x18d: {  	v0 =	vadd.f32 v4, v0;
	_ =	sdelay $0x1  }
0x18e: {  	v0 =	vadd.f32 v3, v0;
	_ =	sdelay $0x1  }
0x18f: {  	v0 =	vadd.f32 v1, v0;
	_ =	sdelay $0x1  }
0x190: {  	[tilespmem:s28+$0x10200] =	vst v0  }
0x191: {  	v0 =	vld [tilespmem:s25+$0xF900]  }
0x192: {  	v1 =	vld [tilespmem:s25+$0xC900];
	_ =	sdelay $0x1  }
0x193: {  	v2 =	vld [tilespmem:s25+$0xCC00];
	_ =	sdelay $0x1  }
0x194: {  	v3 =	vld [tilespmem:s25+$0xCF00]  }
0x195: {  	v0 =	vadd.f32 v1, v0  }
0x196: {  	v1 =	vld [tilespmem:s25+$0xD200]  }
0x197: {  	v4 =	vld [tilespmem:s25+$0xD500];
	v0 =	vadd.f32 v2, v0  }
0x198: {  	v5 =	vld [tilespmem:s24+$0xF900]  }
0x199: {  	v2 =	vld [tilespmem:s25+$0xD800];
	v0 =	vadd.f32 v3, v0  }
0x19a: {  	v3 =	vld [tilespmem:s24+$0xC900]  }
0x19b: {  	v6 =	vld [tilespmem:s24+$0xCC00];
	v0 =	vadd.f32 v1, v0  }
0x19c: {  	v1 =	vld [tilespmem:s25+$0xDB00]  }
0x19d: {  	v7 =	vld [tilespmem:s25+$0xDE00];
	v0 =	vadd.f32 v4, v0  }
0x19e: {  	v8 =	vld [tilespmem:s24+$0xCF00]  }
0x19f: {  	v4 =	vadd.f32 v3, v5;
	v3 =	vld [tilespmem:s24+$0xD200];
	v5 =	vadd.f32 v2, v0  }
0x1a0: {  	v2 =	vld [tilespmem:s25+$0xE100]  }
0x1a1: {  	v0 =	vld [tilespmem:s24+$0xD800];
	v6 =	vadd.f32 v6, v4;
	v63 =	vadd.f32 v1, v5  }
0x1a2: {  	s26 =	simm.s32 $0x20;
	v4 =	vld [tilespmem:s24+$0xD500]  }
0x1a3: {  	s28 =	simm.s32 $0xC0;
	v1 =	vld [tilespmem:s26+$0xF900];
	v5 =	vadd.f32 v8, v6;
	v6 =	vadd.f32 v7, v63  }
.LBB2_17:
0x1a4: {  	p0 =	sne.s32 s28, $0xBC0;
	v7 =	vld [tilespmem:s26+$0xC900]  }
0x1a5: {  	v3 =	vadd.f32 v3, v5;
	v5 =	vld [tilespmem:s24+$0xDB00];
	v2 =	vadd.f32 v2, v6  }
0x1a6: {  	v6 =	vld [tilespmem:s26+$0xCC00]  }
0x1a7: {  	v3 =	vadd.f32 v4, v3;
	v8 =	vld [tilespmem:s24+$0xDE00];
	[tilespmem:s25+$0x10500] =	vst v2;
	s25 =	smov.u32 s24;
	s24 =	smov.u32 s26  }
0x1a8: {  	v9 =	vld [tilespmem:s24+$0xCF00]  }
.Ltmp7:
0x1a9: {  	v1 =	vadd.f32 v7, v1;
	v4 =	vadd.f32 v0, v3;
	v2 =	vld [tilespmem:s25+$0xE100];
	(pc) =	sbr.rel @p0 .LBB2_17-.Ltmp7, $4  }
0x1aa: {  	v3 =	vld [tilespmem:s24+$0xD200]  }
0x1ab: {  	v6 =	vadd.f32 v6, v1;
	v0 =	vld [tilespmem:s24+$0xD800];
	v7 =	vadd.f32 v5, v4  }
0x1ac: {  	s26 =	sshra.s32 s28, $0x2;
	v4 =	vld [tilespmem:s24+$0xD500]  }
0x1ad: {  	s28 =	sadd.s32 $0x40, s28;
	v1 =	vld [tilespmem:s26+$0xF900];
	v5 =	vadd.f32 v9, v6;
	v6 =	vadd.f32 v8, v7  }
0x1ae: {  	v7 =	vld [tilespmem:s26+$0xC900]  }
0x1af: {  	v8 =	vld [tilespmem:s24+$0xDB00];
	v2 =	vadd.f32 v2, v6  }
0x1b0: {  	v55 =	vld [tilespmem:s26+$0xCC00]  }
0x1b1: {  	v9 =	vld [tilespmem:s24+$0xDE00];
	v3 =	vadd.f32 v3, v5;
	[tilespmem:s25+$0x10500] =	vst v2  }
0x1b2: {  	v2 =	vld [tilespmem:s26+$0xCF00]  }
0x1b3: {  	v3 =	vadd.f32 v4, v3;
	v1 =	vadd.f32 v7, v1  }
0x1b4: {  	v56 =	vld [tilespmem:s26+$0xD200]  }
0x1b5: {  	v57 =	vld [tilespmem:s24+$0xE100];
	v0 =	vadd.f32 v0, v3;
	v1 =	vadd.f32 v55, v1  }
0x1b6: {  	v58 =	vld [tilespmem:s26+$0xD500]  }
0x1b7: {  	v0 =	vadd.f32 v8, v0;
	v1 =	vadd.f32 v2, v1  }
0x1b8: {  	v59 =	vld [tilespmem:s26+$0xD800]  }
0x1b9: {  	v0 =	vadd.f32 v9, v0;
	v1 =	vadd.f32 v56, v1  }
0x1ba: {  	v60 =	vld [tilespmem:s26+$0xDB00]  }
0x1bb: {  	v0 =	vadd.f32 v57, v0;
	v1 =	vadd.f32 v58, v1  }
0x1bc: {  	v61 =	vld [tilespmem:s26+$0xDE00]  }
0x1bd: {  	[tilespmem:s24+$0x10500] =	vst v0;
	v62 =	vadd.f32 v59, v1  }
0x1be: {  	v63 =	vld [tilespmem:s26+$0xE100]  }
0x1bf: {  	v0 =	vadd.f32 v60, v62;
	_ =	sdelay $0x1  }
0x1c0: {  	s23 =	sshll.u32 s23, $0x2;
	v0 =	vadd.f32 v61, v0  }
0x1c1: {  	s23 =	sadd.s32 s8, s23  }
0x1c2: {  	s22 =	sadd.s32 $0x1, s22;
	s23 =	smul.u32 $0x60, s23;
	v0 =	vadd.f32 v63, v0  }
0x1c3: {  	p0 =	sne.s32 s22, $0x20  }
.Ltmp8:
0x1c4: {  	s23 =	sadd.s32 s5, s23;
	[tilespmem:s26+$0x10500] =	vst v0;
	(pc) =	sbr.rel @p0 .LBB2_2-.Ltmp8, $4  }
0x1c5: {  	[hbm4b:s23+s3] =	stream.linear.scatter [tilespmem:s19], [sflag:$0x3], $0xC00, $0x38;
	[tilespmem:$0x10800] =	vst v63  }
0x1c6: {  	_ =	swait.ge [sflag:s10], $0xC00  }
0x1c7: {  	[sflag:s10] =	ssyncset.done $0x0  }
0x1c8: {  	[sflag:s10] =	ssyncadd.s32 $0xFFFFF400  }
0x1c9: {  	s21 =	sadd.s32 $0x1, s21  }
0x1ca: {  	p0 =	sne.s32 s21, s9  }
.Ltmp9:
0x1cb: {  	_ = 	snop;
	(pc) =	sbr.rel @p0 .LBB2_1-.Ltmp9, $1  }
0x1cc: {  	_ =	sdelay $0x3  }
0x1cd: {  	_ =	sfence.sel $0x180000  }
0x1ce: {  	[bflag:$0x0] =	sbarrier.arrive $0xFFFF  }
0x1cf: {  	p0 =	sne.s32 s1, $0x0;
	_ =	strace $0x90000050  }
0x1d0: {  	s0 =	sadd.s32 @!p0 $0x100000, s0;
	[bflag:$0x2] =	sbarrier.arrive $0xFFFF  }
0x1d1: {  	[sflag:s0] =	ssyncadd.tile.s32 @!p0 $0x1;
	_ =	shalt  }
.Lfunc_end2:
_tile_overlayer_lowered:
.L_overlay_start_2:
0x1d2: {  	(tag) =	ssettag $0x2  }
0x1d3: {  	s0 =	rddreg [dreg:$0x0];
	s2 =	stileid.u32  }
0x1d4: {  	s1 =	rddreg [dreg:$0x1];
	p0 =	sne.s32 s2, $0x0  }
0x1d5: {  	s3 =	rddreg [dreg:$0x2];
	[bflag:$0x3] =	sbarrier.arrive $0xFFFF;
	s2 =	simm.s32 @!p0 $0x1C03  }
0x1d6: {  	[timem:s3], [sflag:s2] =	dma.local @!p0 [hbm:s0], s1  }
0x1d7: {  	s0 =	simm.s32 @!p0 $0x3  }
0x1d8: {  	_ =	swait.ge @!p0 [sflag:s0], s1  }
0x1d9: {  	s1 =	ssub.s32 @!p0 $0x0, s1;
	[sflag:s0] =	ssyncset.done @!p0 $0x0  }
0x1da: {  	[sflag:s0] =	ssyncadd.s32 @!p0 s1  }
0x1db: {  	[bflag:$0x3] =	sbarrier.arrive $0xFFFF  }
0x1dc: {  	_ =	shalt  }

// kernel: kernel.8.cloned.1.call-start
scs
__scs_entry_jumppad:
0x0: {  	(pc) =	sbr.rel $0x88, $3  }
0x1: {  	(tag) =	ssettag $0x0;
	lr =	simm.s32 $0x1  }
0x2: {  	[smem:$0x3F96] =	sst lr;
	_ =	strace $0xD0000000  }
0x3: {  	_ = 	snop  }
0x4: {  	_ = 	snop  }
0x5: {  	_ = 	snop  }
0x6: {  	_ = 	snop  }
0x7: {  	_ = 	snop  }
__scs_overlays_trampoline_lowered:
0x8: {  	[smem:$0x3FA5] =	sst s0  }
0x9: {  	[smem:$0x3FA6] =	sst s1  }
0xa: {  	[smem:$0x3FA7] =	sst s2  }
0xb: {  	[smem:$0x3FA8] =	sst s3  }
0xc: {  	[smem:$0x3FA9] =	sst s4  }
0xd: {  	[smem:$0x3FAA] =	sst s5  }
0xe: {  	[smem:$0x3FAB] =	sst s6  }
0xf: {  	[smem:$0x3FAC] =	sst s7  }
0x10: {  	[smem:$0x3FAD] =	sst s8  }
0x11: {  	[smem:$0x3FAE] =	sst s9;
	s0 =	simm.s32 @!p0 $0x0  }
0x12: {  	s1 =	sld [smem:$0x3F94];
	s0 =	simm.s32 @p0 $0x1  }
0x13: {  	[smem:$0x3FAF] =	sst s0;
	s0 =	simm.s32 @!p1 $0x0  }
0x14: {  	s2 =	sld [smem:$0x3F93];
	s0 =	simm.s32 @p1 $0x1  }
0x15: {  	[smem:$0x3FB0] =	sst s0;
	s0 =	simm.s32 @!p2 $0x0  }
0x16: {  	s3 =	sld [smem:$0x3FDB];
	s0 =	simm.s32 @p2 $0x1  }
0x17: {  	s4 =	simm.s32 $0x1BF5;
	[smem:$0x3FB2] =	sst s0  }
0x18: {  	s0 =	sld [smem:$0x3F95];
	_ =	swait.ge [sflag:s4], $0x0  }
0x19: {  	s7 =	sld [smem:$0x3F96]  }
0x1a: {  	s8 =	sadd.s32 $0xFFFFE003, lr  }
0x1b: {  	s9 =	sadd.s32 $0xFFFFFEF7, lr;
	s5 =	simm.s32 $0xFFFFFFFF;
	p2 =	slt.u32 s8, $0xFFFFF086  }
0x1c: {  	p1 =	slt.u32 s9, $0xF7A;
	s5 =	simm.s32 @!p2 $0x0  }
0x1d: {  	s5 =	simm.s32 @p1 $0x1;
	p0 =	seq.s32 s7, s2  }
0x1e: {  	s7 =	smul.u32 @!p0 $0xF7A, s2;
	p2 =	seq.s32 @!p0 s5, $0x0  }
0x1f: {  	s9 =	smul.u32 $0xF7A, s1;
	s8 =	simm.s32 @!p0 $0x1BF5;
	p2 =	por !p2, p0  }
0x20: {  	[sflag:s8] =	ssyncset.s32 @!p0 $0xFFFFF086;
	s6 =	sadd.s32 @!p0 s3, s7;
	s7 =	simm.s32 @!p0 $0x108  }
0x21: {  	s3 =	sadd.s32 s3, s9;
	s6 =	sadd.s32 @!p0 $0x88, s6;
	s7 =	simm.s32 @p2 $0x1082  }
0x22: {  	[simem:s7], [sflag:s8] =	dma.local @!p0 [hbm:s6], $0xF7A  }
0x23: {  	s9 =	sor.u32 $0xD0000000, s2;
	s6 =	simm.s32 $0x108;
	_ =	swait.ge @!p0 [sflag:s8], $0x0  }
0x24: {  	s3 =	sadd.s32 $0x88, s3;
	s6 =	simm.s32 @!p1 $0x1082;
	[sflag:s4] =	ssyncset.s32 $0xFFFFF086  }
0x25: {  	[simem:s6], [sflag:s4] =	dma.local [hbm:s3], $0xF7A  }
0x26: {  	[smem:$0x3F96] =	sst s1;
	(tag) =	ssettag s2;
	_ =	strace s9  }
0x27: {  	s1 =	sld [smem:$0x3FA6]  }
0x28: {  	s2 =	sld [smem:$0x3FA7]  }
0x29: {  	s4 =	sld [smem:$0x3FA9]  }
0x2a: {  	p0 =	seq.s32 s5, $0x0;
	s5 =	sld [smem:$0x3FAA]  }
0x2b: {  	s6 =	sld [smem:$0x3FAB]  }
0x2c: {  	s7 =	sld [smem:$0x3FAC]  }
0x2d: {  	s3 =	simm.s32 $0x108;
	s8 =	sld [smem:$0x3FAD]  }
0x2e: {  	s3 =	simm.s32 @!p0 $0x1082;
	s9 =	sld [smem:$0x3FAE]  }
0x2f: {  	lr =	sadd.s32 s0, s3;
	s0 =	sld [smem:$0x3FA5]  }
0x30: {  	s3 =	sld [smem:$0x3FA8]  }
0x31: {  	[smem:$0x3FB1] =	sst s10  }
0x32: {  	s10 =	sld [smem:$0x3FAF];
	_ =	sdelay $0x3  }
0x33: {  	p0 =	seq.s32 s10, $0x1;
	s10 =	sld [smem:$0x3FB1];
	_ =	sdelay $0x3  }
0x34: {  	[smem:$0x3FB1] =	sst s10  }
0x35: {  	s10 =	sld [smem:$0x3FB0];
	_ =	sdelay $0x3  }
0x36: {  	p1 =	seq.s32 s10, $0x1;
	s10 =	sld [smem:$0x3FB1];
	_ =	sdelay $0x3  }
0x37: {  	[smem:$0x3FB1] =	sst s10  }
0x38: {  	s10 =	sld [smem:$0x3FB2]  }
0x39: {  	_ = 	snop;
	(pc) =	sbr.ind lr, $3  }
0x3a: {  	_ = 	snop  }
0x3b: {  	_ = 	snop  }
0x3c: {  	p2 =	seq.s32 s10, $0x1;
	s10 =	sld [smem:$0x3FB1]  }
0x3d: {  	_ =	shalt  }
0x3e: {  	_ =	shalt  }
0x3f: {  	_ =	shalt  }
0x40: {  	_ =	shalt  }
0x41: {  	_ =	shalt  }
0x42: {  	_ =	shalt  }
0x43: {  	_ =	shalt  }
0x44: {  	_ =	shalt  }
0x45: {  	_ =	shalt  }
0x46: {  	_ =	shalt  }
0x47: {  	_ =	shalt  }
0x48: {  	_ =	shalt  }
0x49: {  	_ =	shalt  }
0x4a: {  	_ =	shalt  }
0x4b: {  	_ =	shalt  }
0x4c: {  	_ =	shalt  }
0x4d: {  	_ =	shalt  }
0x4e: {  	_ =	shalt  }
0x4f: {  	_ =	shalt  }
0x50: {  	_ =	shalt  }
0x51: {  	_ =	shalt  }
0x52: {  	_ =	shalt  }
0x53: {  	_ =	shalt  }
0x54: {  	_ =	shalt  }
0x55: {  	_ =	shalt  }
0x56: {  	_ =	shalt  }
0x57: {  	_ =	shalt  }
0x58: {  	_ =	shalt  }
0x59: {  	_ =	shalt  }
0x5a: {  	_ =	shalt  }
0x5b: {  	_ =	shalt  }
0x5c: {  	_ =	shalt  }
0x5d: {  	_ =	shalt  }
0x5e: {  	_ =	shalt  }
0x5f: {  	_ =	shalt  }
0x60: {  	_ =	shalt  }
0x61: {  	_ =	shalt  }
0x62: {  	_ =	shalt  }
0x63: {  	_ =	shalt  }
0x64: {  	_ =	shalt  }
0x65: {  	_ =	shalt  }
0x66: {  	_ =	shalt  }
0x67: {  	_ =	shalt  }
0x68: {  	_ =	shalt  }
0x69: {  	_ =	shalt  }
0x6a: {  	_ =	shalt  }
0x6b: {  	_ =	shalt  }
0x6c: {  	_ =	shalt  }
0x6d: {  	_ =	shalt  }
0x6e: {  	_ =	shalt  }
0x6f: {  	_ =	shalt  }
0x70: {  	_ =	shalt  }
0x71: {  	_ =	shalt  }
0x72: {  	_ =	shalt  }
0x73: {  	_ =	shalt  }
0x74: {  	_ =	shalt  }
0x75: {  	_ =	shalt  }
0x76: {  	_ =	shalt  }
0x77: {  	_ =	shalt  }
0x78: {  	_ =	shalt  }
0x79: {  	_ =	shalt  }
0x7a: {  	_ =	shalt  }
0x7b: {  	_ =	shalt  }
0x7c: {  	_ =	shalt  }
0x7d: {  	_ =	shalt  }
0x7e: {  	_ =	shalt  }
0x7f: {  	_ =	shalt  }
0x80: {  	_ =	shalt  }
0x81: {  	_ =	shalt  }
0x82: {  	_ =	shalt  }
0x83: {  	_ =	shalt  }
0x84: {  	_ =	shalt  }
0x85: {  	_ =	shalt  }
0x86: {  	_ =	shalt  }
0x87: {  	_ =	shalt  }
.Lfunc_end0:
.L_simem_size_0:
called_computation.4_lowered:
.L_overlay_start_0:
0x88: {  	s2 =	sld [smem:$0x3FD9]  }
0x89: {  	s3 =	sld [smem:$0x3FFE];
	_ =	sdelay $0x1  }
0x8a: {  	s1 =	srdreg.scid  }
0x8b: {  	s0 =	sand.u32 $0x1, s1  }
0x8c: {  	s14 =	sshll.u32 s0, $0xA;
	s2 =	sadd.s32 s3, s2  }
0x8d: {  	s2 =	sadd.s32 s2, s14  }
0x8e: {  	[smem:$0x3FBD] =	sst s2  }
0x8f: {  	_ = 	snop  }
0x90: {  	s2 =	sld [smem:$0x3FD0];
	_ =	sdelay $0x2  }
0x91: {  	s15 =	simm.s32 $0xB;
	s4 =	simm.s32 $0x10  }
0x92: {  	[smem:s4], [sflag:s15] =	dma.local [hbm:s2], $0x1  }
0x93: {  	_ =	swait.eq [sflag:s15], $0x1  }
0x94: {  	[sflag:s15] =	ssyncset.done $0x0  }
0x95: {  	s16 =	sld [smem:$0x11];
	[sflag:s15] =	ssyncadd.s32 $0xFFFFFFFF  }
0x96: {  	s17 =	sld [smem:$0x12];
	(tm) =	ssettm $0x1  }
0x97: {  	s18 =	sld [smem:$0x3FFB];
	_ =	sdelay $0x3  }
0x98: {  	_ =	strace s18  }
0x99: {  	s4 =	sld [smem:$0x3FFC];
	_ =	sdelay $0x3  }
0x9a: {  	_ =	strace s4  }
0x9b: {  	s4 =	sld [smem:$0x3FFD];
	_ =	sdelay $0x3  }
0x9c: {  	_ =	strace s4  }
0x9d: {  	_ =	strace $0x8FFFFFFF  }
0x9e: {  	s19 =	sld [smem:$0x3FDB];
	_ =	sdelay $0x1  }
0x9f: {  	s5 =	simm.s32 $_scs_section_size  }
0xa0: {  	s6 =	simm.s32 $_size__tile_overlayer_lowered;
	s7 =	simm.s32 $_tile_overlayer_lowered  }
0xa1: {  	s22 =	simm.s32 $0x1BFF;
	s21 =	sshll.u32 s7, $0x1;
	s4 =	sadd.s32 s5, s19  }
0xa2: {  	s8 =	simm.s32 $0x0;
	s20 =	sshll.u32 s6, $0x1;
	s6 =	sadd.s32 s21, s4  }
0xa3: {  	[timem:s8], [sflag:s22] =	dma.local [hbm:s6], s20  }
0xa4: {  	_ =	swait.ge [sflag:s22], s20  }
0xa5: {  	s5 =	ssub.s32 $0x0, s20;
	[sflag:s22] =	ssyncset.done $0x0  }
0xa6: {  	[sflag:s22] =	ssyncadd.s32 s5;
	_ =	sdelay $0x1  }
0xa7: {  	s23 =	simm.s32 $0x1B8B  }
0xa8: {  	_ =	swait.ge [sflag:s23], $0x1  }
0xa9: {  	[sflag:s23] =	ssyncset.done $0x0  }
0xaa: {  	s25 =	simm.s32 $0x1B8E;
	s24 =	sld [smem:$0x3FFE];
	[sflag:s23] =	ssyncadd.s32 $0xFFFFFFFF  }
0xab: {  	s26 =	simm.s32 $execute0_lowered;
	[smem:$0x3FD2] =	sst s25  }
0xac: {  	s6 =	sshll.u32 s26, $0x1;
	_ =	strace $0x8000004C;
	[dreg:$0x1] =	wrdreg $0xFFFFFFFF  }
0xad: {  	s28 =	simm.s32 $_size_execute0_lowered;
	s4 =	sadd.s32 s4, s6;
	[dreg:$0x0] =	wrdreg $0x0  }
0xae: {  	s6 =	sshll.u32 s28, $0x1;
	[dreg:$0x2] =	wrdreg s4  }
0xaf: {  	[dreg:$0x3] =	wrdreg s6  }
0xb0: {  	[dreg:$0x4] =	wrdreg $0xC0  }
0xb1: {  	_ =	task [dreg:s8], $0x5FFFF  }
0xb2: {  	[dreg:$0x1] =	wrdreg $0xFFFFFFFF  }
0xb3: {  	[dreg:$0x0] =	wrdreg $0x60  }
0xb4: {  	[dreg:$0x2] =	wrdreg s24  }
0xb5: {  	[dreg:$0x3] =	wrdreg s17  }
0xb6: {  	[dreg:$0x4] =	wrdreg s16  }
0xb7: {  	[dreg:$0x5] =	wrdreg $0xA  }
0xb8: {  	_ =	task.clear_ibuf [dreg:s8], $0x6FFFF;
	_ =	strace $0x9000004C  }
0xb9: {  	s29 =	simm.s32 $0xA;
	_ =	strace $0x8000004E  }
0xba: {  	_ =	swait.ge [sflag:s29], $0x1  }
0xbb: {  	[sflag:s29] =	ssyncadd.s32 $0xFFFFFFFF  }
0xbc: {  	_ =	strace $0x9000004E  }
0xbd: {  	_ =	sfence  }
0xbe: {  	s30 =	sld [smem:$0x0];
	_ =	sdelay $0x2  }
0xbf: {  	s31 =	sshll.u32 s1, $0xD;
	s1 =	sshrl.u32 s1, $0x2  }
0xc0: {  	s3 =	sand.u32 $0x4000, s31;
	s1 =	sadd.s32 s1, s30  }
0xc1: {  	s0 =	sor.u32 s3, s0;
	s1 =	sshll.u32 s1, $0x11  }
0xc2: {  	s0 =	sor.u32 s1, s0  }
0xc3: {  	s0 =	sadd.s32 $0x8F2B, s0  }
0xc4: {  	[sflag:s0] =	ssyncadd.remote.s32 $0x1  }
0xc5: {  	_ =	sfence.sel $0xFFFF  }
0xc6: {  	[dreg:$0x0] =	wrdreg $0xFFFFFFFF;
	(pc) =	sbr.abs _section_cstart, $3  }
0xc7: {  	[dreg:$0x1] =	wrdreg $0xFFFFFFFF  }
0xc8: {  	_ =	task.clear_ibuf [dreg:s8], $0x2FFFF;
	_ =	strace $0x9FFFFFFF  }
0xc9: {  	(tm) =	ssettm $0x7FFFFFFF  }
tec
execute0_lowered:
.L_overlay_start_1:
0x0: {  	(tag) =	ssettag $0x1  }
0x1: {  	s8 =	rddreg [dreg:$0x0]  }
0x2: {  	s1 =	rddreg [dreg:$0x1]  }
0x3: {  	s2 =	rddreg [dreg:$0x2]  }
0x4: {  	s0 =	rddreg [dreg:$0x3];
	s3 =	simm.s32 $0x0;
	s4 =	srdreg.scid  }
0x5: {  	s12 =	simm.s32 $0x14820;
	s13 =	simm.s32 $0xC020;
	s14 =	simm.s32 $0xC620  }
0x6: {  	s15 =	simm.s32 $0x200;
	s16 =	simm.s32 $0x1000;
	s17 =	simm.s32 $0xC820  }
0x7: {  	s18 =	simm.s32 $0x10820;
	s19 =	simm.s32 $0x0;
	[smem:$0x7FF] =	sst s3  }
0x8: {  	s9 =	sand.u32 $0x1, s4;
	s5 =	sadd.s32 $0x254400, s8;
	s6 =	sadd.s32 $0x224400, s8  }
0x9: {  	s7 =	sadd.s32 $0x4400, s8;
	s4 =	stileid.u32;
	s10 =	ssub.s32 $0x2, s9  }
0xa: {  	s8 =	sadd.s32 $0x255E00, s8;
	_ =	strace $0x8000004D;
	s11 =	sshrl.u32 s10, $0x1  }
0xb: {  	s31 =	sshll.u32 s4, $0x3;
	s9 =	sshll.u32 s9, $0x2;
	s10 =	ssub.s32 s10, s11  }
0xc: {  	s9 =	sor.u32 s9, s31;
	s11 =	simm.s32 $0x1;
	s10 =	smax.u32 s10, $0x1  }
.LBB2_1:
0xd: {  	[tilespmem:s3], [sflag:$0x1] =	stream.linear.gather [hbm4b:s5+s3], $0xC020, $0x38;
	[tilespmem:$0x14C20] =	vst v63  }
0xe: {  	_ =	swait.ge [sflag:s11], $0xC020  }
0xf: {  	[sflag:s11] =	ssyncset.done $0x0  }
0x10: {  	[sflag:s11] =	ssyncadd.s32 $0xFFFF3FE0  }
0x11: {  	[tilespmem:s12], [sflag:$0x1] =	stream.linear.gather [hbm4b:s8+s3], $0x400, $0x38;
	[tilespmem:$0x14C20] =	vst v63  }
0x12: {  	_ =	swait.ge [sflag:s11], $0x400  }
0x13: {  	[sflag:s11] =	ssyncset.done $0x0  }
0x14: {  	s20 =	simm.s32 $0x0;
	[sflag:s11] =	ssyncadd.s32 $0xFFFFFC00  }
.LBB2_2:
0x15: {  	s21 =	sshrl.u32 s20, $0x3;
	s23 =	sand.u32 $0x7, s20  }
0x16: {  	s22 =	sadd.s32 s9, s21;
	s24 =	smul.u32 $0x600, s23  }
0x17: {  	s21 =	smul.u32 $0x3000, s22;
	_ =	sdelay $0x1  }
0x18: {  	s21 =	sadd.s32 s24, s21  }
0x19: {  	s23 =	sshll.u32 s23, $0x9;
	s21 =	sshrl.u32 s21, $0x3  }
0x1a: {  	s30 =	sshll.u32 s22, $0xC;
	s29 =	sadd.s32 s6, s21;
	s21 =	simm.s32 $0x0  }
0x1b: {  	[tilespmem:s13], [sflag:$0x1] =	stream.linear.gather [hbm4b:s29+s21], $0x600, $0x38;
	[tilespmem:$0x14C20] =	vst v63  }
0x1c: {  	s24 =	sor.u32 s23, s30;
	_ =	swait.ge [sflag:s11], $0x600  }
0x1d: {  	s24 =	sshrl.u32 s24, $0x3;
	[sflag:s11] =	ssyncset.done $0x0  }
0x1e: {  	s22 =	sshll.u32 s22, $0x11;
	s24 =	sadd.s32 s1, s24;
	[sflag:s11] =	ssyncadd.s32 $0xFFFFFA00  }
0x1f: {  	[tilespmem:s14], [sflag:$0x1] =	stream.linear.gather [hbm4b:s24+s21], $0x200, $0x38;
	[tilespmem:$0x14C20] =	vst v63  }
0x20: {  	s22 =	sor.u32 s23, s22;
	_ =	swait.ge [sflag:s11], $0x200  }
0x21: {  	s22 =	sshrl.u32 s22, $0x3;
	[sflag:s11] =	ssyncset.done $0x0  }
0x22: {  	s31 =	sadd.s32 s7, s22;
	[sflag:s11] =	ssyncadd.s32 $0xFFFFFE00  }
0x23: {  	[tilespmem:s17], [sflag:$0x1] =	stream.strided.gather [hbm4b:s31+s15], $0x4000, s16, s15, $0x38;
	[tilespmem:$0x14C20] =	vst v63  }
0x24: {  	_ =	swait.ge [sflag:s11], $0x4000  }
0x25: {  	[sflag:s11] =	ssyncset.done $0x0  }
0x26: {  	[sflag:s11] =	ssyncadd.s32 $0xFFFFC000  }
.LBB2_3:
0x27: {  	s23 =	sshra.s32 s21, $0x2  }
0x28: {  	v0 =	vld [tilespmem:s23+$0xC620]  }
0x29: {  	v2 =	vld [tilespmem:s23+$0xC020]  }
0x2a: {  	v4 =	vld [tilespmem:s23+$0xC220]  }
0x2b: {  	v6 =	vld [tilespmem:s23+$0xC420]  }
0x2c: {  	v10 =	vld [tilespmem:s23+$0xC820]  }
0x2d: {  	v11 =	vld [tilespmem:s23+$0xCA20]  }
0x2e: {  	v13 =	vld [tilespmem:s23+$0xCC20]  }
0x2f: {  	v15 =	vld [tilespmem:s23+$0xCE20];
	v0 =	vshll.u32 v0, $0x5  }
0x30: {  	v56 =	vld [tilespmem:s23+$0xD020];
	v2 =	vshll.u32 v2, $0x5  }
0x31: {  	v59 =	vld [tilespmem:s23+$0xD220];
	v1 =	vor.u32 $0x1, v0  }
0x32: {  	v61 =	vld [tilespmem:s23+$0xD420];
	v3 =	vor.u32 $0x2, v0  }
0x33: {  	v63 =	vld [tilespmem:s23+$0xD620];
	v5 =	vor.u32 $0x3, v0  }
0x34: {  	v47 =	vor.u32 $0x1, v2;
	v7 =	vld.idx.msk [tilespmem:v0+s12+$0x0], $0xffff  }
0x35: {  	v12 =	vor.u32 $0x2, v2;
	v48 =	vld.idx.msk [tilespmem:v2+s3+$0x0], $0xffff  }
0x36: {  	v14 =	vor.u32 $0x3, v2;
	v8 =	vld.idx.msk [tilespmem:v1+s12+$0x0], $0xffff  }
0x37: {  	v23 =	vor.u32 $0x4, v0;
	v9 =	vld.idx.msk [tilespmem:v3+s12+$0x0], $0xffff  }
0x38: {  	v25 =	vor.u32 $0x5, v0;
	v5 =	vld.idx.msk [tilespmem:v5+s12+$0x0], $0xffff  }
0x39: {  	v26 =	vor.u32 $0x6, v0;
	v17 =	vld.idx.msk [tilespmem:v47+s3+$0x0], $0xffff  }
0x3a: {  	v27 =	vor.u32 $0x7, v0;
	v12 =	vld.idx.msk [tilespmem:v12+s3+$0x0], $0xffff  }
0x3b: {  	v28 =	vor.u32 $0x4, v2;
	v14 =	vld.idx.msk [tilespmem:v14+s3+$0x0], $0xffff  }
0x3c: {  	v29 =	vor.u32 $0x5, v2;
	v23 =	vld.idx.msk [tilespmem:v23+s12+$0x0], $0xffff  }
0x3d: {  	v30 =	vor.u32 $0x6, v2;
	v25 =	vld.idx.msk [tilespmem:v25+s12+$0x0], $0xffff  }
0x3e: {  	v31 =	vor.u32 $0x7, v2;
	v26 =	vld.idx.msk [tilespmem:v26+s12+$0x0], $0xffff  }
0x3f: {  	v3 =	vshll.u32 v4, $0x5;
	v27 =	vld.idx.msk [tilespmem:v27+s12+$0x0], $0xffff  }
0x40: {  	v1 =	vshll.u32 v6, $0x5;
	v28 =	vld.idx.msk [tilespmem:v28+s3+$0x0], $0xffff  }
0x41: {  	v29 =	vld.idx.msk [tilespmem:v29+s3+$0x0], $0xffff;
	v16 =	vor.u32 $0x1, v3  }
0x42: {  	v30 =	vld.idx.msk [tilespmem:v30+s3+$0x0], $0xffff;
	v18 =	vor.u32 $0x2, v3  }
0x43: {  	v31 =	vld.idx.msk [tilespmem:v31+s3+$0x0], $0xffff;
	v19 =	vor.u32 $0x3, v3  }
0x44: {  	v20 =	vor.u32 $0x1, v1;
	v49 =	vld.idx.msk [tilespmem:v3+s3+$0x0], $0xffff  }
0x45: {  	v21 =	vor.u32 $0x2, v1;
	v24 =	vld.idx.msk [tilespmem:v1+s3+$0x0], $0xffff  }
0x46: {  	v22 =	vor.u32 $0x3, v1;
	v16 =	vld.idx.msk [tilespmem:v16+s3+$0x0], $0xffff  }
0x47: {  	v32 =	vor.u32 $0x4, v3;
	v18 =	vld.idx.msk [tilespmem:v18+s3+$0x0], $0xffff  }
0x48: {  	v33 =	vor.u32 $0x5, v3;
	v19 =	vld.idx.msk [tilespmem:v19+s3+$0x0], $0xffff  }
0x49: {  	v34 =	vor.u32 $0x6, v3;
	v20 =	vld.idx.msk [tilespmem:v20+s3+$0x0], $0xffff  }
0x4a: {  	v35 =	vor.u32 $0x7, v3;
	v21 =	vld.idx.msk [tilespmem:v21+s3+$0x0], $0xffff  }
0x4b: {  	v36 =	vor.u32 $0x4, v1;
	v22 =	vld.idx.msk [tilespmem:v22+s3+$0x0], $0xffff  }
0x4c: {  	v37 =	vor.u32 $0x5, v1;
	v4 =	vadd.f32 v48, v10;
	v32 =	vld.idx.msk [tilespmem:v32+s3+$0x0], $0xffff  }
0x4d: {  	v50 =	vor.u32 $0x6, v1;
	v11 =	vadd.f32 v17, v11;
	v10 =	vld.idx.msk [tilespmem:v33+s3+$0x0], $0xffff  }
0x4e: {  	v52 =	vadd.f32 v12, v13;
	v17 =	vld.idx.msk [tilespmem:v34+s3+$0x0], $0xffff;
	v4 =	vadd.f32 v49, v4  }
0x4f: {  	v51 =	vor.u32 $0x7, v1;
	v53 =	vadd.f32 v14, v15;
	v12 =	vld.idx.msk [tilespmem:v35+s3+$0x0], $0xffff;
	v11 =	vadd.f32 v16, v11  }
0x50: {  	v14 =	vld.idx.msk [tilespmem:v36+s3+$0x0], $0xffff;
	v6 =	vadd.f32 v18, v52;
	v4 =	vadd.f32 v24, v4  }
0x51: {  	v15 =	vld.idx.msk [tilespmem:v37+s3+$0x0], $0xffff;
	v13 =	vadd.f32 v19, v53;
	v11 =	vadd.f32 v20, v11  }
0x52: {  	v55 =	vor.u32 $0x8, v0;
	v16 =	vld.idx.msk [tilespmem:v50+s3+$0x0], $0xffff;
	v6 =	vadd.f32 v21, v6;
	v4 =	vmul.f32 v4, v7  }
0x53: {  	v52 =	vadd.f32 v31, v63;
	v63 =	vld [tilespmem:s23+$0xDE20];
	v54 =	vadd.f32 v22, v13;
	v8 =	vmul.f32 v11, v8  }
0x54: {  	v58 =	vor.u32 $0x9, v0;
	v7 =	vld.idx.msk [tilespmem:v51+s3+$0x0], $0xffff;
	v57 =	vmul.f32 v6, v9;
	[tilespmem:s23+$0x10820] =	vst v4  }
0x55: {  	v60 =	vor.u32 $0xA, v0;
	v5 =	vmul.f32 v54, v5;
	v9 =	vadd.f32 v29, v59;
	v59 =	vld [tilespmem:s23+$0xDA20];
	[tilespmem:s23+$0x10A20] =	vst v8  }
0x56: {  	v62 =	vor.u32 $0xB, v0;
	v11 =	vadd.f32 v30, v61;
	v61 =	vld [tilespmem:s23+$0xDC20];
	[tilespmem:s23+$0x10C20] =	vst v57  }
0x57: {  	v40 =	vor.u32 $0x8, v2;
	[tilespmem:s23+$0x10E20] =	vst v5;
	v57 =	vld [tilespmem:s23+$0xD820]  }
0x58: {  	v41 =	vor.u32 $0x9, v2;
	v13 =	vld.idx.msk [tilespmem:v55+s12+$0x0], $0xffff  }
0x59: {  	v42 =	vor.u32 $0xA, v2;
	v6 =	vld.idx.msk [tilespmem:v58+s12+$0x0], $0xffff  }
0x5a: {  	v43 =	vor.u32 $0xB, v2;
	v8 =	vld.idx.msk [tilespmem:v60+s12+$0x0], $0xffff  }
0x5b: {  	v44 =	vor.u32 $0x8, v3;
	v4 =	vld.idx.msk [tilespmem:v62+s12+$0x0], $0xffff  }
0x5c: {  	v45 =	vor.u32 $0x9, v3;
	v5 =	vld.idx.msk [tilespmem:v40+s3+$0x0], $0xffff  }
0x5d: {  	v46 =	vor.u32 $0xA, v3;
	v20 =	vld.idx.msk [tilespmem:v41+s3+$0x0], $0xffff  }
0x5e: {  	v47 =	vor.u32 $0xB, v3;
	v21 =	vld.idx.msk [tilespmem:v42+s3+$0x0], $0xffff  }
0x5f: {  	v48 =	vor.u32 $0x8, v1;
	v18 =	vadd.f32 v28, v56;
	v22 =	vld.idx.msk [tilespmem:v43+s3+$0x0], $0xffff  }
0x60: {  	v49 =	vor.u32 $0x9, v1;
	v24 =	vld.idx.msk [tilespmem:v44+s3+$0x0], $0xffff  }
0x61: {  	v50 =	vor.u32 $0xA, v1;
	v18 =	vadd.f32 v32, v18;
	v28 =	vld.idx.msk [tilespmem:v45+s3+$0x0], $0xffff  }
0x62: {  	v51 =	vor.u32 $0xB, v1;
	v9 =	vadd.f32 v10, v9;
	v29 =	vld.idx.msk [tilespmem:v46+s3+$0x0], $0xffff  }
0x63: {  	v14 =	vadd.f32 v14, v18;
	v11 =	vadd.f32 v17, v11;
	v30 =	vld.idx.msk [tilespmem:v47+s3+$0x0], $0xffff  }
0x64: {  	v10 =	vadd.f32 v12, v52;
	v53 =	vld.idx.msk [tilespmem:v48+s3+$0x0], $0xffff;
	v9 =	vadd.f32 v15, v9  }
0x65: {  	v14 =	vmul.f32 v14, v23;
	v54 =	vld.idx.msk [tilespmem:v49+s3+$0x0], $0xffff;
	v11 =	vadd.f32 v16, v11  }
0x66: {  	v56 =	vor.u32 $0xC, v0;
	v12 =	vld.idx.msk [tilespmem:v50+s3+$0x0], $0xffff;
	v7 =	vadd.f32 v7, v10;
	v9 =	vmul.f32 v9, v25  }
0x67: {  	v58 =	vor.u32 $0xD, v0;
	v55 =	vld.idx.msk [tilespmem:v51+s3+$0x0], $0xffff;
	[tilespmem:s23+$0x11020] =	vst v14;
	v11 =	vmul.f32 v11, v26  }
0x68: {  	v60 =	vor.u32 $0xE, v0;
	v7 =	vmul.f32 v7, v27;
	[tilespmem:s23+$0x11220] =	vst v9;
	v18 =	vadd.f32 v20, v59;
	v59 =	vld [tilespmem:s23+$0xE220]  }
0x69: {  	v62 =	vor.u32 $0xF, v0;
	[tilespmem:s23+$0x11420] =	vst v11;
	v21 =	vadd.f32 v21, v61;
	v61 =	vld [tilespmem:s23+$0xE420]  }
0x6a: {  	v40 =	vor.u32 $0xC, v2;
	[tilespmem:s23+$0x11620] =	vst v7;
	v22 =	vadd.f32 v22, v63;
	v63 =	vld [tilespmem:s23+$0xE620]  }
0x6b: {  	v41 =	vor.u32 $0xD, v2;
	v10 =	vld.idx.msk [tilespmem:v56+s12+$0x0], $0xffff  }
0x6c: {  	v42 =	vor.u32 $0xE, v2;
	v14 =	vld.idx.msk [tilespmem:v58+s12+$0x0], $0xffff  }
0x6d: {  	v43 =	vor.u32 $0xF, v2;
	v9 =	vld.idx.msk [tilespmem:v60+s12+$0x0], $0xffff  }
0x6e: {  	v44 =	vor.u32 $0xC, v3;
	v11 =	vld.idx.msk [tilespmem:v62+s12+$0x0], $0xffff  }
0x6f: {  	v45 =	vor.u32 $0xD, v3;
	v7 =	vld.idx.msk [tilespmem:v40+s3+$0x0], $0xffff  }
0x70: {  	v46 =	vor.u32 $0xE, v3;
	v26 =	vld.idx.msk [tilespmem:v41+s3+$0x0], $0xffff  }
0x71: {  	v47 =	vor.u32 $0xF, v3;
	v27 =	vld.idx.msk [tilespmem:v42+s3+$0x0], $0xffff  }
0x72: {  	v31 =	vld.idx.msk [tilespmem:v43+s3+$0x0], $0xffff  }
0x73: {  	v48 =	vor.u32 $0xC, v1;
	v32 =	vld.idx.msk [tilespmem:v44+s3+$0x0], $0xffff  }
0x74: {  	v49 =	vor.u32 $0xD, v1;
	v5 =	vadd.f32 v5, v57;
	v16 =	vld.idx.msk [tilespmem:v45+s3+$0x0], $0xffff  }
0x75: {  	v50 =	vor.u32 $0xE, v1;
	v20 =	vld.idx.msk [tilespmem:v46+s3+$0x0], $0xffff  }
0x76: {  	v51 =	vor.u32 $0xF, v1;
	v23 =	vld.idx.msk [tilespmem:v47+s3+$0x0], $0xffff;
	v5 =	vadd.f32 v24, v5  }
0x77: {  	v56 =	vld [tilespmem:s23+$0xE020];
	v18 =	vadd.f32 v28, v18  }
0x78: {  	v24 =	vld.idx.msk [tilespmem:v48+s3+$0x0], $0xffff;
	v52 =	vadd.f32 v29, v21;
	v5 =	vadd.f32 v53, v5  }
0x79: {  	v21 =	vld.idx.msk [tilespmem:v49+s3+$0x0], $0xffff;
	v17 =	vadd.f32 v54, v18;
	v53 =	vadd.f32 v30, v22  }
0x7a: {  	v54 =	vld.idx.msk [tilespmem:v50+s3+$0x0], $0xffff;
	v12 =	vadd.f32 v12, v52;
	v5 =	vmul.f32 v5, v13  }
0x7b: {  	v13 =	vld.idx.msk [tilespmem:v51+s3+$0x0], $0xffff;
	v6 =	vmul.f32 v17, v6;
	v15 =	vadd.f32 v55, v53;
	v55 =	vor.u32 $0x10, v0  }
0x7c: {  	v58 =	vor.u32 $0x11, v0;
	v57 =	vmul.f32 v12, v8;
	v7 =	vadd.f32 v7, v56;
	v56 =	vld [tilespmem:s23+$0xE820];
	[tilespmem:s23+$0x11820] =	vst v5  }
0x7d: {  	v60 =	vor.u32 $0x12, v0;
	v12 =	vadd.f32 v26, v59;
	v59 =	vld [tilespmem:s23+$0xEA20];
	[tilespmem:s23+$0x11A20] =	vst v6;
	v4 =	vmul.f32 v15, v4  }
0x7e: {  	v62 =	vor.u32 $0x13, v0;
	v50 =	vadd.f32 v31, v63;
	v63 =	vld [tilespmem:s23+$0xEE20];
	[tilespmem:s23+$0x11C20] =	vst v57  }
0x7f: {  	v38 =	vor.u32 $0x10, v2;
	v15 =	vadd.f32 v27, v61;
	v61 =	vld [tilespmem:s23+$0xEC20];
	[tilespmem:s23+$0x11E20] =	vst v4  }
0x80: {  	v39 =	vor.u32 $0x11, v2;
	v17 =	vld.idx.msk [tilespmem:v55+s12+$0x0], $0xffff  }
0x81: {  	v40 =	vor.u32 $0x12, v2;
	v8 =	vld.idx.msk [tilespmem:v58+s12+$0x0], $0xffff  }
0x82: {  	v41 =	vor.u32 $0x13, v2;
	v6 =	vld.idx.msk [tilespmem:v60+s12+$0x0], $0xffff  }
0x83: {  	v42 =	vor.u32 $0x10, v3;
	v5 =	vld.idx.msk [tilespmem:v62+s12+$0x0], $0xffff  }
0x84: {  	v43 =	vor.u32 $0x11, v3;
	v4 =	vld.idx.msk [tilespmem:v38+s3+$0x0], $0xffff  }
0x85: {  	v44 =	vor.u32 $0x12, v3;
	v25 =	vld.idx.msk [tilespmem:v39+s3+$0x0], $0xffff  }
0x86: {  	v45 =	vor.u32 $0x13, v3;
	v28 =	vld.idx.msk [tilespmem:v40+s3+$0x0], $0xffff  }
0x87: {  	v46 =	vor.u32 $0x10, v1;
	v29 =	vld.idx.msk [tilespmem:v41+s3+$0x0], $0xffff  }
0x88: {  	v47 =	vor.u32 $0x11, v1;
	v30 =	vld.idx.msk [tilespmem:v42+s3+$0x0], $0xffff  }
0x89: {  	v48 =	vor.u32 $0x12, v1;
	v7 =	vadd.f32 v32, v7;
	v18 =	vld.idx.msk [tilespmem:v43+s3+$0x0], $0xffff  }
0x8a: {  	v49 =	vor.u32 $0x13, v1;
	v12 =	vadd.f32 v16, v12;
	v26 =	vld.idx.msk [tilespmem:v44+s3+$0x0], $0xffff  }
0x8b: {  	v16 =	vadd.f32 v23, v50;
	v7 =	vadd.f32 v24, v7;
	v27 =	vld.idx.msk [tilespmem:v45+s3+$0x0], $0xffff  }
0x8c: {  	v15 =	vadd.f32 v20, v15;
	v12 =	vadd.f32 v21, v12;
	v51 =	vld.idx.msk [tilespmem:v46+s3+$0x0], $0xffff  }
0x8d: {  	v52 =	vld.idx.msk [tilespmem:v47+s3+$0x0], $0xffff;
	v13 =	vadd.f32 v13, v16;
	v7 =	vmul.f32 v7, v10  }
0x8e: {  	v21 =	vld.idx.msk [tilespmem:v48+s3+$0x0], $0xffff;
	v55 =	vor.u32 $0x14, v0;
	v53 =	vadd.f32 v54, v15;
	v12 =	vmul.f32 v12, v14  }
0x8f: {  	v58 =	vor.u32 $0x15, v0;
	v54 =	vld.idx.msk [tilespmem:v49+s3+$0x0], $0xffff;
	v11 =	vmul.f32 v13, v11;
	[tilespmem:s23+$0x12020] =	vst v7  }
0x90: {  	v60 =	vor.u32 $0x16, v0;
	v57 =	vmul.f32 v53, v9;
	[tilespmem:s23+$0x12220] =	vst v12;
	v4 =	vadd.f32 v4, v56;
	v56 =	vld [tilespmem:s23+$0xF020]  }
0x91: {  	v62 =	vor.u32 $0x17, v0;
	[tilespmem:s23+$0x12620] =	vst v11;
	v10 =	vadd.f32 v25, v59;
	v59 =	vld [tilespmem:s23+$0xF220]  }
0x92: {  	v37 =	vor.u32 $0x14, v2;
	[tilespmem:s23+$0x12420] =	vst v57;
	v49 =	vadd.f32 v29, v63;
	v63 =	vld [tilespmem:s23+$0xF620]  }
0x93: {  	v38 =	vor.u32 $0x15, v2;
	v14 =	vld.idx.msk [tilespmem:v55+s12+$0x0], $0xffff  }
0x94: {  	v39 =	vor.u32 $0x16, v2;
	v9 =	vld.idx.msk [tilespmem:v58+s12+$0x0], $0xffff  }
0x95: {  	v40 =	vor.u32 $0x17, v2;
	v12 =	vld.idx.msk [tilespmem:v60+s12+$0x0], $0xffff  }
0x96: {  	v41 =	vor.u32 $0x14, v3;
	v7 =	vld.idx.msk [tilespmem:v62+s12+$0x0], $0xffff  }
0x97: {  	v42 =	vor.u32 $0x15, v3;
	v11 =	vld.idx.msk [tilespmem:v37+s3+$0x0], $0xffff  }
0x98: {  	v43 =	vor.u32 $0x16, v3;
	v23 =	vld.idx.msk [tilespmem:v38+s3+$0x0], $0xffff  }
0x99: {  	v44 =	vor.u32 $0x17, v3;
	v24 =	vld.idx.msk [tilespmem:v39+s3+$0x0], $0xffff  }
0x9a: {  	v45 =	vor.u32 $0x14, v1;
	v31 =	vld.idx.msk [tilespmem:v40+s3+$0x0], $0xffff  }
0x9b: {  	v48 =	vor.u32 $0x17, v1;
	v32 =	vld.idx.msk [tilespmem:v41+s3+$0x0], $0xffff  }
0x9c: {  	v46 =	vor.u32 $0x15, v1;
	v13 =	vadd.f32 v28, v61;
	v16 =	vld.idx.msk [tilespmem:v42+s3+$0x0], $0xffff;
	v4 =	vadd.f32 v30, v4  }
0x9d: {  	v47 =	vor.u32 $0x16, v1;
	v25 =	vld.idx.msk [tilespmem:v43+s3+$0x0], $0xffff;
	v10 =	vadd.f32 v18, v10  }
0x9e: {  	v28 =	vld.idx.msk [tilespmem:v44+s3+$0x0], $0xffff;
	v13 =	vadd.f32 v26, v13;
	v4 =	vadd.f32 v51, v4  }
0x9f: {  	v50 =	vld.idx.msk [tilespmem:v45+s3+$0x0], $0xffff;
	v18 =	vadd.f32 v27, v49;
	v10 =	vadd.f32 v52, v10  }
0xa0: {  	v53 =	vld.idx.msk [tilespmem:v48+s3+$0x0], $0xffff;
	v13 =	vadd.f32 v21, v13;
	v4 =	vmul.f32 v4, v17  }
0xa1: {  	v55 =	vor.u32 $0x18, v0;
	v51 =	vld.idx.msk [tilespmem:v46+s3+$0x0], $0xffff;
	v54 =	vadd.f32 v54, v18;
	v8 =	vmul.f32 v10, v8  }
0xa2: {  	v58 =	vor.u32 $0x19, v0;
	v52 =	vld.idx.msk [tilespmem:v47+s3+$0x0], $0xffff;
	v57 =	vmul.f32 v13, v6;
	[tilespmem:s23+$0x12820] =	vst v4  }
0xa3: {  	v61 =	vld [tilespmem:s23+$0xF420];
	v60 =	vor.u32 $0x1A, v0;
	v5 =	vmul.f32 v54, v5;
	[tilespmem:s23+$0x12A20] =	vst v8  }
0xa4: {  	v62 =	vor.u32 $0x1B, v0;
	v11 =	vadd.f32 v11, v56;
	v56 =	vld [tilespmem:s23+$0xFE20];
	[tilespmem:s23+$0x12C20] =	vst v57  }
0xa5: {  	v36 =	vor.u32 $0x18, v2;
	v48 =	vadd.f32 v31, v63;
	v63 =	vld [tilespmem:s23+$0x10620];
	[tilespmem:s23+$0x12E20] =	vst v5  }
0xa6: {  	v37 =	vor.u32 $0x19, v2;
	v15 =	vld.idx.msk [tilespmem:v55+s12+$0x0], $0xffff  }
0xa7: {  	v38 =	vor.u32 $0x1A, v2;
	v6 =	vld.idx.msk [tilespmem:v58+s12+$0x0], $0xffff  }
0xa8: {  	v39 =	vor.u32 $0x1B, v2;
	v8 =	vld.idx.msk [tilespmem:v60+s12+$0x0], $0xffff  }
0xa9: {  	v40 =	vor.u32 $0x18, v3;
	v4 =	vld.idx.msk [tilespmem:v62+s12+$0x0], $0xffff  }
0xaa: {  	v41 =	vor.u32 $0x19, v3;
	v5 =	vld.idx.msk [tilespmem:v36+s3+$0x0], $0xffff  }
0xab: {  	v42 =	vor.u32 $0x1A, v3;
	v26 =	vld.idx.msk [tilespmem:v37+s3+$0x0], $0xffff  }
0xac: {  	v43 =	vor.u32 $0x1B, v3;
	v27 =	vld.idx.msk [tilespmem:v38+s3+$0x0], $0xffff  }
0xad: {  	v44 =	vor.u32 $0x18, v1;
	v29 =	vld.idx.msk [tilespmem:v39+s3+$0x0], $0xffff  }
0xae: {  	v45 =	vor.u32 $0x19, v1;
	v30 =	vld.idx.msk [tilespmem:v40+s3+$0x0], $0xffff  }
0xaf: {  	v46 =	vor.u32 $0x1A, v1;
	v18 =	vld.idx.msk [tilespmem:v41+s3+$0x0], $0xffff  }
0xb0: {  	v13 =	vadd.f32 v23, v59;
	v23 =	vld.idx.msk [tilespmem:v42+s3+$0x0], $0xffff  }
0xb1: {  	v10 =	vadd.f32 v24, v61;
	v24 =	vld.idx.msk [tilespmem:v43+s3+$0x0], $0xffff  }
0xb2: {  	v11 =	vadd.f32 v32, v11;
	v21 =	vld.idx.msk [tilespmem:v44+s3+$0x0], $0xffff  }
0xb3: {  	v47 =	vor.u32 $0x1B, v1;
	v13 =	vadd.f32 v16, v13;
	v22 =	vld.idx.msk [tilespmem:v45+s3+$0x0], $0xffff  }
0xb4: {  	v10 =	vadd.f32 v25, v10;
	v19 =	vld.idx.msk [tilespmem:v46+s3+$0x0], $0xffff;
	v11 =	vadd.f32 v50, v11  }
0xb5: {  	v16 =	vadd.f32 v28, v48;
	v55 =	vld [tilespmem:s23+$0xFC20];
	v13 =	vadd.f32 v51, v13  }
0xb6: {  	v58 =	vld [tilespmem:s23+$0x10020];
	v10 =	vadd.f32 v52, v10;
	v11 =	vmul.f32 v11, v14  }
0xb7: {  	v60 =	vld [tilespmem:s23+$0x10220];
	v49 =	vadd.f32 v53, v16;
	v50 =	vor.u32 $0x1C, v0;
	v9 =	vmul.f32 v13, v9  }
0xb8: {  	v52 =	vor.u32 $0x1D, v0;
	v14 =	vld.idx.msk [tilespmem:v47+s3+$0x0], $0xffff;
	v10 =	vmul.f32 v10, v12;
	[tilespmem:s23+$0x13020] =	vst v11  }
0xb9: {  	v54 =	vor.u32 $0x1E, v0;
	v62 =	vld [tilespmem:s23+$0x10420];
	v7 =	vmul.f32 v49, v7;
	[tilespmem:s23+$0x13220] =	vst v9  }
0xba: {  	v57 =	vor.u32 $0x1C, v2;
	v51 =	vld [tilespmem:s23+$0xF820];
	[tilespmem:s23+$0x13420] =	vst v10  }
0xbb: {  	v59 =	vor.u32 $0x1D, v2;
	v53 =	vld [tilespmem:s23+$0xFA20];
	[tilespmem:s23+$0x13620] =	vst v7  }
0xbc: {  	v61 =	vor.u32 $0x1E, v2;
	v7 =	vld.idx.msk [tilespmem:v50+s12+$0x0], $0xffff  }
0xbd: {  	v2 =	vor.u32 $0x1F, v2;
	v11 =	vld.idx.msk [tilespmem:v52+s12+$0x0], $0xffff  }
0xbe: {  	v40 =	vor.u32 $0x1C, v3;
	v9 =	vld.idx.msk [tilespmem:v54+s12+$0x0], $0xffff  }
0xbf: {  	v41 =	vor.u32 $0x1D, v3;
	v16 =	vld.idx.msk [tilespmem:v57+s3+$0x0], $0xffff  }
0xc0: {  	v42 =	vor.u32 $0x1E, v3;
	v25 =	vld.idx.msk [tilespmem:v59+s3+$0x0], $0xffff  }
0xc1: {  	v3 =	vor.u32 $0x1F, v3;
	v31 =	vld.idx.msk [tilespmem:v61+s3+$0x0], $0xffff  }
0xc2: {  	v43 =	vor.u32 $0x1C, v1;
	v2 =	vld.idx.msk [tilespmem:v2+s3+$0x0], $0xffff  }
0xc3: {  	v45 =	vor.u32 $0x1D, v1;
	v13 =	vadd.f32 v27, v55;
	v10 =	vadd.f32 v29, v56;
	v44 =	vld.idx.msk [tilespmem:v40+s3+$0x0], $0xffff  }
0xc4: {  	v47 =	vor.u32 $0x1E, v1;
	v5 =	vadd.f32 v5, v51;
	v12 =	vadd.f32 v26, v53;
	v46 =	vld.idx.msk [tilespmem:v41+s3+$0x0], $0xffff  }
0xc5: {  	v1 =	vor.u32 $0x1F, v1;
	v48 =	vld.idx.msk [tilespmem:v42+s3+$0x0], $0xffff;
	v13 =	vadd.f32 v23, v13;
	v10 =	vadd.f32 v24, v10  }
0xc6: {  	v0 =	vor.u32 $0x1F, v0;
	v3 =	vld.idx.msk [tilespmem:v3+s3+$0x0], $0xffff;
	v5 =	vadd.f32 v30, v5;
	v12 =	vadd.f32 v18, v12  }
0xc7: {  	v49 =	vld.idx.msk [tilespmem:v43+s3+$0x0], $0xffff;
	v13 =	vadd.f32 v19, v13;
	v10 =	vadd.f32 v14, v10  }
0xc8: {  	v50 =	vld.idx.msk [tilespmem:v45+s3+$0x0], $0xffff;
	v5 =	vadd.f32 v21, v5;
	v16 =	vadd.f32 v16, v58  }
0xc9: {  	v51 =	vld.idx.msk [tilespmem:v47+s3+$0x0], $0xffff;
	v12 =	vadd.f32 v22, v12;
	v52 =	vadd.f32 v25, v60  }
0xca: {  	v1 =	vld.idx.msk [tilespmem:v1+s3+$0x0], $0xffff;
	v54 =	vadd.f32 v31, v62;
	v56 =	vmul.f32 v13, v8;
	v53 =	vadd.f32 v44, v16  }
0xcb: {  	v0 =	vld.idx.msk [tilespmem:v0+s12+$0x0], $0xffff;
	v2 =	vadd.f32 v2, v63;
	v4 =	vmul.f32 v10, v4;
	v55 =	vadd.f32 v46, v52  }
0xcc: {  	v5 =	vmul.f32 v5, v15;
	v58 =	vadd.f32 v48, v54;
	[tilespmem:s23+$0x13C20] =	vst v56;
	v57 =	vadd.f32 v49, v53  }
0xcd: {  	v6 =	vmul.f32 v12, v6;
	v2 =	vadd.f32 v3, v2;
	[tilespmem:s23+$0x13E20] =	vst v4;
	v59 =	vadd.f32 v50, v55  }
0xce: {  	p0 =	sne.s32 s21, $0x7C0;
	[tilespmem:s23+$0x13820] =	vst v5;
	v61 =	vadd.f32 v51, v58;
	v60 =	vmul.f32 v57, v7  }
.Ltmp0:
0xcf: {  	[tilespmem:s23+$0x13A20] =	vst v6;
	v1 =	vadd.f32 v1, v2;
	v62 =	vmul.f32 v59, v11;
	(pc) =	sbr.rel @p0 .LBB2_3-.Ltmp0, $4  }
0xd0: {  	v63 =	vmul.f32 v61, v9;
	[tilespmem:s23+$0x14020] =	vst v60  }
0xd1: {  	v0 =	vmul.f32 v1, v0;
	[tilespmem:s23+$0x14220] =	vst v62  }
0xd2: {  	[tilespmem:s23+$0x14420] =	vst v63  }
0xd3: {  	s21 =	sadd.s32 $0x40, s21;
	[tilespmem:s23+$0x14620] =	vst v0  }
0xd4: {  	s20 =	sadd.s32 $0x1, s20  }
0xd5: {  	p0 =	sne.s32 s20, $0x20  }
.Ltmp1:
0xd6: {  	s21 =	sadd.s32 s2, s22;
	(pc) =	sbr.rel @p0 .LBB2_2-.Ltmp1, $4  }
0xd7: {  	[hbm4b:s21+s15] =	stream.strided.scatter [tilespmem:s18], [sflag:$0x1], $0x4000, s16, s15, $0x38;
	[tilespmem:$0x14C20] =	vst v63  }
0xd8: {  	_ =	swait.ge [sflag:s11], $0x4000  }
0xd9: {  	[sflag:s11] =	ssyncset.done $0x0  }
0xda: {  	[sflag:s11] =	ssyncadd.s32 $0xFFFFC000  }
0xdb: {  	s19 =	sadd.s32 $0x1, s19  }
0xdc: {  	p0 =	sne.s32 s19, s10  }
.Ltmp2:
0xdd: {  	_ = 	snop;
	(pc) =	sbr.rel @p0 .LBB2_1-.Ltmp2, $1  }
0xde: {  	_ =	sdelay $0x3  }
0xdf: {  	_ =	sfence.sel $0x180000  }
0xe0: {  	[bflag:$0x0] =	sbarrier.arrive $0xFFFF  }
0xe1: {  	p0 =	sne.s32 s4, $0x0;
	_ =	strace $0x9000004D  }
0xe2: {  	s0 =	sadd.s32 @!p0 $0x100000, s0;
	[bflag:$0x2] =	sbarrier.arrive $0xFFFF  }
0xe3: {  	[sflag:s0] =	ssyncadd.tile.s32 @!p0 $0x1;
	_ =	shalt  }
.Lfunc_end2:
_tile_overlayer_lowered:
.L_overlay_start_2:
0xe4: {  	(tag) =	ssettag $0x2  }
0xe5: {  	s0 =	rddreg [dreg:$0x0];
	s2 =	stileid.u32  }
0xe6: {  	s1 =	rddreg [dreg:$0x1];
	p0 =	sne.s32 s2, $0x0  }
0xe7: {  	s3 =	rddreg [dreg:$0x2];
	[bflag:$0x3] =	sbarrier.arrive $0xFFFF;
	s2 =	simm.s32 @!p0 $0x1C01  }
0xe8: {  	[timem:s3], [sflag:s2] =	dma.local @!p0 [hbm:s0], s1  }
0xe9: {  	s0 =	simm.s32 @!p0 $0x1  }
0xea: {  	_ =	swait.ge @!p0 [sflag:s0], s1  }
0xeb: {  	s1 =	ssub.s32 @!p0 $0x0, s1;
	[sflag:s0] =	ssyncset.done @!p0 $0x0  }
0xec: {  	[sflag:s0] =	ssyncadd.s32 @!p0 s1  }
0xed: {  	[bflag:$0x3] =	sbarrier.arrive $0xFFFF  }
0xee: {  	_ =	shalt  }

// kernel: sparse-core-data-format-call.1.cloned.1.call-start
scs
called_computation.1_lowered:
.L_overlay_start_0:
0x0: {  	s2 =	sld [smem:$0x3FD9]  }
0x1: {  	s3 =	sld [smem:$0x3FFE];
	_ =	sdelay $0x1  }
0x2: {  	s1 =	srdreg.scid  }
0x3: {  	s0 =	sand.u32 $0x1, s1  }
0x4: {  	s15 =	sshll.u32 s0, $0xA;
	s2 =	sadd.s32 s3, s2  }
0x5: {  	s2 =	sadd.s32 s2, s15  }
0x6: {  	[smem:$0x3FBD] =	sst s2  }
0x7: {  	_ = 	snop  }
0x8: {  	s2 =	sld [smem:$0x3FD0];
	_ =	sdelay $0x2  }
0x9: {  	s16 =	simm.s32 $0xB;
	s4 =	simm.s32 $0x10  }
0xa: {  	[smem:s4], [sflag:s16] =	dma.local [hbm:s2], $0x1  }
0xb: {  	_ =	swait.eq [sflag:s16], $0x1  }
0xc: {  	[sflag:s16] =	ssyncset.done $0x0  }
0xd: {  	[sflag:s16] =	ssyncadd.s32 $0xFFFFFFFF  }
0xe: {  	s17 =	sld [smem:$0x11];
	(tm) =	ssettm $0x1  }
0xf: {  	s18 =	sld [smem:$0x3FFB];
	_ =	sdelay $0x3  }
0x10: {  	_ =	strace s18  }
0x11: {  	s3 =	sld [smem:$0x3FFC];
	_ =	sdelay $0x3  }
0x12: {  	_ =	strace s3  }
0x13: {  	s3 =	sld [smem:$0x3FFD];
	_ =	sdelay $0x3  }
0x14: {  	_ =	strace s3  }
0x15: {  	_ =	strace $0x8FFFFFFF  }
0x16: {  	s19 =	sld [smem:$0x3FDB];
	_ =	sdelay $0x1  }
0x17: {  	s20 =	simm.s32 $_scs_section_size  }
0x18: {  	s5 =	simm.s32 $_size__tile_overlayer_lowered;
	s6 =	simm.s32 $_tile_overlayer_lowered  }
0x19: {  	s23 =	simm.s32 $0x1BFF;
	s22 =	sshll.u32 s6, $0x1;
	s3 =	sadd.s32 s20, s19  }
0x1a: {  	s7 =	simm.s32 $0x0;
	s21 =	sshll.u32 s5, $0x1;
	s5 =	sadd.s32 s22, s3  }
0x1b: {  	[timem:s7], [sflag:s23] =	dma.local [hbm:s5], s21  }
0x1c: {  	_ =	swait.ge [sflag:s23], s21  }
0x1d: {  	s4 =	ssub.s32 $0x0, s21;
	[sflag:s23] =	ssyncset.done $0x0  }
0x1e: {  	[sflag:s23] =	ssyncadd.s32 s4;
	_ =	sdelay $0x1  }
0x1f: {  	s24 =	simm.s32 $0x1B8B  }
0x20: {  	_ =	swait.ge [sflag:s24], $0x1  }
0x21: {  	[sflag:s24] =	ssyncset.done $0x0  }
0x22: {  	s26 =	simm.s32 $0x1B8E;
	s25 =	sld [smem:$0x3FFE];
	[sflag:s24] =	ssyncadd.s32 $0xFFFFFFFF  }
0x23: {  	s27 =	simm.s32 $execute0_lowered;
	[smem:$0x3FD2] =	sst s26  }
0x24: {  	s5 =	sshll.u32 s27, $0x1;
	_ =	strace $0x80000049;
	[dreg:$0x1] =	wrdreg $0xFFFFFFFF  }
0x25: {  	s28 =	simm.s32 $_size_execute0_lowered;
	s3 =	sadd.s32 s3, s5;
	[dreg:$0x0] =	wrdreg $0x0  }
0x26: {  	s5 =	sshll.u32 s28, $0x1;
	[dreg:$0x2] =	wrdreg s3  }
0x27: {  	[dreg:$0x3] =	wrdreg s5  }
0x28: {  	[dreg:$0x4] =	wrdreg $0xC0  }
0x29: {  	_ =	task [dreg:s7], $0x5FFFF  }
0x2a: {  	[dreg:$0x1] =	wrdreg $0xFFFFFFFF  }
0x2b: {  	[dreg:$0x0] =	wrdreg $0x60  }
0x2c: {  	[dreg:$0x2] =	wrdreg s17  }
0x2d: {  	[dreg:$0x3] =	wrdreg s25  }
0x2e: {  	[dreg:$0x4] =	wrdreg $0x9  }
0x2f: {  	_ =	task.clear_ibuf [dreg:s7], $0x5FFFF;
	_ =	strace $0x90000049  }
0x30: {  	s29 =	simm.s32 $0x9;
	_ =	strace $0x8000004B  }
0x31: {  	_ =	swait.ge [sflag:s29], $0x1  }
0x32: {  	[sflag:s29] =	ssyncadd.s32 $0xFFFFFFFF  }
0x33: {  	_ =	strace $0x9000004B  }
0x34: {  	_ =	sfence  }
0x35: {  	s30 =	sld [smem:$0x0];
	_ =	sdelay $0x2  }
0x36: {  	s31 =	sshll.u32 s1, $0xD;
	s1 =	sshrl.u32 s1, $0x2  }
0x37: {  	s3 =	sand.u32 $0x4000, s31;
	s1 =	sadd.s32 s1, s30  }
0x38: {  	s0 =	sor.u32 s3, s0;
	s1 =	sshll.u32 s1, $0x11  }
0x39: {  	s0 =	sor.u32 s1, s0  }
0x3a: {  	s0 =	sadd.s32 $0x8F2B, s0  }
0x3b: {  	[sflag:s0] =	ssyncadd.remote.s32 $0x1  }
0x3c: {  	_ =	sfence.sel $0xFFFF  }
0x3d: {  	[dreg:$0x0] =	wrdreg $0xFFFFFFFF;
	(pc) =	sbr.abs _section_cstart, $3  }
0x3e: {  	[dreg:$0x1] =	wrdreg $0xFFFFFFFF  }
0x3f: {  	_ =	task.clear_ibuf [dreg:s7], $0x2FFFF;
	_ =	strace $0x9FFFFFFF  }
0x40: {  	(tm) =	ssettm $0x7FFFFFFF  }
0x41: {  	_ =	shalt  }
tec
execute0_lowered:
.L_overlay_start_1:
0x0: {  	(tag) =	ssettag $0x1  }
0x1: {  	s2 =	rddreg [dreg:$0x0]  }
0x2: {  	s1 =	rddreg [dreg:$0x1]  }
0x3: {  	s0 =	rddreg [dreg:$0x2];
	_ =	strace $0x8000004A;
	s4 =	srdreg.scid  }
0x4: {  	s6 =	simm.s32 $0x2;
	s11 =	simm.s32 $0x0;
	p0 =	por $0x0, $0x0  }
.Ltmp0:
0x5: {  	s7 =	simm.s32 $0x1000;
	s12 =	simm.s32 $0x0;
	(pc) =	sbr.rel .LBB1_1-.Ltmp0, $4  }
0x6: {  	s9 =	simm.s32 $0x0;
	s3 =	sadd.s32 $0x4400, s1;
	s5 =	sshll.u32 s4, $0x4  }
0x7: {  	s1 =	stileid.u32;
	s4 =	simm.s32 $0x1;
	s5 =	sand.u32 $0x10, s5  }
0x8: {  	s8 =	simm.s32 $0x0;
	[sflag:s4] =	ssyncpa.u1 $0x0;
	s5 =	sor.u32 s1, s5  }
0x9: {  	[sflag:s6] =	ssyncpa.u1 $0x0;
	s6 =	simm.s32 $0x800;
	s10 =	smov.u32 s5  }
.LBB1_7:
0xa: {  	s13 =	sadd.s32 $0x10, s9  }
0xb: {  	s11 =	sadd.s32 $0x20, s10;
	s15 =	smov.u32 s10;
	p2 =	sgt.s32 s13, $0x1F  }
0xc: {  	p1 =	slt.u32 s8, $0x2;
	s15 =	smov.u32 @p2 s11  }
0xd: {  	s8 =	sadd.s32 $0x1, s8;
	s13 =	simm.s32 @p2 $0x0;
	p2 =	sgt.s32 s15, $0x1FF  }
0xe: {  	s15 =	smov.u32 @p2 s5;
	p2 =	sne.s32 s8, $0x22  }
.Ltmp1:
0xf: {  	_ = 	snop;
	(pc) =	sbr.rel @!p2 .LBB1_8-.Ltmp1, $4  }
0x10: {  	s14 =	simm.s32 @!p1 $0x2  }
0x11: {  	s12 =	smov.u32 s10;
	_ =	swait.ge @!p1 [sflag:s14], $0x4000  }
0x12: {  	p0 =	por !p0, !p0;
	s11 =	smov.u32 s9;
	[sflag:s14] =	ssyncset.done @!p1 $0x0  }
0x13: {  	s9 =	smov.u32 s13;
	[sflag:s14] =	ssyncadd.s32 @!p1 $0xFFFFC000;
	s10 =	smov.u32 s15  }
.LBB1_1:
0x14: {  	p1 =	sgt.u32 s8, $0x1F  }
0x15: {  	s13 =	sxor.u32 @!p1 $0xFFFFFFFF, s8;
	s14 =	sshll.u32 @!p1 s10, $0xC  }
0x16: {  	s15 =	sshll.u32 @!p1 s9, $0x7;
	s13 =	sshll.u32 @!p1 s13, $0xE;
	s14 =	sadd.s32 @!p1 s2, s14  }
0x17: {  	s13 =	sand.u32 @!p1 $0x4000, s13;
	s14 =	sadd.s32 @!p1 s15, s14;
	s15 =	simm.s32 @!p1 $0x0  }
0x18: {  	[tilespmem:s13], [sflag:$0x1] =	stream.linear.gather @!p1 [hbm4b:s14+s15], $0x4000, $0x38;
	[tilespmem:$0x10000] =	vst v63  }
0x19: {  	p1 =	seq.s32 s8, $0x0  }
0x1a: {  	p2 =	seq.s32 @!p1 s8, $0x21  }
0x1b: {  	p1 =	por p1, p2  }
.Ltmp2:
0x1c: {  	_ = 	snop;
	(pc) =	sbr.rel @p1 .LBB1_7-.Ltmp2, $1  }
0x1d: {  	_ =	sdelay $0x3  }
0x1e: {  	s13 =	simm.s32 $0x1;
	_ =	swait.ge [sflag:s4], $0x4000;
	s16 =	sshll.u32 s8, $0xE  }
0x1f: {  	s13 =	simm.s32 @!p0 $0x0;
	[sflag:s4] =	ssyncset.done $0x0;
	s31 =	sand.u32 $0x4000, s16  }
0x20: {  	s16 =	simm.s32 $0x0;
	s14 =	sshll.u32 s13, $0xE;
	[sflag:s4] =	ssyncadd.s32 $0xFFFFC000  }
0x21: {  	s13 =	sor.u32 $0x8040, s14;
	s15 =	sor.u32 $0x40, s14;
	s14 =	sor.u32 $0x8000, s31  }
.LBB1_3:
0x22: {  	v0 =	vmov s15;
	_ =	sdelay $0x3  }
0x23: {  	s18 =	simm.s32 $0x0  }
0x24: {  	v6 =	vld.idx.msk [tilespmem:v0+s18+$0x30 ss:$0x1], $0xffff  }
0x25: {  	v7 =	vld.idx.msk [tilespmem:v0+s18+$0xFFFFFFC0 ss:$0x1], $0xffff  }
0x26: {  	v5 =	vld.idx.msk [tilespmem:v0+s18+$0xFFFFFFD0 ss:$0x1], $0xffff  }
0x27: {  	v4 =	vld.idx.msk [tilespmem:v0+s18+$0xFFFFFFE0 ss:$0x1], $0xffff  }
0x28: {  	v3 =	vld.idx.msk [tilespmem:v0+s18+$0xFFFFFFF0 ss:$0x1], $0xffff  }
0x29: {  	v1 =	vld.idx.msk [tilespmem:v0+s18+$0x0 ss:$0x1], $0xffff  }
0x2a: {  	v2 =	vld.idx.msk [tilespmem:v0+s18+$0x10 ss:$0x1], $0xffff;
	[tilespmem:s13+$0x30] =	vst v6  }
0x2b: {  	s17 =	simm.s32 $0x80;
	s19 =	simm.s32 $0x400;
	[tilespmem:s13+$0xFFFFFFC0] =	vst v7;
	v6 =	vld.idx.msk [tilespmem:v0+s18+$0x20 ss:$0x1], $0xffff;
	s18 =	smov.u32 s13  }
.LBB1_4:
0x2c: {  	p1 =	sne.s32 s19, $0xE00;
	v7 =	vld.idx.msk [tilespmem:v0+s17+$0x30 ss:$0x1], $0xffff;
	[tilespmem:s18+$0xFFFFFFD0] =	vst v5  }
0x2d: {  	v8 =	vld.idx.msk [tilespmem:v0+s17+$0xFFFFFFC0 ss:$0x1], $0xffff;
	[tilespmem:s18+$0xFFFFFFE0] =	vst v4  }
0x2e: {  	v5 =	vld.idx.msk [tilespmem:v0+s17+$0xFFFFFFD0 ss:$0x1], $0xffff;
	[tilespmem:s18+$0xFFFFFFF0] =	vst v3  }
.Ltmp3:
0x2f: {  	v4 =	vld.idx.msk [tilespmem:v0+s17+$0xFFFFFFE0 ss:$0x1], $0xffff;
	[tilespmem:s18+$0x0] =	vst v1;
	(pc) =	sbr.rel @p1 .LBB1_4-.Ltmp3, $4  }
0x30: {  	v3 =	vld.idx.msk [tilespmem:v0+s17+$0xFFFFFFF0 ss:$0x1], $0xffff;
	[tilespmem:s18+$0x10] =	vst v2  }
0x31: {  	v1 =	vld.idx.msk [tilespmem:v0+s17+$0x0 ss:$0x1], $0xffff;
	[tilespmem:s18+$0x20] =	vst v6;
	s18 =	sadd.s32 $0x800, s18  }
0x32: {  	v2 =	vld.idx.msk [tilespmem:v0+s17+$0x10 ss:$0x1], $0xffff;
	[tilespmem:s18+$0x30] =	vst v7  }
0x33: {  	[tilespmem:s18+$0xFFFFFFC0] =	vst v8;
	v6 =	vld.idx.msk [tilespmem:v0+s17+$0x20 ss:$0x1], $0xffff;
	s17 =	sshra.s32 s19, $0x2;
	s19 =	sadd.s32 $0x200, s19  }
0x34: {  	_ =	sdelay $0x2  }
0x35: {  	[tilespmem:s18+$0xFFFFFFD0] =	vst v5  }
0x36: {  	v56 =	vld.idx.msk [tilespmem:v0+s17+$0x30 ss:$0x1], $0xffff;
	[tilespmem:s18+$0xFFFFFFE0] =	vst v4  }
0x37: {  	v57 =	vld.idx.msk [tilespmem:v0+s17+$0xFFFFFFC0 ss:$0x1], $0xffff;
	[tilespmem:s18+$0xFFFFFFF0] =	vst v3  }
0x38: {  	v58 =	vld.idx.msk [tilespmem:v0+s17+$0xFFFFFFD0 ss:$0x1], $0xffff;
	[tilespmem:s18+$0x0] =	vst v1  }
0x39: {  	v59 =	vld.idx.msk [tilespmem:v0+s17+$0xFFFFFFE0 ss:$0x1], $0xffff;
	[tilespmem:s18+$0x10] =	vst v2  }
0x3a: {  	v60 =	vld.idx.msk [tilespmem:v0+s17+$0xFFFFFFF0 ss:$0x1], $0xffff;
	s31 =	sadd.s32 $0x800, s18;
	[tilespmem:s18+$0x20] =	vst v6  }
0x3b: {  	v61 =	vld.idx.msk [tilespmem:v0+s17+$0x0 ss:$0x1], $0xffff;
	[tilespmem:s31+$0x30] =	vst v56  }
0x3c: {  	v62 =	vld.idx.msk [tilespmem:v0+s17+$0x10 ss:$0x1], $0xffff;
	s16 =	sadd.s32 $0x1, s16;
	[tilespmem:s31+$0xFFFFFFC0] =	vst v57  }
0x3d: {  	v63 =	vld.idx.msk [tilespmem:v0+s17+$0x20 ss:$0x1], $0xffff;
	p1 =	sne.s32 s16, $0x10;
	[tilespmem:s31+$0xFFFFFFD0] =	vst v58  }
.Ltmp4:
0x3e: {  	[tilespmem:s31+$0xFFFFFFE0] =	vst v59;
	(pc) =	sbr.rel @p1 .LBB1_3-.Ltmp4, $4  }
0x3f: {  	[tilespmem:s31+$0xFFFFFFF0] =	vst v60  }
0x40: {  	[tilespmem:s31+$0x0] =	vst v61  }
0x41: {  	[tilespmem:s31+$0x10] =	vst v62  }
0x42: {  	s13 =	sadd.s32 $0x80, s13;
	s15 =	sadd.s32 $0x400, s15;
	[tilespmem:s31+$0x20] =	vst v63  }
.Ltmp5:
0x43: {  	(pc) =	sbr.rel .LBB1_7-.Ltmp5, $4  }
0x44: {  	s12 =	sshll.u32 s12, $0xC;
	s11 =	sshll.u32 s11, $0x4  }
0x45: {  	s11 =	sand.u32 $0x1F0, s11;
	s12 =	sadd.s32 s3, s12  }
0x46: {  	s11 =	sadd.s32 s11, s12  }
0x47: {  	[hbm4b:s11+s6] =	stream.strided.scatter [tilespmem:s14], [sflag:$0x2], $0x4000, s7, s6, $0x38;
	[tilespmem:$0x10000] =	vst v63  }
.LBB1_8:
0x48: {  	_ =	sfence.sel $0x180000  }
0x49: {  	s2 =	simm.s32 $0x1;
	[bflag:$0x0] =	sbarrier.arrive $0xFFFF  }
0x4a: {  	s31 =	simm.s32 $0x2;
	[sflag:s2] =	ssyncpa.u1 $0x1  }
0x4b: {  	[sflag:s31] =	ssyncpa.u1 $0x1  }
0x4c: {  	p0 =	sne.s32 s1, $0x0;
	_ =	strace $0x9000004A  }
0x4d: {  	s0 =	sadd.s32 @!p0 $0x100000, s0;
	[bflag:$0x2] =	sbarrier.arrive $0xFFFF  }
0x4e: {  	[sflag:s0] =	ssyncadd.tile.s32 @!p0 $0x1;
	_ =	shalt  }
.Lfunc_end1:
_tile_overlayer_lowered:
.L_overlay_start_2:
0x4f: {  	(tag) =	ssettag $0x2  }
0x50: {  	s0 =	rddreg [dreg:$0x0];
	s2 =	stileid.u32  }
0x51: {  	s1 =	rddreg [dreg:$0x1];
	p0 =	sne.s32 s2, $0x0  }
0x52: {  	s3 =	rddreg [dreg:$0x2];
	[bflag:$0x3] =	sbarrier.arrive $0xFFFF;
	s2 =	simm.s32 @!p0 $0x1C01  }
0x53: {  	[timem:s3], [sflag:s2] =	dma.local @!p0 [hbm:s0], s1  }
0x54: {  	s0 =	simm.s32 @!p0 $0x1  }
0x55: {  	_ =	swait.ge @!p0 [sflag:s0], s1  }
0x56: {  	s1 =	ssub.s32 @!p0 $0x0, s1;
	[sflag:s0] =	ssyncset.done @!p0 $0x0  }
0x57: {  	[sflag:s0] =	ssyncadd.s32 @!p0 s1  }
0x58: {  	[bflag:$0x3] =	sbarrier.arrive $0xFFFF  }
0x59: {  	_ =	shalt  }

// kernel: sparse-core-data-format-call.2.cloned.1.call-start
scs
called_computation.2_lowered:
.L_overlay_start_0:
0x0: {  	s2 =	sld [smem:$0x3FD9]  }
0x1: {  	s3 =	sld [smem:$0x3FFE];
	_ =	sdelay $0x1  }
0x2: {  	s1 =	srdreg.scid  }
0x3: {  	s0 =	sand.u32 $0x1, s1  }
0x4: {  	s16 =	sshll.u32 s0, $0xA;
	s2 =	sadd.s32 s3, s2  }
0x5: {  	s2 =	sadd.s32 s2, s16  }
0x6: {  	[smem:$0x3FBD] =	sst s2  }
0x7: {  	_ = 	snop  }
0x8: {  	s2 =	sld [smem:$0x3FD0];
	_ =	sdelay $0x2  }
0x9: {  	s4 =	simm.s32 $0xB;
	s5 =	simm.s32 $0x10;
	s17 =	sld [smem:$0x3FC5]  }
0xa: {  	[smem:s5], [sflag:s4] =	dma.local [hbm:s2], $0x1  }
0xb: {  	_ =	swait.eq [sflag:s4], $0x1  }
0xc: {  	[sflag:s4] =	ssyncset.done $0x0  }
0xd: {  	[sflag:s4] =	ssyncadd.s32 $0xFFFFFFFF  }
0xe: {  	s18 =	sld [smem:$0x11];
	(tm) =	ssettm $0x1  }
0xf: {  	s19 =	sld [smem:$0x3FFB];
	_ =	sdelay $0x3  }
0x10: {  	_ =	strace s19  }
0x11: {  	s4 =	sld [smem:$0x3FFC];
	_ =	sdelay $0x3  }
0x12: {  	_ =	strace s4  }
0x13: {  	s4 =	sld [smem:$0x3FFD];
	_ =	sdelay $0x3  }
0x14: {  	_ =	strace s4  }
0x15: {  	_ =	strace $0x8FFFFFFF  }
0x16: {  	s20 =	sld [smem:$0x3FDB];
	_ =	sdelay $0x1  }
0x17: {  	s21 =	simm.s32 $_scs_section_size  }
0x18: {  	s6 =	simm.s32 $_size__tile_overlayer_lowered;
	s7 =	simm.s32 $_tile_overlayer_lowered  }
0x19: {  	s24 =	simm.s32 $0x1BFF;
	s23 =	sshll.u32 s7, $0x1;
	s4 =	sadd.s32 s21, s20  }
0x1a: {  	s8 =	simm.s32 $0x0;
	s22 =	sshll.u32 s6, $0x1;
	s6 =	sadd.s32 s23, s4  }
0x1b: {  	[timem:s8], [sflag:s24] =	dma.local [hbm:s6], s22  }
0x1c: {  	_ =	swait.ge [sflag:s24], s22  }
0x1d: {  	s5 =	ssub.s32 $0x0, s22;
	[sflag:s24] =	ssyncset.done $0x0  }
0x1e: {  	[sflag:s24] =	ssyncadd.s32 s5;
	_ =	sdelay $0x1  }
0x1f: {  	s25 =	simm.s32 $0x1B8B  }
0x20: {  	_ =	swait.ge [sflag:s25], $0x1  }
0x21: {  	[sflag:s25] =	ssyncset.done $0x0  }
0x22: {  	s26 =	simm.s32 $0x1B8E;
	[sflag:s25] =	ssyncadd.s32 $0xFFFFFFFF  }
0x23: {  	s27 =	simm.s32 $execute0_lowered;
	[smem:$0x3FD2] =	sst s26  }
0x24: {  	s5 =	sshll.u32 s27, $0x1;
	_ =	strace $0x80000046;
	[dreg:$0x1] =	wrdreg $0xFFFFFFFF  }
0x25: {  	s28 =	simm.s32 $_size_execute0_lowered;
	s4 =	sadd.s32 s4, s5;
	[dreg:$0x0] =	wrdreg $0x0  }
0x26: {  	s5 =	sshll.u32 s28, $0x1;
	[dreg:$0x2] =	wrdreg s4  }
0x27: {  	[dreg:$0x3] =	wrdreg s5  }
0x28: {  	[dreg:$0x4] =	wrdreg $0xC0  }
0x29: {  	_ =	task [dreg:s8], $0x5FFFF  }
0x2a: {  	[dreg:$0x1] =	wrdreg $0xFFFFFFFF  }
0x2b: {  	[dreg:$0x0] =	wrdreg $0x60  }
0x2c: {  	[dreg:$0x2] =	wrdreg s17  }
0x2d: {  	[dreg:$0x3] =	wrdreg s18  }
0x2e: {  	[dreg:$0x4] =	wrdreg $0x9  }
0x2f: {  	_ =	task.clear_ibuf [dreg:s8], $0x5FFFF;
	_ =	strace $0x90000046  }
0x30: {  	s29 =	simm.s32 $0x9;
	_ =	strace $0x80000048  }
0x31: {  	_ =	swait.ge [sflag:s29], $0x1  }
0x32: {  	[sflag:s29] =	ssyncadd.s32 $0xFFFFFFFF  }
0x33: {  	_ =	strace $0x90000048  }
0x34: {  	_ =	sfence  }
0x35: {  	s30 =	sld [smem:$0x0];
	_ =	sdelay $0x2  }
0x36: {  	s31 =	sshll.u32 s1, $0xD;
	s1 =	sshrl.u32 s1, $0x2  }
0x37: {  	s3 =	sand.u32 $0x4000, s31;
	s1 =	sadd.s32 s1, s30  }
0x38: {  	s0 =	sor.u32 s3, s0;
	s1 =	sshll.u32 s1, $0x11  }
0x39: {  	s0 =	sor.u32 s1, s0  }
0x3a: {  	s0 =	sadd.s32 $0x8F2B, s0  }
0x3b: {  	[sflag:s0] =	ssyncadd.remote.s32 $0x1  }
0x3c: {  	_ =	sfence.sel $0xFFFF  }
0x3d: {  	[dreg:$0x0] =	wrdreg $0xFFFFFFFF;
	(pc) =	sbr.abs _section_cstart, $3  }
0x3e: {  	[dreg:$0x1] =	wrdreg $0xFFFFFFFF  }
0x3f: {  	_ =	task.clear_ibuf [dreg:s8], $0x2FFFF;
	_ =	strace $0x9FFFFFFF  }
0x40: {  	(tm) =	ssettm $0x7FFFFFFF  }
0x41: {  	_ =	shalt  }
tec
execute0_lowered:
.L_overlay_start_1:
0x0: {  	(tag) =	ssettag $0x1  }
0x1: {  	s2 =	rddreg [dreg:$0x0]  }
0x2: {  	s3 =	rddreg [dreg:$0x1]  }
0x3: {  	s0 =	rddreg [dreg:$0x2]  }
0x4: {  	_ =	strace $0x80000047;
	s4 =	srdreg.scid;
	s1 =	stileid.u32  }
.Ltmp0:
0x5: {  	s6 =	simm.s32 $0x2;
	s10 =	simm.s32 $0x0;
	(pc) =	sbr.rel .LBB1_1-.Ltmp0, $4  }
0x6: {  	p0 =	por $0x0, $0x0;
	s11 =	simm.s32 $0x0;
	s5 =	sshll.u32 s4, $0x4  }
0x7: {  	s8 =	simm.s32 $0x0;
	s4 =	simm.s32 $0x1;
	s5 =	sand.u32 $0x10, s5  }
0x8: {  	s7 =	simm.s32 $0x0;
	[sflag:s4] =	ssyncpa.u1 $0x0;
	s5 =	sor.u32 s1, s5  }
0x9: {  	[sflag:s6] =	ssyncpa.u1 $0x0;
	s6 =	simm.s32 $0x20000;
	s9 =	smov.u32 s5  }
.LBB1_5:
0xa: {  	s12 =	sadd.s32 $0x80, s8  }
0xb: {  	s10 =	sadd.s32 $0x20, s9;
	s14 =	smov.u32 s9;
	p2 =	sgt.s32 s12, $0xFFF  }
0xc: {  	p1 =	slt.u32 s7, $0x2;
	s14 =	smov.u32 @p2 s10  }
0xd: {  	s7 =	sadd.s32 $0x1, s7;
	s12 =	simm.s32 @p2 $0x0;
	p2 =	sgt.s32 s14, $0x1F  }
0xe: {  	s14 =	smov.u32 @p2 s5;
	p2 =	sne.s32 s7, $0x22  }
.Ltmp1:
0xf: {  	_ = 	snop;
	(pc) =	sbr.rel @!p2 .LBB1_6-.Ltmp1, $4  }
0x10: {  	s13 =	simm.s32 @!p1 $0x2  }
0x11: {  	s11 =	smov.u32 s9;
	_ =	swait.ge @!p1 [sflag:s13], $0x4000  }
0x12: {  	p0 =	por !p0, !p0;
	s10 =	smov.u32 s8;
	[sflag:s13] =	ssyncset.done @!p1 $0x0  }
0x13: {  	s8 =	smov.u32 s12;
	[sflag:s13] =	ssyncadd.s32 @!p1 $0xFFFFC000;
	s9 =	smov.u32 s14  }
.LBB1_1:
0x14: {  	p1 =	sgt.u32 s7, $0x1F  }
0x15: {  	s12 =	sxor.u32 @!p1 $0xFFFFFFFF, s7;
	s13 =	sshll.u32 @!p1 s9, $0x10;
	s14 =	sshll.u32 @!p1 s8, $0x4  }
0x16: {  	s12 =	sshll.u32 @!p1 s12, $0xE;
	s14 =	sand.u32 @!p1 $0xFFF0, s14;
	s13 =	sadd.s32 @!p1 s2, s13  }
0x17: {  	s12 =	sand.u32 @!p1 $0x4000, s12;
	s13 =	sadd.s32 @!p1 s14, s13;
	s14 =	simm.s32 @!p1 $0x0  }
0x18: {  	[tilespmem:s12], [sflag:$0x1] =	stream.linear.gather @!p1 [hbm4b:s13+s14], $0x4000, $0x38;
	[tilespmem:$0x10100] =	vst v63  }
0x19: {  	p1 =	seq.s32 s7, $0x0  }
0x1a: {  	p2 =	seq.s32 @!p1 s7, $0x21  }
0x1b: {  	p1 =	por p1, p2  }
.Ltmp2:
0x1c: {  	_ = 	snop;
	(pc) =	sbr.rel @p1 .LBB1_5-.Ltmp2, $1  }
0x1d: {  	_ =	sdelay $0x3  }
0x1e: {  	s12 =	simm.s32 $0x1  }
0x1f: {  	_ =	swait.ge [sflag:s4], $0x4000;
	s12 =	simm.s32 @!p0 $0x0  }
0x20: {  	[sflag:s4] =	ssyncset.done $0x0;
	s13 =	sshll.u32 s12, $0xE  }
0x21: {  	[sflag:s4] =	ssyncadd.s32 $0xFFFFC000;
	s15 =	sor.u32 $0x40, s13  }
0x22: {  	s12 =	smul.u32 $0x10200, s12;
	v0 =	vld [tilespmem:s15+$0x30]  }
0x23: {  	v3 =	vld [tilespmem:s15+$0xFFFFFFD0]  }
0x24: {  	s12 =	sshrl.u32 s12, $0x2;
	v4 =	vld [tilespmem:s15+$0xFFFFFFE0]  }
0x25: {  	v5 =	vld [tilespmem:s15+$0xFFFFFFF0];
	s13 =	sor.u32 $0x8000, s12  }
0x26: {  	s31 =	sand.u32 $0x1, s7;
	v1 =	vld [tilespmem:s15+$0x0];
	s14 =	sadd.s32 $0x0, s13  }
0x27: {  	v2 =	vld [tilespmem:s15+$0x10];
	s12 =	smul.u32 $0x10200, s31;
	[tilespmem:s14+$0x3870 ss:$0x81] =	vst.msk $0xffff, v0  }
0x28: {  	[tilespmem:s14+$0x810 ss:$0x81] =	vst.msk $0xffff, v3;
	v3 =	vld [tilespmem:s15+$0x20]  }
0x29: {  	s12 =	sshrl.u32 s12, $0x2;
	v0 =	vld [tilespmem:s15+$0xFFFFFFC0];
	[tilespmem:s14+$0x1020 ss:$0x81] =	vst.msk $0xffff, v4;
	s15 =	sadd.s32 $0x80, s15  }
0x2a: {  	s16 =	simm.s32 $0x4;
	s17 =	simm.s32 $0x8;
	s12 =	sor.u32 $0x8000, s12;
	[tilespmem:s14+$0x1830 ss:$0x81] =	vst.msk $0xffff, v5;
	v4 =	vld [tilespmem:s15+$0x30]  }
.LBB1_3:
0x2b: {  	p1 =	sne.s32 s17, $0x1FC;
	v5 =	vld [tilespmem:s15+$0xFFFFFFD0];
	[tilespmem:s14+$0x2040 ss:$0x81] =	vst.msk $0xffff, v1  }
0x2c: {  	v6 =	vld [tilespmem:s15+$0xFFFFFFE0];
	[tilespmem:s14+$0x2850 ss:$0x81] =	vst.msk $0xffff, v2  }
0x2d: {  	s18 =	sshra.s32 s16, $0x2;
	s16 =	smov.u32 s17;
	v7 =	vld [tilespmem:s15+$0xFFFFFFF0];
	[tilespmem:s14+$0x3060 ss:$0x81] =	vst.msk $0xffff, v3  }
.Ltmp3:
0x2e: {  	v1 =	vld [tilespmem:s15+$0x0];
	[tilespmem:s14+$0x0 ss:$0x81] =	vst.msk $0xffff, v0;
	s14 =	sadd.s32 s18, s13;
	(pc) =	sbr.rel @p1 .LBB1_3-.Ltmp3, $4  }
0x2f: {  	v2 =	vld [tilespmem:s15+$0x10];
	[tilespmem:s14+$0x3870 ss:$0x81] =	vst.msk $0xffff, v4  }
0x30: {  	[tilespmem:s14+$0x810 ss:$0x81] =	vst.msk $0xffff, v5;
	v3 =	vld [tilespmem:s15+$0x20]  }
0x31: {  	v0 =	vld [tilespmem:s15+$0xFFFFFFC0];
	[tilespmem:s14+$0x1020 ss:$0x81] =	vst.msk $0xffff, v6;
	s15 =	sadd.s32 $0x80, s15  }
0x32: {  	s17 =	sadd.s32 $0x4, s17;
	v4 =	vld [tilespmem:s15+$0x30];
	[tilespmem:s14+$0x1830 ss:$0x81] =	vst.msk $0xffff, v7  }
0x33: {  	v5 =	vld [tilespmem:s15+$0xFFFFFFD0];
	[tilespmem:s14+$0x2040 ss:$0x81] =	vst.msk $0xffff, v1  }
0x34: {  	v58 =	vld [tilespmem:s15+$0xFFFFFFE0];
	[tilespmem:s14+$0x2850 ss:$0x81] =	vst.msk $0xffff, v2  }
0x35: {  	s16 =	sshra.s32 s16, $0x2;
	v59 =	vld [tilespmem:s15+$0xFFFFFFF0];
	[tilespmem:s14+$0x3060 ss:$0x81] =	vst.msk $0xffff, v3  }
0x36: {  	v60 =	vld [tilespmem:s15+$0x0];
	s13 =	sadd.s32 s16, s13;
	[tilespmem:s14+$0x0 ss:$0x81] =	vst.msk $0xffff, v0  }
0x37: {  	v61 =	vld [tilespmem:s15+$0x10];
	[tilespmem:s13+$0x3870 ss:$0x81] =	vst.msk $0xffff, v4  }
0x38: {  	v62 =	vld [tilespmem:s15+$0x20];
	s25 =	sand.u32 $0x78, s10;
	s26 =	sshll.u32 s11, $0xC;
	s27 =	sshll.u32 s11, $0x7;
	[tilespmem:s13+$0x810 ss:$0x81] =	vst.msk $0xffff, v5  }
0x39: {  	v63 =	vld [tilespmem:s15+$0xFFFFFFC0];
	s29 =	sshll.u32 s10, $0x3;
	s28 =	sand.u32 $0x18000, s26;
	s11 =	sand.u32 $0x380, s27;
	[tilespmem:s13+$0x1020 ss:$0x81] =	vst.msk $0xffff, v58  }
0x3a: {  	s16 =	sand.u32 $0xC00, s29;
	s15 =	sadd.s32 s28, s29;
	s11 =	sor.u32 s11, s25;
	[tilespmem:s13+$0x1830 ss:$0x81] =	vst.msk $0xffff, v59  }
.Ltmp4:
0x3b: {  	s30 =	sand.u32 $0x1F000, s15;
	s11 =	sor.u32 s16, s11;
	[tilespmem:s13+$0x2040 ss:$0x81] =	vst.msk $0xffff, v60;
	(pc) =	sbr.rel .LBB1_5-.Ltmp4, $4  }
0x3c: {  	s31 =	sand.u32 $0x7, s10;
	s11 =	sor.u32 s30, s11;
	[tilespmem:s13+$0x2850 ss:$0x81] =	vst.msk $0xffff, v61  }
0x3d: {  	s10 =	sshll.u32 s31, $0x12;
	[tilespmem:s13+$0x3060 ss:$0x81] =	vst.msk $0xffff, v62;
	s11 =	sshrl.u32 s11, $0x3  }
0x3e: {  	s10 =	sor.u32 $0x80, s10;
	[tilespmem:s13+$0x0 ss:$0x81] =	vst.msk $0xffff, v63;
	s11 =	sadd.s32 s3, s11  }
0x3f: {  	[hbm4b:s11+s10] =	stream.strided.scatter [tilespmem:s12], [sflag:$0x2], $0x4000, s6, s10, $0x20;
	[tilespmem:$0x10100] =	vst v63  }
.LBB1_6:
0x40: {  	_ =	sfence.sel $0x180000  }
0x41: {  	s2 =	simm.s32 $0x1;
	[bflag:$0x0] =	sbarrier.arrive $0xFFFF  }
0x42: {  	s31 =	simm.s32 $0x2;
	[sflag:s2] =	ssyncpa.u1 $0x1  }
0x43: {  	[sflag:s31] =	ssyncpa.u1 $0x1  }
0x44: {  	p0 =	sne.s32 s1, $0x0;
	_ =	strace $0x90000047  }
0x45: {  	s0 =	sadd.s32 @!p0 $0x100000, s0;
	[bflag:$0x2] =	sbarrier.arrive $0xFFFF  }
0x46: {  	[sflag:s0] =	ssyncadd.tile.s32 @!p0 $0x1;
	_ =	shalt  }
.Lfunc_end1:
_tile_overlayer_lowered:
.L_overlay_start_2:
0x47: {  	(tag) =	ssettag $0x2  }
0x48: {  	s0 =	rddreg [dreg:$0x0];
	s2 =	stileid.u32  }
0x49: {  	s1 =	rddreg [dreg:$0x1];
	p0 =	sne.s32 s2, $0x0  }
0x4a: {  	s3 =	rddreg [dreg:$0x2];
	[bflag:$0x3] =	sbarrier.arrive $0xFFFF;
	s2 =	simm.s32 @!p0 $0x1C01  }
0x4b: {  	[timem:s3], [sflag:s2] =	dma.local @!p0 [hbm:s0], s1  }
0x4c: {  	s0 =	simm.s32 @!p0 $0x1  }
0x4d: {  	_ =	swait.ge @!p0 [sflag:s0], s1  }
0x4e: {  	s1 =	ssub.s32 @!p0 $0x0, s1;
	[sflag:s0] =	ssyncset.done @!p0 $0x0  }
0x4f: {  	[sflag:s0] =	ssyncadd.s32 @!p0 s1  }
0x50: {  	[bflag:$0x3] =	sbarrier.arrive $0xFFFF  }
0x51: {  	_ =	shalt  }

// kernel: sparse-core-data-format-call.cloned.1.call-start
scs
called_computation_lowered:
.L_overlay_start_0:
0x0: {  	s2 =	sld [smem:$0x3FD9]  }
0x1: {  	s3 =	sld [smem:$0x3FFE];
	_ =	sdelay $0x1  }
0x2: {  	s1 =	srdreg.scid  }
0x3: {  	s0 =	sand.u32 $0x1, s1  }
0x4: {  	s16 =	sshll.u32 s0, $0xA;
	s2 =	sadd.s32 s3, s2  }
0x5: {  	s2 =	sadd.s32 s2, s16  }
0x6: {  	[smem:$0x3FBD] =	sst s2  }
0x7: {  	_ = 	snop  }
0x8: {  	s2 =	sld [smem:$0x3FD0];
	_ =	sdelay $0x2  }
0x9: {  	s17 =	simm.s32 $0xB;
	s4 =	simm.s32 $0x10  }
0xa: {  	[smem:s4], [sflag:s17] =	dma.local [hbm:s2], $0x1  }
0xb: {  	_ =	swait.eq [sflag:s17], $0x1  }
0xc: {  	[sflag:s17] =	ssyncset.done $0x0  }
0xd: {  	[sflag:s17] =	ssyncadd.s32 $0xFFFFFFFF  }
0xe: {  	s18 =	sld [smem:$0x11];
	(tm) =	ssettm $0x1  }
0xf: {  	s19 =	sld [smem:$0x3FFB];
	_ =	sdelay $0x3  }
0x10: {  	_ =	strace s19  }
0x11: {  	s2 =	sld [smem:$0x3FFC];
	_ =	sdelay $0x3  }
0x12: {  	_ =	strace s2  }
0x13: {  	s2 =	sld [smem:$0x3FFD];
	_ =	sdelay $0x3  }
0x14: {  	_ =	strace s2  }
0x15: {  	_ =	strace $0x8FFFFFFF  }
0x16: {  	s20 =	sld [smem:$0x3FDB];
	_ =	sdelay $0x1  }
0x17: {  	s21 =	simm.s32 $_scs_section_size  }
0x18: {  	s5 =	simm.s32 $_size__tile_overlayer_lowered;
	s6 =	simm.s32 $_tile_overlayer_lowered  }
0x19: {  	s7 =	simm.s32 $0x1BFF;
	s22 =	sshll.u32 s6, $0x1;
	s4 =	sadd.s32 s21, s20  }
0x1a: {  	s23 =	simm.s32 $0x0;
	s5 =	sshll.u32 s5, $0x1;
	s6 =	sadd.s32 s22, s4  }
0x1b: {  	[timem:s23], [sflag:s7] =	dma.local [hbm:s6], s5  }
0x1c: {  	_ =	swait.ge [sflag:s7], s5  }
0x1d: {  	s5 =	ssub.s32 $0x0, s5;
	[sflag:s7] =	ssyncset.done $0x0  }
0x1e: {  	[sflag:s7] =	ssyncadd.s32 s5;
	_ =	sdelay $0x1  }
0x1f: {  	s24 =	simm.s32 $0x1B8B  }
0x20: {  	_ =	swait.ge [sflag:s24], $0x1  }
0x21: {  	[sflag:s24] =	ssyncset.done $0x0  }
0x22: {  	[sflag:s24] =	ssyncadd.s32 $0xFFFFFFFF  }
0x23: {  	s5 =	sld [smem:$0x0]  }
0x24: {  	s6 =	sand.u32 $0xFFFFFFFE, s1  }
0x25: {  	p0 =	sne.s32 s1, s6  }
0x26: {  	s6 =	sshll.u32 @p0 s6, $0xE  }
0x27: {  	s6 =	sadd.s32 @p0 $0x11B8D, s6;
	s7 =	sshll.u32 @p0 s5, $0x11  }
0x28: {  	s6 =	sor.u32 @p0 s7, s6  }
0x29: {  	[sflag:s6] =	ssyncadd.remote.s32 @p0 $0x1;
	_ =	sdelay $0x1  }
0x2a: {  	s6 =	simm.s32 @p0 $0x1B8D  }
0x2b: {  	_ =	swait.eq @p0 [sflag:s6], $0x1  }
0x2c: {  	[sflag:s6] =	ssyncadd.s32 @p0 $0xFFFFFFFF  }
0x2d: {  	s7 =	sshll.u32 @!p0 s1, $0xE  }
0x2e: {  	s7 =	sor.u32 @!p0 $0x4000, s7;
	s6 =	simm.s32 @!p0 $0x1B8D  }
0x2f: {  	s5 =	sshll.u32 @!p0 s5, $0x11;
	s7 =	sadd.s32 @!p0 $0x11B8D, s7;
	_ =	swait.eq @!p0 [sflag:s6], $0x1  }
0x30: {  	s5 =	sor.u32 @!p0 s5, s7;
	[sflag:s6] =	ssyncadd.s32 @!p0 $0xFFFFFFFF  }
0x31: {  	s26 =	simm.s32 $0x1B8E;
	s25 =	sld [smem:$0x3FFE];
	[sflag:s5] =	ssyncadd.remote.s32 @!p0 $0x1  }
0x32: {  	s27 =	simm.s32 $execute0_lowered;
	[smem:$0x3FD2] =	sst s26  }
0x33: {  	s6 =	sshll.u32 s27, $0x1;
	_ =	strace $0x80000052;
	[dreg:$0x1] =	wrdreg $0xFFFFFFFF  }
0x34: {  	s28 =	simm.s32 $_size_execute0_lowered;
	s4 =	sadd.s32 s4, s6;
	[dreg:$0x0] =	wrdreg $0x0  }
0x35: {  	s6 =	sshll.u32 s28, $0x1;
	[dreg:$0x2] =	wrdreg s4  }
0x36: {  	[dreg:$0x3] =	wrdreg s6  }
0x37: {  	[dreg:$0x4] =	wrdreg $0xC0  }
0x38: {  	_ =	task [dreg:s23], $0x5FFFF  }
0x39: {  	[dreg:$0x1] =	wrdreg $0xFFFFFFFF  }
0x3a: {  	[dreg:$0x0] =	wrdreg $0x60  }
0x3b: {  	[dreg:$0x2] =	wrdreg s25  }
0x3c: {  	[dreg:$0x3] =	wrdreg s18  }
0x3d: {  	[dreg:$0x4] =	wrdreg $0xA  }
0x3e: {  	_ =	task.clear_ibuf [dreg:s23], $0x5FFFF;
	_ =	strace $0x90000052  }
0x3f: {  	s29 =	simm.s32 $0xA;
	_ =	strace $0x80000054  }
0x40: {  	_ =	swait.ge [sflag:s29], $0x1  }
0x41: {  	[sflag:s29] =	ssyncadd.s32 $0xFFFFFFFF  }
0x42: {  	_ =	strace $0x90000054  }
0x43: {  	_ =	sfence  }
0x44: {  	s30 =	sld [smem:$0x0];
	_ =	sdelay $0x2  }
0x45: {  	s31 =	sshll.u32 s1, $0xD;
	s1 =	sshrl.u32 s1, $0x2  }
0x46: {  	s4 =	sand.u32 $0x4000, s31;
	s1 =	sadd.s32 s1, s30  }
0x47: {  	s0 =	sor.u32 s4, s0;
	s1 =	sshll.u32 s1, $0x11  }
0x48: {  	s0 =	sor.u32 s1, s0  }
0x49: {  	s0 =	sadd.s32 $0x8F2B, s0  }
0x4a: {  	[sflag:s0] =	ssyncadd.remote.s32 $0x1  }
0x4b: {  	_ =	sfence.sel $0xFFFF  }
0x4c: {  	[dreg:$0x0] =	wrdreg $0xFFFFFFFF;
	(pc) =	sbr.abs _section_cstart, $3  }
0x4d: {  	[dreg:$0x1] =	wrdreg $0xFFFFFFFF  }
0x4e: {  	_ =	task.clear_ibuf [dreg:s23], $0x2FFFF;
	_ =	strace $0x9FFFFFFF  }
0x4f: {  	(tm) =	ssettm $0x7FFFFFFF  }
tec
execute0_lowered:
.L_overlay_start_1:
0x0: {  	(tag) =	ssettag $0x1  }
0x1: {  	s1 =	rddreg [dreg:$0x0]  }
0x2: {  	s2 =	rddreg [dreg:$0x1]  }
0x3: {  	s0 =	rddreg [dreg:$0x2];
	_ =	strace $0x80000053;
	s4 =	srdreg.scid  }
0x4: {  	s6 =	simm.s32 $0x2;
	s12 =	simm.s32 $0x0;
	p0 =	por $0x0, $0x0  }
.Ltmp0:
0x5: {  	s11 =	simm.s32 $0x0;
	s10 =	simm.s32 $0x0;
	(pc) =	sbr.rel .LBB1_1-.Ltmp0, $4  }
0x6: {  	s7 =	simm.s32 $0x0;
	s3 =	sadd.s32 $0x4400, s1;
	s5 =	sshll.u32 s4, $0x4  }
0x7: {  	s1 =	stileid.u32;
	s4 =	simm.s32 $0x1;
	s5 =	sand.u32 $0x10, s5  }
0x8: {  	s9 =	simm.s32 $0x0;
	[sflag:s4] =	ssyncpa.u1 $0x0;
	s5 =	sor.u32 s1, s5  }
0x9: {  	[sflag:s6] =	ssyncpa.u1 $0x0;
	s6 =	simm.s32 $0x0;
	s8 =	smov.u32 s5  }
.LBB1_5:
0xa: {  	s13 =	sadd.s32 $0x80, s7  }
0xb: {  	s10 =	sadd.s32 $0x20, s8;
	s14 =	smov.u32 s8;
	p2 =	sgt.s32 s13, $0xFFF  }
0xc: {  	s14 =	smov.u32 @p2 s10  }
0xd: {  	s16 =	smov.u32 s9;
	s10 =	sadd.s32 $0x80, s9;
	p3 =	sgt.s32 s14, $0x1F  }
0xe: {  	p1 =	slt.u32 s6, $0x2;
	s16 =	smov.u32 @p3 s10  }
0xf: {  	s6 =	sadd.s32 $0x1, s6;
	s13 =	simm.s32 @p2 $0x0;
	p2 =	sgt.s32 s16, $0x7F  }
0x10: {  	s16 =	simm.s32 @p2 $0x0;
	p2 =	sne.s32 s6, $0x22  }
.Ltmp1:
0x11: {  	s15 =	simm.s32 @!p1 $0x2;
	(pc) =	sbr.rel @!p2 .LBB1_6-.Ltmp1, $4  }
0x12: {  	s12 =	smov.u32 s7;
	_ =	swait.ge @!p1 [sflag:s15], $0x4000  }
0x13: {  	s11 =	smov.u32 s8;
	p0 =	por !p0, !p0;
	[sflag:s15] =	ssyncset.done @!p1 $0x0  }
0x14: {  	s7 =	smov.u32 s13;
	s14 =	smov.u32 @p3 s5;
	s10 =	smov.u32 s9  }
0x15: {  	[sflag:s15] =	ssyncadd.s32 @!p1 $0xFFFFC000;
	s8 =	smov.u32 s14;
	s9 =	smov.u32 s16  }
.LBB1_1:
0x16: {  	p1 =	sgt.u32 s6, $0x1F  }
0x17: {  	s13 =	sxor.u32 @!p1 $0xFFFFFFFF, s6;
	s14 =	sand.u32 @!p1 $0x78, s7;
	s15 =	sshll.u32 @!p1 s8, $0xC  }
0x18: {  	s16 =	sshll.u32 @!p1 s8, $0x7;
	s17 =	sshll.u32 @!p1 s7, $0x3;
	s13 =	sshll.u32 @!p1 s13, $0xE  }
0x19: {  	s15 =	sand.u32 @!p1 $0x18000, s15;
	s16 =	sand.u32 @!p1 $0x380, s16;
	s13 =	sand.u32 @!p1 $0x4000, s13  }
0x1a: {  	s15 =	sadd.s32 @!p1 s15, s17;
	s17 =	sand.u32 @!p1 $0xC00, s17;
	s14 =	sor.u32 @!p1 s16, s14  }
0x1b: {  	s16 =	sshll.u32 @!p1 s9, $0xE;
	s14 =	sor.u32 @!p1 s17, s14;
	s15 =	sshrl.u32 @!p1 s15, $0x3  }
0x1c: {  	s16 =	sadd.s32 @!p1 s3, s16;
	s17 =	sand.u32 @!p1 $0x7, s7;
	s15 =	sand.u32 @!p1 $0x3E00, s15  }
0x1d: {  	s14 =	sshrl.u32 @!p1 s14, $0x3;
	s15 =	sadd.s32 @!p1 s15, s16;
	s16 =	sshll.u32 @!p1 s17, $0x12  }
0x1e: {  	s14 =	sadd.s32 @!p1 s14, s15;
	s15 =	sor.u32 @!p1 $0x80, s16;
	s16 =	simm.s32 @!p1 $0x20000  }
0x1f: {  	[tilespmem:s13], [sflag:$0x1] =	stream.strided.gather @!p1 [hbm4b:s14+s15], $0x4000, s16, s15, $0x38;
	[tilespmem:$0x10100] =	vst v63  }
0x20: {  	p1 =	seq.s32 s6, $0x0  }
0x21: {  	p2 =	seq.s32 @!p1 s6, $0x21  }
0x22: {  	p1 =	por p1, p2  }
.Ltmp2:
0x23: {  	_ = 	snop;
	(pc) =	sbr.rel @p1 .LBB1_5-.Ltmp2, $1  }
0x24: {  	_ =	sdelay $0x3  }
0x25: {  	s13 =	simm.s32 $0x1  }
0x26: {  	_ =	swait.ge [sflag:s4], $0x4000;
	s13 =	simm.s32 @!p0 $0x0  }
0x27: {  	[sflag:s4] =	ssyncset.done $0x0;
	s14 =	sshll.u32 s13, $0xE  }
0x28: {  	[sflag:s4] =	ssyncadd.s32 $0xFFFFC000;
	s16 =	sor.u32 $0x40, s14  }
0x29: {  	s13 =	smul.u32 $0x10200, s13;
	v0 =	vld [tilespmem:s16+$0x30]  }
0x2a: {  	v3 =	vld [tilespmem:s16+$0xFFFFFFD0]  }
0x2b: {  	s13 =	sshrl.u32 s13, $0x2;
	v4 =	vld [tilespmem:s16+$0xFFFFFFE0]  }
0x2c: {  	v5 =	vld [tilespmem:s16+$0xFFFFFFF0];
	s14 =	sor.u32 $0x8000, s13  }
0x2d: {  	s31 =	sand.u32 $0x1, s6;
	v1 =	vld [tilespmem:s16+$0x0];
	s15 =	sadd.s32 $0x0, s14  }
0x2e: {  	v2 =	vld [tilespmem:s16+$0x10];
	s13 =	smul.u32 $0x10200, s31;
	[tilespmem:s15+$0x3870 ss:$0x81] =	vst.msk $0xffff, v0  }
0x2f: {  	[tilespmem:s15+$0x810 ss:$0x81] =	vst.msk $0xffff, v3;
	v3 =	vld [tilespmem:s16+$0x20]  }
0x30: {  	s13 =	sshrl.u32 s13, $0x2;
	v0 =	vld [tilespmem:s16+$0xFFFFFFC0];
	[tilespmem:s15+$0x1020 ss:$0x81] =	vst.msk $0xffff, v4;
	s16 =	sadd.s32 $0x80, s16  }
0x31: {  	s17 =	simm.s32 $0x4;
	s18 =	simm.s32 $0x8;
	s13 =	sor.u32 $0x8000, s13;
	[tilespmem:s15+$0x1830 ss:$0x81] =	vst.msk $0xffff, v5;
	v4 =	vld [tilespmem:s16+$0x30]  }
.LBB1_3:
0x32: {  	p1 =	sne.s32 s18, $0x1FC;
	v5 =	vld [tilespmem:s16+$0xFFFFFFD0];
	[tilespmem:s15+$0x2040 ss:$0x81] =	vst.msk $0xffff, v1  }
0x33: {  	v6 =	vld [tilespmem:s16+$0xFFFFFFE0];
	[tilespmem:s15+$0x2850 ss:$0x81] =	vst.msk $0xffff, v2  }
0x34: {  	s19 =	sshra.s32 s17, $0x2;
	s17 =	smov.u32 s18;
	v7 =	vld [tilespmem:s16+$0xFFFFFFF0];
	[tilespmem:s15+$0x3060 ss:$0x81] =	vst.msk $0xffff, v3  }
.Ltmp3:
0x35: {  	v1 =	vld [tilespmem:s16+$0x0];
	[tilespmem:s15+$0x0 ss:$0x81] =	vst.msk $0xffff, v0;
	s15 =	sadd.s32 s19, s14;
	(pc) =	sbr.rel @p1 .LBB1_3-.Ltmp3, $4  }
0x36: {  	v2 =	vld [tilespmem:s16+$0x10];
	[tilespmem:s15+$0x3870 ss:$0x81] =	vst.msk $0xffff, v4  }
0x37: {  	[tilespmem:s15+$0x810 ss:$0x81] =	vst.msk $0xffff, v5;
	v3 =	vld [tilespmem:s16+$0x20]  }
0x38: {  	v0 =	vld [tilespmem:s16+$0xFFFFFFC0];
	[tilespmem:s15+$0x1020 ss:$0x81] =	vst.msk $0xffff, v6;
	s16 =	sadd.s32 $0x80, s16  }
0x39: {  	s18 =	sadd.s32 $0x4, s18;
	v4 =	vld [tilespmem:s16+$0x30];
	[tilespmem:s15+$0x1830 ss:$0x81] =	vst.msk $0xffff, v7  }
0x3a: {  	v5 =	vld [tilespmem:s16+$0xFFFFFFD0];
	[tilespmem:s15+$0x2040 ss:$0x81] =	vst.msk $0xffff, v1  }
0x3b: {  	v58 =	vld [tilespmem:s16+$0xFFFFFFE0];
	[tilespmem:s15+$0x2850 ss:$0x81] =	vst.msk $0xffff, v2  }
0x3c: {  	s17 =	sshra.s32 s17, $0x2;
	v59 =	vld [tilespmem:s16+$0xFFFFFFF0];
	[tilespmem:s15+$0x3060 ss:$0x81] =	vst.msk $0xffff, v3  }
0x3d: {  	v60 =	vld [tilespmem:s16+$0x0];
	s14 =	sadd.s32 s17, s14;
	[tilespmem:s15+$0x0 ss:$0x81] =	vst.msk $0xffff, v0  }
0x3e: {  	v61 =	vld [tilespmem:s16+$0x10];
	[tilespmem:s14+$0x3870 ss:$0x81] =	vst.msk $0xffff, v4  }
0x3f: {  	v62 =	vld [tilespmem:s16+$0x20];
	s12 =	sshll.u32 s12, $0x7;
	s28 =	sshll.u32 s10, $0x3;
	[tilespmem:s14+$0x810 ss:$0x81] =	vst.msk $0xffff, v5  }
0x40: {  	v63 =	vld [tilespmem:s16+$0xFFFFFFC0];
	s29 =	sand.u32 $0x7FC00, s12;
	s15 =	sand.u32 $0x7FC00, s28;
	[tilespmem:s14+$0x1020 ss:$0x81] =	vst.msk $0xffff, v58  }
0x41: {  	s11 =	sshll.u32 s11, $0x10;
	s12 =	sand.u32 $0x380, s12;
	s15 =	sadd.s32 s15, s29;
	[tilespmem:s14+$0x1830 ss:$0x81] =	vst.msk $0xffff, v59  }
.Ltmp4:
0x42: {  	s30 =	sshrl.u32 s10, $0x3;
	[tilespmem:s14+$0x2040 ss:$0x81] =	vst.msk $0xffff, v60;
	s12 =	sor.u32 s12, s15;
	(pc) =	sbr.rel .LBB1_5-.Ltmp4, $4  }
0x43: {  	s11 =	sadd.s32 s2, s11;
	[tilespmem:s14+$0x2850 ss:$0x81] =	vst.msk $0xffff, v61;
	s15 =	sand.u32 $0xF, s30;
	s12 =	sshrl.u32 s12, $0x3  }
0x44: {  	[tilespmem:s14+$0x3060 ss:$0x81] =	vst.msk $0xffff, v62;
	s11 =	sadd.s32 s15, s11;
	s12 =	sand.u32 $0xFFF0, s12  }
0x45: {  	s31 =	sand.u32 $0x7, s10;
	[tilespmem:s14+$0x0 ss:$0x81] =	vst.msk $0xffff, v63;
	s11 =	sadd.s32 s12, s11  }
0x46: {  	[hbm4b:s11+s31] =	stream.linear.scatter [tilespmem:s13], [sflag:$0x2], $0x4000, $0x20;
	[tilespmem:$0x10100] =	vst v63  }
.LBB1_6:
0x47: {  	_ =	sfence.sel $0x180000  }
0x48: {  	s2 =	simm.s32 $0x1;
	[bflag:$0x0] =	sbarrier.arrive $0xFFFF  }
0x49: {  	s31 =	simm.s32 $0x2;
	[sflag:s2] =	ssyncpa.u1 $0x1  }
0x4a: {  	[sflag:s31] =	ssyncpa.u1 $0x1  }
0x4b: {  	p0 =	sne.s32 s1, $0x0;
	_ =	strace $0x90000053  }
0x4c: {  	s0 =	sadd.s32 @!p0 $0x100000, s0;
	[bflag:$0x2] =	sbarrier.arrive $0xFFFF  }
0x4d: {  	[sflag:s0] =	ssyncadd.tile.s32 @!p0 $0x1;
	_ =	shalt  }
.Lfunc_end1:
_tile_overlayer_lowered:
.L_overlay_start_2:
0x4e: {  	(tag) =	ssettag $0x2  }
0x4f: {  	s0 =	rddreg [dreg:$0x0];
	s2 =	stileid.u32  }
0x50: {  	s1 =	rddreg [dreg:$0x1];
	p0 =	sne.s32 s2, $0x0  }
0x51: {  	s3 =	rddreg [dreg:$0x2];
	[bflag:$0x3] =	sbarrier.arrive $0xFFFF;
	s2 =	simm.s32 @!p0 $0x1C01  }
0x52: {  	[timem:s3], [sflag:s2] =	dma.local @!p0 [hbm:s0], s1  }
0x53: {  	s0 =	simm.s32 @!p0 $0x1  }
0x54: {  	_ =	swait.ge @!p0 [sflag:s0], s1  }
0x55: {  	s1 =	ssub.s32 @!p0 $0x0, s1;
	[sflag:s0] =	ssyncset.done @!p0 $0x0  }
0x56: {  	[sflag:s0] =	ssyncadd.s32 @!p0 s1  }
0x57: {  	[bflag:$0x3] =	sbarrier.arrive $0xFFFF  }
0x58: {  	_ =	shalt  }

</sc_bundles>
